<compile_context>
chip_gen: v7x
topology: tpu7x:2x2x1
jax: 0.10.2.dev20260603
libtpu: 0.0.44.dev20260713+nightly
codegen_flags: <defaults>
</compile_context>

<pallas_src>
import functools

import jax
import jax.numpy as jnp
from jax import lax
from jax.experimental import pallas as pl
from jax.experimental.pallas import tpu as pltpu
from jax.experimental.pallas import tpu_sc as plsc

N = 10000
E = 320000
NFEAT = 128
NHID1 = 64
NC = 2
NS = 16
NW = NC * NS
EPT = E // NW
NBUF = 5
RPT = N // NS
DRAIN = 632

_f32 = jnp.float32


def _mesh():
    return plsc.VectorSubcoreMesh(core_axis_name="c", subcore_axis_name="s")


@functools.partial(
    pl.kernel,
    out_type=jax.ShapeDtypeStruct((NW, N), _f32),
    mesh=_mesh(),
    scratch_types=[
        pltpu.VMEM((EPT,), jnp.int32),
        pltpu.VMEM((N,), _f32),
    ],
    compiler_params=pltpu.CompilerParams(
        needs_layout_passes=False, use_tc_tiling_on_sc=False),
)
def _deg_kernel(dst_hbm, zeros_hbm, out_hbm, dst_v, hist_v):
    cid = lax.axis_index("c")
    sid = lax.axis_index("s")
    wid = cid * NS + sid
    pltpu.sync_copy(dst_hbm.at[wid], dst_v)
    pltpu.sync_copy(zeros_hbm, hist_v)
    ones = jnp.full((16,), 1.0, _f32)

    def body(k, carry):
        idx = dst_v[pl.ds(k * 16, 16)]
        plsc.addupdate_scatter(hist_v, [idx], ones)
        return carry

    lax.fori_loop(0, EPT // 16, body, 0)
    pltpu.sync_copy(hist_v, out_hbm.at[wid])


def _make_prop(F):
    CHUNK = 80
    NCHUNK = EPT // CHUNK

    @functools.partial(
        pl.kernel,
        out_type=jax.ShapeDtypeStruct((NC, N, F), _f32),
        mesh=_mesh(),
        scratch_types=[
            pltpu.VMEM((NCHUNK, CHUNK), jnp.int32),
            pltpu.VMEM((NCHUNK, CHUNK), jnp.int32),
            pltpu.VMEM((2, CHUNK, F), _f32),
            pltpu.VMEM_SHARED((N, F), _f32),
            pltpu.SemaphoreType.DMA,
            pltpu.SemaphoreType.DMA,
            pltpu.SemaphoreType.DMA,
            pltpu.SemaphoreType.DMA,
        ],
        compiler_params=pltpu.CompilerParams(use_tc_tiling_on_sc=False),
    )
    def prop(g_hbm, src_hbm, dst_hbm, zeros_hbm, out_hbm,
             si_v, di_v, rows_v, acc_s, sem0, sem1, sem2, sem3):
        cid = lax.axis_index("c")
        sid = lax.axis_index("s")
        wid = cid * NS + sid
        pltpu.sync_copy(src_hbm.at[wid], si_v)
        pltpu.sync_copy(dst_hbm.at[wid], di_v)
        start = pl.multiple_of((sid * RPT) // 8 * 8, 8)
        pltpu.sync_copy(zeros_hbm, acc_s.at[pl.ds(start, DRAIN)])
        plsc.subcore_barrier()

        gsems = (sem0, sem1)
        ssems = (sem2, sem3)

        def gather(k, b):
            pltpu.async_copy(g_hbm.at[si_v.at[k]], rows_v.at[b], gsems[b])

        def gather_wait(k, b):
            pltpu.make_async_copy(g_hbm.at[si_v.at[k]], rows_v.at[b],
                                  gsems[b]).wait()

        def scatter(k, b):
            pltpu.async_copy(rows_v.at[b], acc_s.at[di_v.at[k]], ssems[b],
                             add=True)

        def scatter_wait(k, b):
            pltpu.make_async_copy(rows_v.at[b], acc_s.at[di_v.at[k]],
                                  ssems[b]).wait()

        gather(0, 0)

        def group(o, carry):
            for j in range(2):
                k = o * 2 + j
                if j == 0:
                    @pl.when(o >= 1)
                    def _():
                        scatter_wait(k - 1, 1)
                else:
                    scatter_wait(k - 1, 0)
                gather(k + 1, 1 - j)
                gather_wait(k, j)
                scatter(k, j)
            return carry

        lax.fori_loop(0, NCHUNK // 2, group, 0)
        gather_wait(NCHUNK - 1, 0)
        scatter_wait(NCHUNK - 2, 1)
        pltpu.sync_copy(rows_v.at[0], acc_s.at[di_v.at[NCHUNK - 1]], add=True)
        plsc.subcore_barrier()
        pltpu.sync_copy(acc_s.at[pl.ds(start, DRAIN)],
                        out_hbm.at[cid, pl.ds(start, DRAIN)])

    return prop


_PROP = {F: _make_prop(F) for F in (32, 64, 128)}


def _dinv_from_partials(degs):

    def body(d_ref, o_ref):
        o_ref[...] = lax.rsqrt(1.0 + jnp.sum(d_ref[...], axis=0, keepdims=True))

    row = pl.pallas_call(
        body,
        out_shape=jax.ShapeDtypeStruct((1, N), _f32),
    )(degs)
    return row.reshape(N, 1)


def _mm_scale(x, w, dinv):
    bm = 2000
    fin, f = w.shape

    def body(x_ref, w_ref, d_ref, o_ref):
        o_ref[...] = d_ref[...] * jnp.dot(
            x_ref[...], w_ref[...], preferred_element_type=_f32)

    return pl.pallas_call(
        body,
        grid=(N // bm,),
        in_specs=[
            pl.BlockSpec((bm, fin), lambda i: (i, 0)),
            pl.BlockSpec((fin, f), lambda i: (0, 0)),
            pl.BlockSpec((bm, 1), lambda i: (i, 0)),
        ],
        out_specs=pl.BlockSpec((bm, f), lambda i: (i, 0)),
        out_shape=jax.ShapeDtypeStruct((N, f), _f32),
    )(x, w, dinv)


def _combine(s, g, dinv):
    bm = 2000
    f = g.shape[1]

    def body(s_ref, g_ref, d_ref, o_ref):
        t = s_ref[0] + s_ref[1] + g_ref[...]
        o_ref[...] = jnp.maximum(d_ref[...] * t, 0.0)

    return pl.pallas_call(
        body,
        grid=(N // bm,),
        in_specs=[
            pl.BlockSpec((NC, bm, f), lambda i: (0, i, 0)),
            pl.BlockSpec((bm, f), lambda i: (i, 0)),
            pl.BlockSpec((bm, 1), lambda i: (i, 0)),
        ],
        out_specs=pl.BlockSpec((bm, f), lambda i: (i, 0)),
        out_shape=jax.ShapeDtypeStruct((N, f), _f32),
    )(s, g, dinv)


def _gram_sigmoid(a, fsub):
    bm = 200
    f = a.shape[1]

    def body(a_ref, b_ref, o_ref):
        y = lax.dot_general(a_ref[:, :fsub], b_ref[:, :fsub],
                            (((1,), (1,)), ((), ())),
                            preferred_element_type=_f32)
        o_ref[...] = jax.nn.sigmoid(y)

    return pl.pallas_call(
        body,
        grid=(N // bm,),
        in_specs=[
            pl.BlockSpec((bm, f), lambda i: (i, 0)),
            pl.BlockSpec((N, f), lambda i: (0, 0)),
        ],
        out_specs=pl.BlockSpec((bm, N), lambda i: (i, 0)),
        out_shape=jax.ShapeDtypeStruct((N, N), _f32),
        compiler_params=pltpu.CompilerParams(
            dimension_semantics=("arbitrary",)),
    )(a, a)


def kernel(X, W_enc1, W_enc2, W_str1, W_att1, W_att2, edge_index):
    dst2 = edge_index[1].reshape(NW, EPT)
    zeros_n = jnp.zeros((N,), _f32)

    degs = _deg_kernel(dst2, zeros_n)
    dinv = _dinv_from_partials(degs)

    def layer(x, w):
        f = w.shape[1]
        ch = 80
        src3 = edge_index[0].reshape(NW, EPT // ch, ch)
        dst3 = edge_index[1].reshape(NW, EPT // ch, ch)
        g = _mm_scale(x, w, dinv)
        s = _PROP[f](g, src3, dst3, jnp.zeros((DRAIN, f), _f32))
        return _combine(s, g, dinv)

    h = layer(X, W_enc1)
    h = layer(h, W_enc2)
    w34 = jnp.concatenate([W_str1, W_att1], axis=1)
    h34 = layer(h, w34)
    w5 = jnp.concatenate([jnp.zeros((NHID1, NFEAT), _f32), W_att2], axis=0)
    att = layer(h34, w5)
    A = _gram_sigmoid(h34, NHID1)
    return (att, A)

# --- scband reference (transcript-rebuilt; emitter-appended) ---
"""Pipeline reference for scband-net2-39728447488357 (READ-ONLY COPY).

The authoritative reference and input builder live on the scoring server;
editing this copy changes nothing except your own understanding.
"""

import jax, jax.numpy as jnp
import numpy as np

N = 10000
E = 320000
NFEAT = 128
NHID1 = 64
NHID2 = 32


def setup_inputs(seed: int = 0) -> dict:
    key = jax.random.key(seed)
    ks = jax.random.split(key, 8)
    X = jax.random.normal(ks[0], (N, NFEAT), dtype=jnp.float32)
    edge_index = jax.random.randint(ks[1], (2, E), 0, N, dtype=jnp.int32)

    def glorot(k, fan_in, fan_out):
        return jax.random.normal(k, (fan_in, fan_out), dtype=jnp.float32) * (1.0 / np.sqrt(fan_in))

    W_enc1 = glorot(ks[2], NFEAT, NHID1)
    W_enc2 = glorot(ks[3], NHID1, NHID2)
    W_str1 = glorot(ks[4], NHID2, NHID1)
    W_att1 = glorot(ks[5], NHID2, NHID1)
    W_att2 = glorot(ks[6], NHID1, NFEAT)
    return {
        "X": X,
        "W_enc1": W_enc1,
        "W_enc2": W_enc2,
        "W_str1": W_str1,
        "W_att1": W_att1,
        "W_att2": W_att2,
        "edge_index": edge_index,
    }


def reference(X, W_enc1, W_enc2, W_str1, W_att1, W_att2, edge_index):
    n = X.shape[0]
    # Normalized adjacency A_hat = D^-1/2 (A + I) D^-1/2, applied sparsely.
    loop = jnp.arange(n, dtype=edge_index.dtype)
    src = jnp.concatenate([edge_index[0], loop])
    dst = jnp.concatenate([edge_index[1], loop])
    deg = jax.ops.segment_sum(jnp.ones_like(src, dtype=X.dtype), dst, num_segments=n)
    dinv = jax.lax.rsqrt(jnp.maximum(deg, 1.0))
    norm = dinv[src] * dinv[dst]

    def gcn(x, W):
        h = x @ W
        msg = h[src] * norm[:, None]
        return jax.ops.segment_sum(msg, dst, num_segments=n)

    H = jax.nn.relu(gcn(X, W_enc1))
    H = jax.nn.relu(gcn(H, W_enc2))
    A = jax.nn.relu(gcn(H, W_str1))
    A = jax.nn.sigmoid(A @ A.T)
    Att = jax.nn.relu(gcn(H, W_att1))
    Att = jax.nn.relu(gcn(Att, W_att2))
    return (Att, A)

if __name__ == "__main__":
    import jax
    _d = setup_inputs()
    print(jax.jit(kernel)(*tuple(_d.values())))

</pallas_src>

<mosaic_0001>
#map = affine_map<(d0, d1) -> (0, 0)>
#map1 = affine_map<(d0, d1) -> (0, 0, 0)>
module attributes {stable_mosaic.version = 14 : i64} {
  func.func @prop(%arg0: i32, %arg1: i32, %arg2: memref<10000x64xf32, #tpu.memory_space<hbm>>, %arg3: memref<32x125x80xi32, #tpu.memory_space<hbm>>, %arg4: memref<32x125x80xi32, #tpu.memory_space<hbm>>, %arg5: memref<632x64xf32, #tpu.memory_space<hbm>>, %arg6: memref<2x10000x64xf32, #tpu.memory_space<hbm>>, %arg7: memref<125x80xi32, #tpu.memory_space<vmem>>, %arg8: memref<125x80xi32, #tpu.memory_space<vmem>>, %arg9: memref<2x80x64xf32, #tpu.memory_space<vmem>>, %arg10: memref<10000x64xf32, #tpu.memory_space<vmem_shared>>, %arg11: memref<!tpu.dma_semaphore, #tpu.memory_space<semaphore_mem>>, %arg12: memref<!tpu.dma_semaphore, #tpu.memory_space<semaphore_mem>>, %arg13: memref<!tpu.dma_semaphore, #tpu.memory_space<semaphore_mem>>, %arg14: memref<!tpu.dma_semaphore, #tpu.memory_space<semaphore_mem>>) attributes {dimension_semantics = [#tpu.dimension_semantics<core_parallel>, #tpu.dimension_semantics<subcore_parallel>], iteration_bounds = array<i64: 2, 16>, scalar_prefetch = 0 : i64, scratch_operands = 8 : i64, tpu.core_type = #tpu.core_type<sc_vector_subcore>, window_params = [{transform_indices = #map}, {transform_indices = #map1}, {transform_indices = #map1}, {transform_indices = #map}, {transform_indices = #map1}]} {
    %mul3A = arith.constant 16 : i32
    %mul3A_0 = arith.muli %arg0, %mul3A : i32
    %add3A = arith.addi %mul3A_0, %arg1 : i32
    "tpu.region"() ({
      %run_scoped3A_62 = tpu.sem_alloc : memref<!tpu.dma_semaphore, #tpu.memory_space<semaphore_mem>>
      %dma_start3A_63 = arith.constant 0 : i32
      %dma_start3A_64 = arith.constant 0 : i32
      %dma_start3A_65 = tpu.memref_slice %arg3[%add3A, %dma_start3A_63, %dma_start3A_64] : memref<32x125x80xi32, #tpu.memory_space<hbm>> -> memref<1x125x80xi32, #tpu.memory_space<hbm>>
      %dma_start3A_66 = tpu.memref_squeeze %dma_start3A_65 : memref<1x125x80xi32, #tpu.memory_space<hbm>> -> memref<125x80xi32, #tpu.memory_space<hbm>>
      %dma_start3A_67 = arith.constant 0 : i32
      %dma_start3A_68 = arith.constant 0 : i32
      %dma_start3A_69 = tpu.memref_slice %arg3[%add3A, %dma_start3A_67, %dma_start3A_68] : memref<32x125x80xi32, #tpu.memory_space<hbm>> -> memref<1x125x80xi32, #tpu.memory_space<hbm>>
      %dma_start3A_70 = tpu.memref_squeeze %dma_start3A_69 : memref<1x125x80xi32, #tpu.memory_space<hbm>> -> memref<125x80xi32, #tpu.memory_space<hbm>>
      tpu.enqueue_dma source(%dma_start3A_70 : memref<125x80xi32, #tpu.memory_space<hbm>>) target(%arg7 : memref<125x80xi32, #tpu.memory_space<vmem>>) target_semaphore(%run_scoped3A_62 : memref<!tpu.dma_semaphore, #tpu.memory_space<semaphore_mem>>)
      %dma_wait3A_71 = arith.constant 0 : i32
      %dma_wait3A_72 = arith.constant 0 : i32
      %dma_wait3A_73 = tpu.memref_slice %arg3[%add3A, %dma_wait3A_71, %dma_wait3A_72] : memref<32x125x80xi32, #tpu.memory_space<hbm>> -> memref<1x125x80xi32, #tpu.memory_space<hbm>>
      %dma_wait3A_74 = tpu.memref_squeeze %dma_wait3A_73 : memref<1x125x80xi32, #tpu.memory_space<hbm>> -> memref<125x80xi32, #tpu.memory_space<hbm>>
      %dma_wait3A_75 = arith.constant 0 : i32
      %dma_wait3A_76 = arith.constant 0 : i32
      %dma_wait3A_77 = tpu.memref_slice %arg3[%add3A, %dma_wait3A_75, %dma_wait3A_76] : memref<32x125x80xi32, #tpu.memory_space<hbm>> -> memref<1x125x80xi32, #tpu.memory_space<hbm>>
      %dma_wait3A_78 = tpu.memref_squeeze %dma_wait3A_77 : memref<1x125x80xi32, #tpu.memory_space<hbm>> -> memref<125x80xi32, #tpu.memory_space<hbm>>
      tpu.wait_dma2 semaphore(%run_scoped3A_62 : memref<!tpu.dma_semaphore, #tpu.memory_space<semaphore_mem>>) src(%dma_wait3A_78 : memref<125x80xi32, #tpu.memory_space<hbm>>) dst(%arg7 : memref<125x80xi32, #tpu.memory_space<vmem>>)
      tpu.yield
    }) : () -> ()
    "tpu.region"() ({
      %run_scoped3A_62 = tpu.sem_alloc : memref<!tpu.dma_semaphore, #tpu.memory_space<semaphore_mem>>
      %dma_start3A_63 = arith.constant 0 : i32
      %dma_start3A_64 = arith.constant 0 : i32
      %dma_start3A_65 = tpu.memref_slice %arg4[%add3A, %dma_start3A_63, %dma_start3A_64] : memref<32x125x80xi32, #tpu.memory_space<hbm>> -> memref<1x125x80xi32, #tpu.memory_space<hbm>>
      %dma_start3A_66 = tpu.memref_squeeze %dma_start3A_65 : memref<1x125x80xi32, #tpu.memory_space<hbm>> -> memref<125x80xi32, #tpu.memory_space<hbm>>
      %dma_start3A_67 = arith.constant 0 : i32
      %dma_start3A_68 = arith.constant 0 : i32
      %dma_start3A_69 = tpu.memref_slice %arg4[%add3A, %dma_start3A_67, %dma_start3A_68] : memref<32x125x80xi32, #tpu.memory_space<hbm>> -> memref<1x125x80xi32, #tpu.memory_space<hbm>>
      %dma_start3A_70 = tpu.memref_squeeze %dma_start3A_69 : memref<1x125x80xi32, #tpu.memory_space<hbm>> -> memref<125x80xi32, #tpu.memory_space<hbm>>
      tpu.enqueue_dma source(%dma_start3A_70 : memref<125x80xi32, #tpu.memory_space<hbm>>) target(%arg8 : memref<125x80xi32, #tpu.memory_space<vmem>>) target_semaphore(%run_scoped3A_62 : memref<!tpu.dma_semaphore, #tpu.memory_space<semaphore_mem>>)
      %dma_wait3A_71 = arith.constant 0 : i32
      %dma_wait3A_72 = arith.constant 0 : i32
      %dma_wait3A_73 = tpu.memref_slice %arg4[%add3A, %dma_wait3A_71, %dma_wait3A_72] : memref<32x125x80xi32, #tpu.memory_space<hbm>> -> memref<1x125x80xi32, #tpu.memory_space<hbm>>
      %dma_wait3A_74 = tpu.memref_squeeze %dma_wait3A_73 : memref<1x125x80xi32, #tpu.memory_space<hbm>> -> memref<125x80xi32, #tpu.memory_space<hbm>>
      %dma_wait3A_75 = arith.constant 0 : i32
      %dma_wait3A_76 = arith.constant 0 : i32
      %dma_wait3A_77 = tpu.memref_slice %arg4[%add3A, %dma_wait3A_75, %dma_wait3A_76] : memref<32x125x80xi32, #tpu.memory_space<hbm>> -> memref<1x125x80xi32, #tpu.memory_space<hbm>>
      %dma_wait3A_78 = tpu.memref_squeeze %dma_wait3A_77 : memref<1x125x80xi32, #tpu.memory_space<hbm>> -> memref<125x80xi32, #tpu.memory_space<hbm>>
      tpu.wait_dma2 semaphore(%run_scoped3A_62 : memref<!tpu.dma_semaphore, #tpu.memory_space<semaphore_mem>>) src(%dma_wait3A_78 : memref<125x80xi32, #tpu.memory_space<hbm>>) dst(%arg8 : memref<125x80xi32, #tpu.memory_space<vmem>>)
      tpu.yield
    }) : () -> ()
    %mul3A_1 = arith.constant 625 : i32
    %mul3A_2 = arith.muli %arg1, %mul3A_1 : i32
    %jit3A = arith.constant 8 : i32
    %div3A = arith.divsi %mul3A_2, %jit3A : i32
    %sign3A = arith.constant 0 : i32
    %sign3A_3 = arith.cmpi sgt, %mul3A_2, %sign3A : i32
    %sign3A_4 = arith.extui %sign3A_3 : i1 to i32
    %sign3A_5 = arith.constant 0 : i32
    %sign3A_6 = arith.cmpi slt, %mul3A_2, %sign3A_5 : i32
    %sign3A_7 = arith.extui %sign3A_6 : i1 to i32
    %sign3A_8 = arith.subi %sign3A_4, %sign3A_7 : i32
    %sign3A_9 = arith.constant 0 : i32
    %sign3A_10 = arith.cmpi sgt, %jit3A, %sign3A_9 : i32
    %sign3A_11 = arith.extui %sign3A_10 : i1 to i32
    %sign3A_12 = arith.constant 0 : i32
    %sign3A_13 = arith.cmpi slt, %jit3A, %sign3A_12 : i32
    %sign3A_14 = arith.extui %sign3A_13 : i1 to i32
    %sign3A_15 = arith.subi %sign3A_11, %sign3A_14 : i32
    %ne3A = arith.cmpi ne, %sign3A_8, %sign3A_15 : i32
    %rem3A = arith.remsi %mul3A_2, %jit3A : i32
    %ne3A_16 = arith.constant 0 : i32
    %ne3A_17 = arith.cmpi ne, %rem3A, %ne3A_16 : i32
    %and3A = arith.andi %ne3A, %ne3A_17 : i1
    %sub3A = arith.constant 1 : i32
    %sub3A_18 = arith.subi %div3A, %sub3A : i32
    %select_n3A = arith.select %and3A, %sub3A_18, %div3A : i32
    %mul3A_19 = arith.constant 8 : i32
    %mul3A_20 = arith.muli %select_n3A, %mul3A_19 : i32
    %multiple_of3A = tpu.assume_multiple %mul3A_20, 8 : i32
    "tpu.region"() ({
      %run_scoped3A_62 = tpu.sem_alloc : memref<!tpu.dma_semaphore, #tpu.memory_space<semaphore_mem>>
      %dma_start3A_63 = arith.constant 0 : i32
      %dma_start3A_64 = tpu.memref_slice %arg10[%multiple_of3A, %dma_start3A_63] : memref<10000x64xf32, #tpu.memory_space<vmem_shared>> -> memref<632x64xf32, #tpu.memory_space<vmem_shared>>
      tpu.enqueue_dma source(%arg5 : memref<632x64xf32, #tpu.memory_space<hbm>>) target(%dma_start3A_64 : memref<632x64xf32, #tpu.memory_space<vmem_shared>>) target_semaphore(%run_scoped3A_62 : memref<!tpu.dma_semaphore, #tpu.memory_space<semaphore_mem>>)
      %dma_wait3A_65 = arith.constant 0 : i32
      %dma_wait3A_66 = tpu.memref_slice %arg10[%multiple_of3A, %dma_wait3A_65] : memref<10000x64xf32, #tpu.memory_space<vmem_shared>> -> memref<632x64xf32, #tpu.memory_space<vmem_shared>>
      tpu.wait_dma2 semaphore(%run_scoped3A_62 : memref<!tpu.dma_semaphore, #tpu.memory_space<semaphore_mem>>) src(%arg5 : memref<632x64xf32, #tpu.memory_space<hbm>>) dst(%dma_wait3A_66 : memref<632x64xf32, #tpu.memory_space<vmem_shared>>)
      tpu.yield
    }) : () -> ()
    %barrier3A = arith.constant 0 : index
    tpu.barrier barrier_id(%barrier3A)
    %dma_start3A = arith.constant 0 : i32
    %dma_start3A_21 = arith.constant 0 : i32
    %dma_start3A_22 = arith.constant 0 : i32
    %dma_start3A_23 = arith.constant 0 : i32
    %dma_start3A_24 = tpu.memref_slice %arg9[%dma_start3A_21, %dma_start3A_22, %dma_start3A_23] : memref<2x80x64xf32, #tpu.memory_space<vmem>> -> memref<1x80x64xf32, #tpu.memory_space<vmem>>
    %dma_start3A_25 = tpu.memref_squeeze %dma_start3A_24 : memref<1x80x64xf32, #tpu.memory_space<vmem>> -> memref<80x64xf32, #tpu.memory_space<vmem>>
    %dma_start3A_26 = arith.constant 0 : i32
    %dma_start3A_27 = tpu.memref_slice %arg7[%dma_start3A, %dma_start3A_26] : memref<125x80xi32, #tpu.memory_space<vmem>> -> memref<1x80xi32, #tpu.memory_space<vmem>>
    %dma_start3A_28 = tpu.memref_squeeze %dma_start3A_27 : memref<1x80xi32, #tpu.memory_space<vmem>> -> memref<80xi32, #tpu.memory_space<vmem>>
    %dma_start3A_29 = arith.constant 0 : i32
    %dma_start3A_30 = arith.constant 0 : i32
    %dma_start3A_31 = tpu.memref_slice %arg2[%dma_start3A_29, %dma_start3A_30] : memref<10000x64xf32, #tpu.memory_space<hbm>> -> memref<10000x64xf32, #tpu.memory_space<hbm>>
    tpu.enqueue_indirect_dma source(%dma_start3A_31 : memref<10000x64xf32, #tpu.memory_space<hbm>>) target(%dma_start3A_25 : memref<80x64xf32, #tpu.memory_space<vmem>>) offsets(%dma_start3A_28 : memref<80xi32, #tpu.memory_space<vmem>>) semaphore(%arg11 : memref<!tpu.dma_semaphore, #tpu.memory_space<semaphore_mem>>)
    %scan3A = arith.constant 0 : i32
    %scan3A_32 = arith.constant 0 : i32
    %scan3A_33 = arith.constant 62 : i32
    %scan3A_34 = arith.addi %scan3A_32, %scan3A_33 : i32
    %scan3A_35 = arith.constant 1 : i32
    scf.for %scan3A_62 = %scan3A_32 to %scan3A_34 step %scan3A_35  : i32 {
      %mul3A_63 = arith.constant 2 : i32
      %mul3A_64 = arith.muli %scan3A_62, %mul3A_63 : i32
      %add3A_65 = arith.constant 0 : i32
      %add3A_66 = arith.addi %mul3A_64, %add3A_65 : i32
      %ge3A = arith.constant 1 : i32
      %ge3A_67 = arith.cmpi sge, %scan3A_62, %ge3A : i32
      %convert_element_type3A = arith.extui %ge3A_67 : i1 to i32
      %cond3A = arith.constant 0 : i32
      %cond3A_68 = arith.cmpi ne, %convert_element_type3A, %cond3A : i32
      scf.if %cond3A_68 {
        %sub3A_156 = arith.constant 1 : i32
        %sub3A_157 = arith.subi %add3A_66, %sub3A_156 : i32
        %dma_wait3A_158 = arith.constant 1 : i32
        %dma_wait3A_159 = arith.constant 0 : i32
        %dma_wait3A_160 = arith.constant 0 : i32
        %dma_wait3A_161 = tpu.memref_slice %arg9[%dma_wait3A_158, %dma_wait3A_159, %dma_wait3A_160] : memref<2x80x64xf32, #tpu.memory_space<vmem>> -> memref<1x80x64xf32, #tpu.memory_space<vmem>>
        %dma_wait3A_162 = tpu.memref_squeeze %dma_wait3A_161 : memref<1x80x64xf32, #tpu.memory_space<vmem>> -> memref<80x64xf32, #tpu.memory_space<vmem>>
        %dma_wait3A_163 = arith.constant 0 : i32
        %dma_wait3A_164 = tpu.memref_slice %arg8[%sub3A_157, %dma_wait3A_163] : memref<125x80xi32, #tpu.memory_space<vmem>> -> memref<1x80xi32, #tpu.memory_space<vmem>>
        %dma_wait3A_165 = tpu.memref_squeeze %dma_wait3A_164 : memref<1x80xi32, #tpu.memory_space<vmem>> -> memref<80xi32, #tpu.memory_space<vmem>>
        %dma_wait3A_166 = arith.constant 0 : i32
        %dma_wait3A_167 = arith.constant 0 : i32
        %dma_wait3A_168 = tpu.memref_slice %arg10[%dma_wait3A_166, %dma_wait3A_167] : memref<10000x64xf32, #tpu.memory_space<vmem_shared>> -> memref<10000x64xf32, #tpu.memory_space<vmem_shared>>
        tpu.wait_indirect_dma semaphore(%arg14 : memref<!tpu.dma_semaphore, #tpu.memory_space<semaphore_mem>>) src(%dma_wait3A_162 : memref<80x64xf32, #tpu.memory_space<vmem>>) dst(%dma_wait3A_168 : memref<10000x64xf32, #tpu.memory_space<vmem_shared>>)
      } else {
      }
      %add3A_69 = arith.constant 1 : i32
      %add3A_70 = arith.addi %add3A_66, %add3A_69 : i32
      %dma_start3A_71 = arith.constant 1 : i32
      %dma_start3A_72 = arith.constant 0 : i32
      %dma_start3A_73 = arith.constant 0 : i32
      %dma_start3A_74 = tpu.memref_slice %arg9[%dma_start3A_71, %dma_start3A_72, %dma_start3A_73] : memref<2x80x64xf32, #tpu.memory_space<vmem>> -> memref<1x80x64xf32, #tpu.memory_space<vmem>>
      %dma_start3A_75 = tpu.memref_squeeze %dma_start3A_74 : memref<1x80x64xf32, #tpu.memory_space<vmem>> -> memref<80x64xf32, #tpu.memory_space<vmem>>
      %dma_start3A_76 = arith.constant 0 : i32
      %dma_start3A_77 = tpu.memref_slice %arg7[%add3A_70, %dma_start3A_76] : memref<125x80xi32, #tpu.memory_space<vmem>> -> memref<1x80xi32, #tpu.memory_space<vmem>>
      %dma_start3A_78 = tpu.memref_squeeze %dma_start3A_77 : memref<1x80xi32, #tpu.memory_space<vmem>> -> memref<80xi32, #tpu.memory_space<vmem>>
      %dma_start3A_79 = arith.constant 0 : i32
      %dma_start3A_80 = arith.constant 0 : i32
      %dma_start3A_81 = tpu.memref_slice %arg2[%dma_start3A_79, %dma_start3A_80] : memref<10000x64xf32, #tpu.memory_space<hbm>> -> memref<10000x64xf32, #tpu.memory_space<hbm>>
      tpu.enqueue_indirect_dma source(%dma_start3A_81 : memref<10000x64xf32, #tpu.memory_space<hbm>>) target(%dma_start3A_75 : memref<80x64xf32, #tpu.memory_space<vmem>>) offsets(%dma_start3A_78 : memref<80xi32, #tpu.memory_space<vmem>>) semaphore(%arg12 : memref<!tpu.dma_semaphore, #tpu.memory_space<semaphore_mem>>)
      %dma_wait3A_82 = arith.constant 0 : i32
      %dma_wait3A_83 = arith.constant 0 : i32
      %dma_wait3A_84 = arith.constant 0 : i32
      %dma_wait3A_85 = tpu.memref_slice %arg9[%dma_wait3A_82, %dma_wait3A_83, %dma_wait3A_84] : memref<2x80x64xf32, #tpu.memory_space<vmem>> -> memref<1x80x64xf32, #tpu.memory_space<vmem>>
      %dma_wait3A_86 = tpu.memref_squeeze %dma_wait3A_85 : memref<1x80x64xf32, #tpu.memory_space<vmem>> -> memref<80x64xf32, #tpu.memory_space<vmem>>
      %dma_wait3A_87 = arith.constant 0 : i32
      %dma_wait3A_88 = tpu.memref_slice %arg7[%add3A_66, %dma_wait3A_87] : memref<125x80xi32, #tpu.memory_space<vmem>> -> memref<1x80xi32, #tpu.memory_space<vmem>>
      %dma_wait3A_89 = tpu.memref_squeeze %dma_wait3A_88 : memref<1x80xi32, #tpu.memory_space<vmem>> -> memref<80xi32, #tpu.memory_space<vmem>>
      %dma_wait3A_90 = arith.constant 0 : i32
      %dma_wait3A_91 = arith.constant 0 : i32
      %dma_wait3A_92 = tpu.memref_slice %arg2[%dma_wait3A_90, %dma_wait3A_91] : memref<10000x64xf32, #tpu.memory_space<hbm>> -> memref<10000x64xf32, #tpu.memory_space<hbm>>
      tpu.wait_indirect_dma semaphore(%arg11 : memref<!tpu.dma_semaphore, #tpu.memory_space<semaphore_mem>>) src(%dma_wait3A_92 : memref<10000x64xf32, #tpu.memory_space<hbm>>) dst(%dma_wait3A_86 : memref<80x64xf32, #tpu.memory_space<vmem>>)
      %dma_start3A_93 = arith.constant 0 : i32
      %dma_start3A_94 = arith.constant 0 : i32
      %dma_start3A_95 = arith.constant 0 : i32
      %dma_start3A_96 = tpu.memref_slice %arg9[%dma_start3A_93, %dma_start3A_94, %dma_start3A_95] : memref<2x80x64xf32, #tpu.memory_space<vmem>> -> memref<1x80x64xf32, #tpu.memory_space<vmem>>
      %dma_start3A_97 = tpu.memref_squeeze %dma_start3A_96 : memref<1x80x64xf32, #tpu.memory_space<vmem>> -> memref<80x64xf32, #tpu.memory_space<vmem>>
      %dma_start3A_98 = arith.constant 0 : i32
      %dma_start3A_99 = tpu.memref_slice %arg8[%add3A_66, %dma_start3A_98] : memref<125x80xi32, #tpu.memory_space<vmem>> -> memref<1x80xi32, #tpu.memory_space<vmem>>
      %dma_start3A_100 = tpu.memref_squeeze %dma_start3A_99 : memref<1x80xi32, #tpu.memory_space<vmem>> -> memref<80xi32, #tpu.memory_space<vmem>>
      %dma_start3A_101 = arith.constant 0 : i32
      %dma_start3A_102 = arith.constant 0 : i32
      %dma_start3A_103 = tpu.memref_slice %arg10[%dma_start3A_101, %dma_start3A_102] : memref<10000x64xf32, #tpu.memory_space<vmem_shared>> -> memref<10000x64xf32, #tpu.memory_space<vmem_shared>>
      tpu.enqueue_indirect_dma source(%dma_start3A_97 : memref<80x64xf32, #tpu.memory_space<vmem>>) target(%dma_start3A_103 : memref<10000x64xf32, #tpu.memory_space<vmem_shared>>) offsets(%dma_start3A_100 : memref<80xi32, #tpu.memory_space<vmem>>) semaphore(%arg13 : memref<!tpu.dma_semaphore, #tpu.memory_space<semaphore_mem>>) {add = true}
      %mul3A_104 = arith.constant 2 : i32
      %mul3A_105 = arith.muli %scan3A_62, %mul3A_104 : i32
      %add3A_106 = arith.constant 1 : i32
      %add3A_107 = arith.addi %mul3A_105, %add3A_106 : i32
      %sub3A_108 = arith.constant 1 : i32
      %sub3A_109 = arith.subi %add3A_107, %sub3A_108 : i32
      %dma_wait3A_110 = arith.constant 0 : i32
      %dma_wait3A_111 = arith.constant 0 : i32
      %dma_wait3A_112 = arith.constant 0 : i32
      %dma_wait3A_113 = tpu.memref_slice %arg9[%dma_wait3A_110, %dma_wait3A_111, %dma_wait3A_112] : memref<2x80x64xf32, #tpu.memory_space<vmem>> -> memref<1x80x64xf32, #tpu.memory_space<vmem>>
      %dma_wait3A_114 = tpu.memref_squeeze %dma_wait3A_113 : memref<1x80x64xf32, #tpu.memory_space<vmem>> -> memref<80x64xf32, #tpu.memory_space<vmem>>
      %dma_wait3A_115 = arith.constant 0 : i32
      %dma_wait3A_116 = tpu.memref_slice %arg8[%sub3A_109, %dma_wait3A_115] : memref<125x80xi32, #tpu.memory_space<vmem>> -> memref<1x80xi32, #tpu.memory_space<vmem>>
      %dma_wait3A_117 = tpu.memref_squeeze %dma_wait3A_116 : memref<1x80xi32, #tpu.memory_space<vmem>> -> memref<80xi32, #tpu.memory_space<vmem>>
      %dma_wait3A_118 = arith.constant 0 : i32
      %dma_wait3A_119 = arith.constant 0 : i32
      %dma_wait3A_120 = tpu.memref_slice %arg10[%dma_wait3A_118, %dma_wait3A_119] : memref<10000x64xf32, #tpu.memory_space<vmem_shared>> -> memref<10000x64xf32, #tpu.memory_space<vmem_shared>>
      tpu.wait_indirect_dma semaphore(%arg13 : memref<!tpu.dma_semaphore, #tpu.memory_space<semaphore_mem>>) src(%dma_wait3A_114 : memref<80x64xf32, #tpu.memory_space<vmem>>) dst(%dma_wait3A_120 : memref<10000x64xf32, #tpu.memory_space<vmem_shared>>)
      %add3A_121 = arith.constant 1 : i32
      %add3A_122 = arith.addi %add3A_107, %add3A_121 : i32
      %dma_start3A_123 = arith.constant 0 : i32
      %dma_start3A_124 = arith.constant 0 : i32
      %dma_start3A_125 = arith.constant 0 : i32
      %dma_start3A_126 = tpu.memref_slice %arg9[%dma_start3A_123, %dma_start3A_124, %dma_start3A_125] : memref<2x80x64xf32, #tpu.memory_space<vmem>> -> memref<1x80x64xf32, #tpu.memory_space<vmem>>
      %dma_start3A_127 = tpu.memref_squeeze %dma_start3A_126 : memref<1x80x64xf32, #tpu.memory_space<vmem>> -> memref<80x64xf32, #tpu.memory_space<vmem>>
      %dma_start3A_128 = arith.constant 0 : i32
      %dma_start3A_129 = tpu.memref_slice %arg7[%add3A_122, %dma_start3A_128] : memref<125x80xi32, #tpu.memory_space<vmem>> -> memref<1x80xi32, #tpu.memory_space<vmem>>
      %dma_start3A_130 = tpu.memref_squeeze %dma_start3A_129 : memref<1x80xi32, #tpu.memory_space<vmem>> -> memref<80xi32, #tpu.memory_space<vmem>>
      %dma_start3A_131 = arith.constant 0 : i32
      %dma_start3A_132 = arith.constant 0 : i32
      %dma_start3A_133 = tpu.memref_slice %arg2[%dma_start3A_131, %dma_start3A_132] : memref<10000x64xf32, #tpu.memory_space<hbm>> -> memref<10000x64xf32, #tpu.memory_space<hbm>>
      tpu.enqueue_indirect_dma source(%dma_start3A_133 : memref<10000x64xf32, #tpu.memory_space<hbm>>) target(%dma_start3A_127 : memref<80x64xf32, #tpu.memory_space<vmem>>) offsets(%dma_start3A_130 : memref<80xi32, #tpu.memory_space<vmem>>) semaphore(%arg11 : memref<!tpu.dma_semaphore, #tpu.memory_space<semaphore_mem>>)
      %dma_wait3A_134 = arith.constant 1 : i32
      %dma_wait3A_135 = arith.constant 0 : i32
      %dma_wait3A_136 = arith.constant 0 : i32
      %dma_wait3A_137 = tpu.memref_slice %arg9[%dma_wait3A_134, %dma_wait3A_135, %dma_wait3A_136] : memref<2x80x64xf32, #tpu.memory_space<vmem>> -> memref<1x80x64xf32, #tpu.memory_space<vmem>>
      %dma_wait3A_138 = tpu.memref_squeeze %dma_wait3A_137 : memref<1x80x64xf32, #tpu.memory_space<vmem>> -> memref<80x64xf32, #tpu.memory_space<vmem>>
      %dma_wait3A_139 = arith.constant 0 : i32
      %dma_wait3A_140 = tpu.memref_slice %arg7[%add3A_107, %dma_wait3A_139] : memref<125x80xi32, #tpu.memory_space<vmem>> -> memref<1x80xi32, #tpu.memory_space<vmem>>
      %dma_wait3A_141 = tpu.memref_squeeze %dma_wait3A_140 : memref<1x80xi32, #tpu.memory_space<vmem>> -> memref<80xi32, #tpu.memory_space<vmem>>
      %dma_wait3A_142 = arith.constant 0 : i32
      %dma_wait3A_143 = arith.constant 0 : i32
      %dma_wait3A_144 = tpu.memref_slice %arg2[%dma_wait3A_142, %dma_wait3A_143] : memref<10000x64xf32, #tpu.memory_space<hbm>> -> memref<10000x64xf32, #tpu.memory_space<hbm>>
      tpu.wait_indirect_dma semaphore(%arg12 : memref<!tpu.dma_semaphore, #tpu.memory_space<semaphore_mem>>) src(%dma_wait3A_144 : memref<10000x64xf32, #tpu.memory_space<hbm>>) dst(%dma_wait3A_138 : memref<80x64xf32, #tpu.memory_space<vmem>>)
      %dma_start3A_145 = arith.constant 1 : i32
      %dma_start3A_146 = arith.constant 0 : i32
      %dma_start3A_147 = arith.constant 0 : i32
      %dma_start3A_148 = tpu.memref_slice %arg9[%dma_start3A_145, %dma_start3A_146, %dma_start3A_147] : memref<2x80x64xf32, #tpu.memory_space<vmem>> -> memref<1x80x64xf32, #tpu.memory_space<vmem>>
      %dma_start3A_149 = tpu.memref_squeeze %dma_start3A_148 : memref<1x80x64xf32, #tpu.memory_space<vmem>> -> memref<80x64xf32, #tpu.memory_space<vmem>>
      %dma_start3A_150 = arith.constant 0 : i32
      %dma_start3A_151 = tpu.memref_slice %arg8[%add3A_107, %dma_start3A_150] : memref<125x80xi32, #tpu.memory_space<vmem>> -> memref<1x80xi32, #tpu.memory_space<vmem>>
      %dma_start3A_152 = tpu.memref_squeeze %dma_start3A_151 : memref<1x80xi32, #tpu.memory_space<vmem>> -> memref<80xi32, #tpu.memory_space<vmem>>
      %dma_start3A_153 = arith.constant 0 : i32
      %dma_start3A_154 = arith.constant 0 : i32
      %dma_start3A_155 = tpu.memref_slice %arg10[%dma_start3A_153, %dma_start3A_154] : memref<10000x64xf32, #tpu.memory_space<vmem_shared>> -> memref<10000x64xf32, #tpu.memory_space<vmem_shared>>
      tpu.enqueue_indirect_dma source(%dma_start3A_149 : memref<80x64xf32, #tpu.memory_space<vmem>>) target(%dma_start3A_155 : memref<10000x64xf32, #tpu.memory_space<vmem_shared>>) offsets(%dma_start3A_152 : memref<80xi32, #tpu.memory_space<vmem>>) semaphore(%arg14 : memref<!tpu.dma_semaphore, #tpu.memory_space<semaphore_mem>>) {add = true}
    }
    %scan3A_36 = arith.constant 62 : i32
    %dma_wait3A = arith.constant 124 : i32
    %dma_wait3A_37 = arith.constant 0 : i32
    %dma_wait3A_38 = arith.constant 0 : i32
    %dma_wait3A_39 = arith.constant 0 : i32
    %dma_wait3A_40 = tpu.memref_slice %arg9[%dma_wait3A_37, %dma_wait3A_38, %dma_wait3A_39] : memref<2x80x64xf32, #tpu.memory_space<vmem>> -> memref<1x80x64xf32, #tpu.memory_space<vmem>>
    %dma_wait3A_41 = tpu.memref_squeeze %dma_wait3A_40 : memref<1x80x64xf32, #tpu.memory_space<vmem>> -> memref<80x64xf32, #tpu.memory_space<vmem>>
    %dma_wait3A_42 = arith.constant 0 : i32
    %dma_wait3A_43 = tpu.memref_slice %arg7[%dma_wait3A, %dma_wait3A_42] : memref<125x80xi32, #tpu.memory_space<vmem>> -> memref<1x80xi32, #tpu.memory_space<vmem>>
    %dma_wait3A_44 = tpu.memref_squeeze %dma_wait3A_43 : memref<1x80xi32, #tpu.memory_space<vmem>> -> memref<80xi32, #tpu.memory_space<vmem>>
    %dma_wait3A_45 = arith.constant 0 : i32
    %dma_wait3A_46 = arith.constant 0 : i32
    %dma_wait3A_47 = tpu.memref_slice %arg2[%dma_wait3A_45, %dma_wait3A_46] : memref<10000x64xf32, #tpu.memory_space<hbm>> -> memref<10000x64xf32, #tpu.memory_space<hbm>>
    tpu.wait_indirect_dma semaphore(%arg11 : memref<!tpu.dma_semaphore, #tpu.memory_space<semaphore_mem>>) src(%dma_wait3A_47 : memref<10000x64xf32, #tpu.memory_space<hbm>>) dst(%dma_wait3A_41 : memref<80x64xf32, #tpu.memory_space<vmem>>)
    %dma_wait3A_48 = arith.constant 1 : i32
    %dma_wait3A_49 = arith.constant 123 : i32
    %dma_wait3A_50 = arith.constant 0 : i32
    %dma_wait3A_51 = arith.constant 0 : i32
    %dma_wait3A_52 = tpu.memref_slice %arg9[%dma_wait3A_48, %dma_wait3A_50, %dma_wait3A_51] : memref<2x80x64xf32, #tpu.memory_space<vmem>> -> memref<1x80x64xf32, #tpu.memory_space<vmem>>
    %dma_wait3A_53 = tpu.memref_squeeze %dma_wait3A_52 : memref<1x80x64xf32, #tpu.memory_space<vmem>> -> memref<80x64xf32, #tpu.memory_space<vmem>>
    %dma_wait3A_54 = arith.constant 0 : i32
    %dma_wait3A_55 = tpu.memref_slice %arg8[%dma_wait3A_49, %dma_wait3A_54] : memref<125x80xi32, #tpu.memory_space<vmem>> -> memref<1x80xi32, #tpu.memory_space<vmem>>
    %dma_wait3A_56 = tpu.memref_squeeze %dma_wait3A_55 : memref<1x80xi32, #tpu.memory_space<vmem>> -> memref<80xi32, #tpu.memory_space<vmem>>
    %dma_wait3A_57 = arith.constant 0 : i32
    %dma_wait3A_58 = arith.constant 0 : i32
    %dma_wait3A_59 = tpu.memref_slice %arg10[%dma_wait3A_57, %dma_wait3A_58] : memref<10000x64xf32, #tpu.memory_space<vmem_shared>> -> memref<10000x64xf32, #tpu.memory_space<vmem_shared>>
    tpu.wait_indirect_dma semaphore(%arg14 : memref<!tpu.dma_semaphore, #tpu.memory_space<semaphore_mem>>) src(%dma_wait3A_53 : memref<80x64xf32, #tpu.memory_space<vmem>>) dst(%dma_wait3A_59 : memref<10000x64xf32, #tpu.memory_space<vmem_shared>>)
    %run_scoped3A = arith.constant 0 : i32
    %run_scoped3A_60 = arith.constant 124 : i32
    "tpu.region"() ({
      %run_scoped3A_62 = tpu.sem_alloc : memref<!tpu.dma_semaphore, #tpu.memory_space<semaphore_mem>>
      %dma_start3A_63 = arith.constant 0 : i32
      %dma_start3A_64 = arith.constant 0 : i32
      %dma_start3A_65 = tpu.memref_slice %arg9[%run_scoped3A, %dma_start3A_63, %dma_start3A_64] : memref<2x80x64xf32, #tpu.memory_space<vmem>> -> memref<1x80x64xf32, #tpu.memory_space<vmem>>
      %dma_start3A_66 = tpu.memref_squeeze %dma_start3A_65 : memref<1x80x64xf32, #tpu.memory_space<vmem>> -> memref<80x64xf32, #tpu.memory_space<vmem>>
      %dma_start3A_67 = arith.constant 0 : i32
      %dma_start3A_68 = tpu.memref_slice %arg8[%run_scoped3A_60, %dma_start3A_67] : memref<125x80xi32, #tpu.memory_space<vmem>> -> memref<1x80xi32, #tpu.memory_space<vmem>>
      %dma_start3A_69 = tpu.memref_squeeze %dma_start3A_68 : memref<1x80xi32, #tpu.memory_space<vmem>> -> memref<80xi32, #tpu.memory_space<vmem>>
      %dma_start3A_70 = arith.constant 0 : i32
      %dma_start3A_71 = arith.constant 0 : i32
      %dma_start3A_72 = tpu.memref_slice %arg10[%dma_start3A_70, %dma_start3A_71] : memref<10000x64xf32, #tpu.memory_space<vmem_shared>> -> memref<10000x64xf32, #tpu.memory_space<vmem_shared>>
      tpu.enqueue_indirect_dma source(%dma_start3A_66 : memref<80x64xf32, #tpu.memory_space<vmem>>) target(%dma_start3A_72 : memref<10000x64xf32, #tpu.memory_space<vmem_shared>>) offsets(%dma_start3A_69 : memref<80xi32, #tpu.memory_space<vmem>>) semaphore(%run_scoped3A_62 : memref<!tpu.dma_semaphore, #tpu.memory_space<semaphore_mem>>) {add = true}
      %dma_wait3A_73 = arith.constant 0 : i32
      %dma_wait3A_74 = arith.constant 0 : i32
      %dma_wait3A_75 = tpu.memref_slice %arg9[%run_scoped3A, %dma_wait3A_73, %dma_wait3A_74] : memref<2x80x64xf32, #tpu.memory_space<vmem>> -> memref<1x80x64xf32, #tpu.memory_space<vmem>>
      %dma_wait3A_76 = tpu.memref_squeeze %dma_wait3A_75 : memref<1x80x64xf32, #tpu.memory_space<vmem>> -> memref<80x64xf32, #tpu.memory_space<vmem>>
      %dma_wait3A_77 = arith.constant 0 : i32
      %dma_wait3A_78 = tpu.memref_slice %arg8[%run_scoped3A_60, %dma_wait3A_77] : memref<125x80xi32, #tpu.memory_space<vmem>> -> memref<1x80xi32, #tpu.memory_space<vmem>>
      %dma_wait3A_79 = tpu.memref_squeeze %dma_wait3A_78 : memref<1x80xi32, #tpu.memory_space<vmem>> -> memref<80xi32, #tpu.memory_space<vmem>>
      %dma_wait3A_80 = arith.constant 0 : i32
      %dma_wait3A_81 = arith.constant 0 : i32
      %dma_wait3A_82 = tpu.memref_slice %arg10[%dma_wait3A_80, %dma_wait3A_81] : memref<10000x64xf32, #tpu.memory_space<vmem_shared>> -> memref<10000x64xf32, #tpu.memory_space<vmem_shared>>
      tpu.wait_indirect_dma semaphore(%run_scoped3A_62 : memref<!tpu.dma_semaphore, #tpu.memory_space<semaphore_mem>>) src(%dma_wait3A_76 : memref<80x64xf32, #tpu.memory_space<vmem>>) dst(%dma_wait3A_82 : memref<10000x64xf32, #tpu.memory_space<vmem_shared>>)
      tpu.yield
    }) : () -> ()
    %barrier3A_61 = arith.constant 0 : index
    tpu.barrier barrier_id(%barrier3A_61)
    "tpu.region"() ({
      %run_scoped3A_62 = tpu.sem_alloc : memref<!tpu.dma_semaphore, #tpu.memory_space<semaphore_mem>>
      %dma_start3A_63 = arith.constant 0 : i32
      %dma_start3A_64 = tpu.memref_slice %arg6[%arg0, %multiple_of3A, %dma_start3A_63] : memref<2x10000x64xf32, #tpu.memory_space<hbm>> -> memref<1x632x64xf32, #tpu.memory_space<hbm>>
      %dma_start3A_65 = tpu.memref_squeeze %dma_start3A_64 : memref<1x632x64xf32, #tpu.memory_space<hbm>> -> memref<632x64xf32, #tpu.memory_space<hbm>>
      %dma_start3A_66 = arith.constant 0 : i32
      %dma_start3A_67 = tpu.memref_slice %arg10[%multiple_of3A, %dma_start3A_66] : memref<10000x64xf32, #tpu.memory_space<vmem_shared>> -> memref<632x64xf32, #tpu.memory_space<vmem_shared>>
      tpu.enqueue_dma source(%dma_start3A_67 : memref<632x64xf32, #tpu.memory_space<vmem_shared>>) target(%dma_start3A_65 : memref<632x64xf32, #tpu.memory_space<hbm>>) target_semaphore(%run_scoped3A_62 : memref<!tpu.dma_semaphore, #tpu.memory_space<semaphore_mem>>)
      %dma_wait3A_68 = arith.constant 0 : i32
      %dma_wait3A_69 = tpu.memref_slice %arg6[%arg0, %multiple_of3A, %dma_wait3A_68] : memref<2x10000x64xf32, #tpu.memory_space<hbm>> -> memref<1x632x64xf32, #tpu.memory_space<hbm>>
      %dma_wait3A_70 = tpu.memref_squeeze %dma_wait3A_69 : memref<1x632x64xf32, #tpu.memory_space<hbm>> -> memref<632x64xf32, #tpu.memory_space<hbm>>
      %dma_wait3A_71 = arith.constant 0 : i32
      %dma_wait3A_72 = tpu.memref_slice %arg10[%multiple_of3A, %dma_wait3A_71] : memref<10000x64xf32, #tpu.memory_space<vmem_shared>> -> memref<632x64xf32, #tpu.memory_space<vmem_shared>>
      tpu.wait_dma2 semaphore(%run_scoped3A_62 : memref<!tpu.dma_semaphore, #tpu.memory_space<semaphore_mem>>) src(%dma_wait3A_72 : memref<632x64xf32, #tpu.memory_space<vmem_shared>>) dst(%dma_wait3A_70 : memref<632x64xf32, #tpu.memory_space<hbm>>)
      tpu.yield
    }) : () -> ()
    return
  }
}

#map = affine_map<(d0, d1) -> (0, 0)>
#map1 = affine_map<(d0, d1) -> (0)>
module attributes {stable_mosaic.version = 14 : i64} {
  func.func @_deg_kernel(%arg0: i32, %arg1: i32, %arg2: memref<32x10000xi32, #tpu.memory_space<hbm>>, %arg3: memref<10000xf32, #tpu.memory_space<hbm>>, %arg4: memref<32x10000xf32, #tpu.memory_space<hbm>>, %arg5: memref<10000xi32, #tpu.memory_space<vmem>>, %arg6: memref<10000xf32, #tpu.memory_space<vmem>>) attributes {dimension_semantics = [#tpu.dimension_semantics<core_parallel>, #tpu.dimension_semantics<subcore_parallel>], iteration_bounds = array<i64: 2, 16>, scalar_prefetch = 0 : i64, scratch_operands = 2 : i64, tpu.core_type = #tpu.core_type<sc_vector_subcore>, window_params = [{transform_indices = #map}, {transform_indices = #map1}, {transform_indices = #map}]} {
    %mul3A = arith.constant 16 : i32
    %mul3A_0 = arith.muli %arg0, %mul3A : i32
    %add3A = arith.addi %mul3A_0, %arg1 : i32
    "tpu.region"() ({
      %run_scoped3A = tpu.sem_alloc : memref<!tpu.dma_semaphore, #tpu.memory_space<semaphore_mem>>
      %dma_start3A = arith.constant 0 : i32
      %dma_start3A_7 = tpu.memref_slice %arg2[%add3A, %dma_start3A] : memref<32x10000xi32, #tpu.memory_space<hbm>> -> memref<1x10000xi32, #tpu.memory_space<hbm>>
      %dma_start3A_8 = tpu.memref_squeeze %dma_start3A_7 : memref<1x10000xi32, #tpu.memory_space<hbm>> -> memref<10000xi32, #tpu.memory_space<hbm>>
      %dma_start3A_9 = arith.constant 0 : i32
      %dma_start3A_10 = tpu.memref_slice %arg2[%add3A, %dma_start3A_9] : memref<32x10000xi32, #tpu.memory_space<hbm>> -> memref<1x10000xi32, #tpu.memory_space<hbm>>
      %dma_start3A_11 = tpu.memref_squeeze %dma_start3A_10 : memref<1x10000xi32, #tpu.memory_space<hbm>> -> memref<10000xi32, #tpu.memory_space<hbm>>
      tpu.enqueue_dma source(%dma_start3A_11 : memref<10000xi32, #tpu.memory_space<hbm>>) target(%arg5 : memref<10000xi32, #tpu.memory_space<vmem>>) target_semaphore(%run_scoped3A : memref<!tpu.dma_semaphore, #tpu.memory_space<semaphore_mem>>)
      %dma_wait3A = arith.constant 0 : i32
      %dma_wait3A_12 = tpu.memref_slice %arg2[%add3A, %dma_wait3A] : memref<32x10000xi32, #tpu.memory_space<hbm>> -> memref<1x10000xi32, #tpu.memory_space<hbm>>
      %dma_wait3A_13 = tpu.memref_squeeze %dma_wait3A_12 : memref<1x10000xi32, #tpu.memory_space<hbm>> -> memref<10000xi32, #tpu.memory_space<hbm>>
      %dma_wait3A_14 = arith.constant 0 : i32
      %dma_wait3A_15 = tpu.memref_slice %arg2[%add3A, %dma_wait3A_14] : memref<32x10000xi32, #tpu.memory_space<hbm>> -> memref<1x10000xi32, #tpu.memory_space<hbm>>
      %dma_wait3A_16 = tpu.memref_squeeze %dma_wait3A_15 : memref<1x10000xi32, #tpu.memory_space<hbm>> -> memref<10000xi32, #tpu.memory_space<hbm>>
      tpu.wait_dma2 semaphore(%run_scoped3A : memref<!tpu.dma_semaphore, #tpu.memory_space<semaphore_mem>>) src(%dma_wait3A_16 : memref<10000xi32, #tpu.memory_space<hbm>>) dst(%arg5 : memref<10000xi32, #tpu.memory_space<vmem>>)
      tpu.yield
    }) : () -> ()
    "tpu.region"() ({
      %run_scoped3A = tpu.sem_alloc : memref<!tpu.dma_semaphore, #tpu.memory_space<semaphore_mem>>
      tpu.enqueue_dma source(%arg3 : memref<10000xf32, #tpu.memory_space<hbm>>) target(%arg6 : memref<10000xf32, #tpu.memory_space<vmem>>) target_semaphore(%run_scoped3A : memref<!tpu.dma_semaphore, #tpu.memory_space<semaphore_mem>>)
      tpu.wait_dma2 semaphore(%run_scoped3A : memref<!tpu.dma_semaphore, #tpu.memory_space<semaphore_mem>>) src(%arg3 : memref<10000xf32, #tpu.memory_space<hbm>>) dst(%arg6 : memref<10000xf32, #tpu.memory_space<vmem>>)
      tpu.yield
    }) : () -> ()
    %broadcast_in_dim3A = arith.constant 1.000000e+00 : f32
    %broadcast_in_dim3A_1 = vector.broadcast %broadcast_in_dim3A : f32 to vector<16xf32>
    %scan3A = arith.constant 0 : i32
    %scan3A_2 = arith.constant 0 : i32
    %scan3A_3 = arith.constant 625 : i32
    %scan3A_4 = arith.addi %scan3A_2, %scan3A_3 : i32
    %scan3A_5 = arith.constant 1 : i32
    scf.for %scan3A_7 = %scan3A_2 to %scan3A_4 step %scan3A_5  : i32 {
      %mul3A_8 = arith.constant 16 : i32
      %mul3A_9 = arith.muli %scan3A_7, %mul3A_8 : i32
      %get3A = arith.index_cast %mul3A_9 : i32 to index
      %get3A_10 = tpu.vector_load %arg5[%get3A] {strides = array<i32>} : memref<10000xi32, #tpu.memory_space<vmem>>, vector<16xi32>,
      tpu.vector_store_idx %arg6[%get3A_10], %broadcast_in_dim3A_1 {add = true} : memref<10000xf32, #tpu.memory_space<vmem>>[vector<16xi32>], vector<16xf32>,
    }
    %scan3A_6 = arith.constant 625 : i32
    "tpu.region"() ({
      %run_scoped3A = tpu.sem_alloc : memref<!tpu.dma_semaphore, #tpu.memory_space<semaphore_mem>>
      %dma_start3A = arith.constant 0 : i32
      %dma_start3A_7 = tpu.memref_slice %arg4[%add3A, %dma_start3A] : memref<32x10000xf32, #tpu.memory_space<hbm>> -> memref<1x10000xf32, #tpu.memory_space<hbm>>
      %dma_start3A_8 = tpu.memref_squeeze %dma_start3A_7 : memref<1x10000xf32, #tpu.memory_space<hbm>> -> memref<10000xf32, #tpu.memory_space<hbm>>
      %dma_start3A_9 = arith.constant 0 : i32
      %dma_start3A_10 = tpu.memref_slice %arg4[%add3A, %dma_start3A_9] : memref<32x10000xf32, #tpu.memory_space<hbm>> -> memref<1x10000xf32, #tpu.memory_space<hbm>>
      %dma_start3A_11 = tpu.memref_squeeze %dma_start3A_10 : memref<1x10000xf32, #tpu.memory_space<hbm>> -> memref<10000xf32, #tpu.memory_space<hbm>>
      tpu.enqueue_dma source(%arg6 : memref<10000xf32, #tpu.memory_space<vmem>>) target(%dma_start3A_11 : memref<10000xf32, #tpu.memory_space<hbm>>) target_semaphore(%run_scoped3A : memref<!tpu.dma_semaphore, #tpu.memory_space<semaphore_mem>>)
      %dma_wait3A = arith.constant 0 : i32
      %dma_wait3A_12 = tpu.memref_slice %arg4[%add3A, %dma_wait3A] : memref<32x10000xf32, #tpu.memory_space<hbm>> -> memref<1x10000xf32, #tpu.memory_space<hbm>>
      %dma_wait3A_13 = tpu.memref_squeeze %dma_wait3A_12 : memref<1x10000xf32, #tpu.memory_space<hbm>> -> memref<10000xf32, #tpu.memory_space<hbm>>
      %dma_wait3A_14 = arith.constant 0 : i32
      %dma_wait3A_15 = tpu.memref_slice %arg4[%add3A, %dma_wait3A_14] : memref<32x10000xf32, #tpu.memory_space<hbm>> -> memref<1x10000xf32, #tpu.memory_space<hbm>>
      %dma_wait3A_16 = tpu.memref_squeeze %dma_wait3A_15 : memref<1x10000xf32, #tpu.memory_space<hbm>> -> memref<10000xf32, #tpu.memory_space<hbm>>
      tpu.wait_dma2 semaphore(%run_scoped3A : memref<!tpu.dma_semaphore, #tpu.memory_space<semaphore_mem>>) src(%arg6 : memref<10000xf32, #tpu.memory_space<vmem>>) dst(%dma_wait3A_16 : memref<10000xf32, #tpu.memory_space<hbm>>)
      tpu.yield
    }) : () -> ()
    return
  }
}

#map = affine_map<(d0, d1) -> (0, 0)>
#map1 = affine_map<(d0, d1) -> (0, 0, 0)>
module attributes {stable_mosaic.version = 14 : i64} {
  func.func @prop(%arg0: i32, %arg1: i32, %arg2: memref<10000x32xf32, #tpu.memory_space<hbm>>, %arg3: memref<32x125x80xi32, #tpu.memory_space<hbm>>, %arg4: memref<32x125x80xi32, #tpu.memory_space<hbm>>, %arg5: memref<632x32xf32, #tpu.memory_space<hbm>>, %arg6: memref<2x10000x32xf32, #tpu.memory_space<hbm>>, %arg7: memref<125x80xi32, #tpu.memory_space<vmem>>, %arg8: memref<125x80xi32, #tpu.memory_space<vmem>>, %arg9: memref<2x80x32xf32, #tpu.memory_space<vmem>>, %arg10: memref<10000x32xf32, #tpu.memory_space<vmem_shared>>, %arg11: memref<!tpu.dma_semaphore, #tpu.memory_space<semaphore_mem>>, %arg12: memref<!tpu.dma_semaphore, #tpu.memory_space<semaphore_mem>>, %arg13: memref<!tpu.dma_semaphore, #tpu.memory_space<semaphore_mem>>, %arg14: memref<!tpu.dma_semaphore, #tpu.memory_space<semaphore_mem>>) attributes {dimension_semantics = [#tpu.dimension_semantics<core_parallel>, #tpu.dimension_semantics<subcore_parallel>], iteration_bounds = array<i64: 2, 16>, scalar_prefetch = 0 : i64, scratch_operands = 8 : i64, tpu.core_type = #tpu.core_type<sc_vector_subcore>, window_params = [{transform_indices = #map}, {transform_indices = #map1}, {transform_indices = #map1}, {transform_indices = #map}, {transform_indices = #map1}]} {
    %mul3A = arith.constant 16 : i32
    %mul3A_0 = arith.muli %arg0, %mul3A : i32
    %add3A = arith.addi %mul3A_0, %arg1 : i32
    "tpu.region"() ({
      %run_scoped3A_62 = tpu.sem_alloc : memref<!tpu.dma_semaphore, #tpu.memory_space<semaphore_mem>>
      %dma_start3A_63 = arith.constant 0 : i32
      %dma_start3A_64 = arith.constant 0 : i32
      %dma_start3A_65 = tpu.memref_slice %arg3[%add3A, %dma_start3A_63, %dma_start3A_64] : memref<32x125x80xi32, #tpu.memory_space<hbm>> -> memref<1x125x80xi32, #tpu.memory_space<hbm>>
      %dma_start3A_66 = tpu.memref_squeeze %dma_start3A_65 : memref<1x125x80xi32, #tpu.memory_space<hbm>> -> memref<125x80xi32, #tpu.memory_space<hbm>>
      %dma_start3A_67 = arith.constant 0 : i32
      %dma_start3A_68 = arith.constant 0 : i32
      %dma_start3A_69 = tpu.memref_slice %arg3[%add3A, %dma_start3A_67, %dma_start3A_68] : memref<32x125x80xi32, #tpu.memory_space<hbm>> -> memref<1x125x80xi32, #tpu.memory_space<hbm>>
      %dma_start3A_70 = tpu.memref_squeeze %dma_start3A_69 : memref<1x125x80xi32, #tpu.memory_space<hbm>> -> memref<125x80xi32, #tpu.memory_space<hbm>>
      tpu.enqueue_dma source(%dma_start3A_70 : memref<125x80xi32, #tpu.memory_space<hbm>>) target(%arg7 : memref<125x80xi32, #tpu.memory_space<vmem>>) target_semaphore(%run_scoped3A_62 : memref<!tpu.dma_semaphore, #tpu.memory_space<semaphore_mem>>)
      %dma_wait3A_71 = arith.constant 0 : i32
      %dma_wait3A_72 = arith.constant 0 : i32
      %dma_wait3A_73 = tpu.memref_slice %arg3[%add3A, %dma_wait3A_71, %dma_wait3A_72] : memref<32x125x80xi32, #tpu.memory_space<hbm>> -> memref<1x125x80xi32, #tpu.memory_space<hbm>>
      %dma_wait3A_74 = tpu.memref_squeeze %dma_wait3A_73 : memref<1x125x80xi32, #tpu.memory_space<hbm>> -> memref<125x80xi32, #tpu.memory_space<hbm>>
      %dma_wait3A_75 = arith.constant 0 : i32
      %dma_wait3A_76 = arith.constant 0 : i32
      %dma_wait3A_77 = tpu.memref_slice %arg3[%add3A, %dma_wait3A_75, %dma_wait3A_76] : memref<32x125x80xi32, #tpu.memory_space<hbm>> -> memref<1x125x80xi32, #tpu.memory_space<hbm>>
      %dma_wait3A_78 = tpu.memref_squeeze %dma_wait3A_77 : memref<1x125x80xi32, #tpu.memory_space<hbm>> -> memref<125x80xi32, #tpu.memory_space<hbm>>
      tpu.wait_dma2 semaphore(%run_scoped3A_62 : memref<!tpu.dma_semaphore, #tpu.memory_space<semaphore_mem>>) src(%dma_wait3A_78 : memref<125x80xi32, #tpu.memory_space<hbm>>) dst(%arg7 : memref<125x80xi32, #tpu.memory_space<vmem>>)
      tpu.yield
    }) : () -> ()
    "tpu.region"() ({
      %run_scoped3A_62 = tpu.sem_alloc : memref<!tpu.dma_semaphore, #tpu.memory_space<semaphore_mem>>
      %dma_start3A_63 = arith.constant 0 : i32
      %dma_start3A_64 = arith.constant 0 : i32
      %dma_start3A_65 = tpu.memref_slice %arg4[%add3A, %dma_start3A_63, %dma_start3A_64] : memref<32x125x80xi32, #tpu.memory_space<hbm>> -> memref<1x125x80xi32, #tpu.memory_space<hbm>>
      %dma_start3A_66 = tpu.memref_squeeze %dma_start3A_65 : memref<1x125x80xi32, #tpu.memory_space<hbm>> -> memref<125x80xi32, #tpu.memory_space<hbm>>
      %dma_start3A_67 = arith.constant 0 : i32
      %dma_start3A_68 = arith.constant 0 : i32
      %dma_start3A_69 = tpu.memref_slice %arg4[%add3A, %dma_start3A_67, %dma_start3A_68] : memref<32x125x80xi32, #tpu.memory_space<hbm>> -> memref<1x125x80xi32, #tpu.memory_space<hbm>>
      %dma_start3A_70 = tpu.memref_squeeze %dma_start3A_69 : memref<1x125x80xi32, #tpu.memory_space<hbm>> -> memref<125x80xi32, #tpu.memory_space<hbm>>
      tpu.enqueue_dma source(%dma_start3A_70 : memref<125x80xi32, #tpu.memory_space<hbm>>) target(%arg8 : memref<125x80xi32, #tpu.memory_space<vmem>>) target_semaphore(%run_scoped3A_62 : memref<!tpu.dma_semaphore, #tpu.memory_space<semaphore_mem>>)
      %dma_wait3A_71 = arith.constant 0 : i32
      %dma_wait3A_72 = arith.constant 0 : i32
      %dma_wait3A_73 = tpu.memref_slice %arg4[%add3A, %dma_wait3A_71, %dma_wait3A_72] : memref<32x125x80xi32, #tpu.memory_space<hbm>> -> memref<1x125x80xi32, #tpu.memory_space<hbm>>
      %dma_wait3A_74 = tpu.memref_squeeze %dma_wait3A_73 : memref<1x125x80xi32, #tpu.memory_space<hbm>> -> memref<125x80xi32, #tpu.memory_space<hbm>>
      %dma_wait3A_75 = arith.constant 0 : i32
      %dma_wait3A_76 = arith.constant 0 : i32
      %dma_wait3A_77 = tpu.memref_slice %arg4[%add3A, %dma_wait3A_75, %dma_wait3A_76] : memref<32x125x80xi32, #tpu.memory_space<hbm>> -> memref<1x125x80xi32, #tpu.memory_space<hbm>>
      %dma_wait3A_78 = tpu.memref_squeeze %dma_wait3A_77 : memref<1x125x80xi32, #tpu.memory_space<hbm>> -> memref<125x80xi32, #tpu.memory_space<hbm>>
      tpu.wait_dma2 semaphore(%run_scoped3A_62 : memref<!tpu.dma_semaphore, #tpu.memory_space<semaphore_mem>>) src(%dma_wait3A_78 : memref<125x80xi32, #tpu.memory_space<hbm>>) dst(%arg8 : memref<125x80xi32, #tpu.memory_space<vmem>>)
      tpu.yield
    }) : () -> ()
    %mul3A_1 = arith.constant 625 : i32
    %mul3A_2 = arith.muli %arg1, %mul3A_1 : i32
    %jit3A = arith.constant 8 : i32
    %div3A = arith.divsi %mul3A_2, %jit3A : i32
    %sign3A = arith.constant 0 : i32
    %sign3A_3 = arith.cmpi sgt, %mul3A_2, %sign3A : i32
    %sign3A_4 = arith.extui %sign3A_3 : i1 to i32
    %sign3A_5 = arith.constant 0 : i32
    %sign3A_6 = arith.cmpi slt, %mul3A_2, %sign3A_5 : i32
    %sign3A_7 = arith.extui %sign3A_6 : i1 to i32
    %sign3A_8 = arith.subi %sign3A_4, %sign3A_7 : i32
    %sign3A_9 = arith.constant 0 : i32
    %sign3A_10 = arith.cmpi sgt, %jit3A, %sign3A_9 : i32
    %sign3A_11 = arith.extui %sign3A_10 : i1 to i32
    %sign3A_12 = arith.constant 0 : i32
    %sign3A_13 = arith.cmpi slt, %jit3A, %sign3A_12 : i32
    %sign3A_14 = arith.extui %sign3A_13 : i1 to i32
    %sign3A_15 = arith.subi %sign3A_11, %sign3A_14 : i32
    %ne3A = arith.cmpi ne, %sign3A_8, %sign3A_15 : i32
    %rem3A = arith.remsi %mul3A_2, %jit3A : i32
    %ne3A_16 = arith.constant 0 : i32
    %ne3A_17 = arith.cmpi ne, %rem3A, %ne3A_16 : i32
    %and3A = arith.andi %ne3A, %ne3A_17 : i1
    %sub3A = arith.constant 1 : i32
    %sub3A_18 = arith.subi %div3A, %sub3A : i32
    %select_n3A = arith.select %and3A, %sub3A_18, %div3A : i32
    %mul3A_19 = arith.constant 8 : i32
    %mul3A_20 = arith.muli %select_n3A, %mul3A_19 : i32
    %multiple_of3A = tpu.assume_multiple %mul3A_20, 8 : i32
    "tpu.region"() ({
      %run_scoped3A_62 = tpu.sem_alloc : memref<!tpu.dma_semaphore, #tpu.memory_space<semaphore_mem>>
      %dma_start3A_63 = arith.constant 0 : i32
      %dma_start3A_64 = tpu.memref_slice %arg10[%multiple_of3A, %dma_start3A_63] : memref<10000x32xf32, #tpu.memory_space<vmem_shared>> -> memref<632x32xf32, #tpu.memory_space<vmem_shared>>
      tpu.enqueue_dma source(%arg5 : memref<632x32xf32, #tpu.memory_space<hbm>>) target(%dma_start3A_64 : memref<632x32xf32, #tpu.memory_space<vmem_shared>>) target_semaphore(%run_scoped3A_62 : memref<!tpu.dma_semaphore, #tpu.memory_space<semaphore_mem>>)
      %dma_wait3A_65 = arith.constant 0 : i32
      %dma_wait3A_66 = tpu.memref_slice %arg10[%multiple_of3A, %dma_wait3A_65] : memref<10000x32xf32, #tpu.memory_space<vmem_shared>> -> memref<632x32xf32, #tpu.memory_space<vmem_shared>>
      tpu.wait_dma2 semaphore(%run_scoped3A_62 : memref<!tpu.dma_semaphore, #tpu.memory_space<semaphore_mem>>) src(%arg5 : memref<632x32xf32, #tpu.memory_space<hbm>>) dst(%dma_wait3A_66 : memref<632x32xf32, #tpu.memory_space<vmem_shared>>)
      tpu.yield
    }) : () -> ()
    %barrier3A = arith.constant 0 : index
    tpu.barrier barrier_id(%barrier3A)
    %dma_start3A = arith.constant 0 : i32
    %dma_start3A_21 = arith.constant 0 : i32
    %dma_start3A_22 = arith.constant 0 : i32
    %dma_start3A_23 = arith.constant 0 : i32
    %dma_start3A_24 = tpu.memref_slice %arg9[%dma_start3A_21, %dma_start3A_22, %dma_start3A_23] : memref<2x80x32xf32, #tpu.memory_space<vmem>> -> memref<1x80x32xf32, #tpu.memory_space<vmem>>
    %dma_start3A_25 = tpu.memref_squeeze %dma_start3A_24 : memref<1x80x32xf32, #tpu.memory_space<vmem>> -> memref<80x32xf32, #tpu.memory_space<vmem>>
    %dma_start3A_26 = arith.constant 0 : i32
    %dma_start3A_27 = tpu.memref_slice %arg7[%dma_start3A, %dma_start3A_26] : memref<125x80xi32, #tpu.memory_space<vmem>> -> memref<1x80xi32, #tpu.memory_space<vmem>>
    %dma_start3A_28 = tpu.memref_squeeze %dma_start3A_27 : memref<1x80xi32, #tpu.memory_space<vmem>> -> memref<80xi32, #tpu.memory_space<vmem>>
    %dma_start3A_29 = arith.constant 0 : i32
    %dma_start3A_30 = arith.constant 0 : i32
    %dma_start3A_31 = tpu.memref_slice %arg2[%dma_start3A_29, %dma_start3A_30] : memref<10000x32xf32, #tpu.memory_space<hbm>> -> memref<10000x32xf32, #tpu.memory_space<hbm>>
    tpu.enqueue_indirect_dma source(%dma_start3A_31 : memref<10000x32xf32, #tpu.memory_space<hbm>>) target(%dma_start3A_25 : memref<80x32xf32, #tpu.memory_space<vmem>>) offsets(%dma_start3A_28 : memref<80xi32, #tpu.memory_space<vmem>>) semaphore(%arg11 : memref<!tpu.dma_semaphore, #tpu.memory_space<semaphore_mem>>)
    %scan3A = arith.constant 0 : i32
    %scan3A_32 = arith.constant 0 : i32
    %scan3A_33 = arith.constant 62 : i32
    %scan3A_34 = arith.addi %scan3A_32, %scan3A_33 : i32
    %scan3A_35 = arith.constant 1 : i32
    scf.for %scan3A_62 = %scan3A_32 to %scan3A_34 step %scan3A_35  : i32 {
      %mul3A_63 = arith.constant 2 : i32
      %mul3A_64 = arith.muli %scan3A_62, %mul3A_63 : i32
      %add3A_65 = arith.constant 0 : i32
      %add3A_66 = arith.addi %mul3A_64, %add3A_65 : i32
      %ge3A = arith.constant 1 : i32
      %ge3A_67 = arith.cmpi sge, %scan3A_62, %ge3A : i32
      %convert_element_type3A = arith.extui %ge3A_67 : i1 to i32
      %cond3A = arith.constant 0 : i32
      %cond3A_68 = arith.cmpi ne, %convert_element_type3A, %cond3A : i32
      scf.if %cond3A_68 {
        %sub3A_156 = arith.constant 1 : i32
        %sub3A_157 = arith.subi %add3A_66, %sub3A_156 : i32
        %dma_wait3A_158 = arith.constant 1 : i32
        %dma_wait3A_159 = arith.constant 0 : i32
        %dma_wait3A_160 = arith.constant 0 : i32
        %dma_wait3A_161 = tpu.memref_slice %arg9[%dma_wait3A_158, %dma_wait3A_159, %dma_wait3A_160] : memref<2x80x32xf32, #tpu.memory_space<vmem>> -> memref<1x80x32xf32, #tpu.memory_space<vmem>>
        %dma_wait3A_162 = tpu.memref_squeeze %dma_wait3A_161 : memref<1x80x32xf32, #tpu.memory_space<vmem>> -> memref<80x32xf32, #tpu.memory_space<vmem>>
        %dma_wait3A_163 = arith.constant 0 : i32
        %dma_wait3A_164 = tpu.memref_slice %arg8[%sub3A_157, %dma_wait3A_163] : memref<125x80xi32, #tpu.memory_space<vmem>> -> memref<1x80xi32, #tpu.memory_space<vmem>>
        %dma_wait3A_165 = tpu.memref_squeeze %dma_wait3A_164 : memref<1x80xi32, #tpu.memory_space<vmem>> -> memref<80xi32, #tpu.memory_space<vmem>>
        %dma_wait3A_166 = arith.constant 0 : i32
        %dma_wait3A_167 = arith.constant 0 : i32
        %dma_wait3A_168 = tpu.memref_slice %arg10[%dma_wait3A_166, %dma_wait3A_167] : memref<10000x32xf32, #tpu.memory_space<vmem_shared>> -> memref<10000x32xf32, #tpu.memory_space<vmem_shared>>
        tpu.wait_indirect_dma semaphore(%arg14 : memref<!tpu.dma_semaphore, #tpu.memory_space<semaphore_mem>>) src(%dma_wait3A_162 : memref<80x32xf32, #tpu.memory_space<vmem>>) dst(%dma_wait3A_168 : memref<10000x32xf32, #tpu.memory_space<vmem_shared>>)
      } else {
      }
      %add3A_69 = arith.constant 1 : i32
      %add3A_70 = arith.addi %add3A_66, %add3A_69 : i32
      %dma_start3A_71 = arith.constant 1 : i32
      %dma_start3A_72 = arith.constant 0 : i32
      %dma_start3A_73 = arith.constant 0 : i32
      %dma_start3A_74 = tpu.memref_slice %arg9[%dma_start3A_71, %dma_start3A_72, %dma_start3A_73] : memref<2x80x32xf32, #tpu.memory_space<vmem>> -> memref<1x80x32xf32, #tpu.memory_space<vmem>>
      %dma_start3A_75 = tpu.memref_squeeze %dma_start3A_74 : memref<1x80x32xf32, #tpu.memory_space<vmem>> -> memref<80x32xf32, #tpu.memory_space<vmem>>
      %dma_start3A_76 = arith.constant 0 : i32
      %dma_start3A_77 = tpu.memref_slice %arg7[%add3A_70, %dma_start3A_76] : memref<125x80xi32, #tpu.memory_space<vmem>> -> memref<1x80xi32, #tpu.memory_space<vmem>>
      %dma_start3A_78 = tpu.memref_squeeze %dma_start3A_77 : memref<1x80xi32, #tpu.memory_space<vmem>> -> memref<80xi32, #tpu.memory_space<vmem>>
      %dma_start3A_79 = arith.constant 0 : i32
      %dma_start3A_80 = arith.constant 0 : i32
      %dma_start3A_81 = tpu.memref_slice %arg2[%dma_start3A_79, %dma_start3A_80] : memref<10000x32xf32, #tpu.memory_space<hbm>> -> memref<10000x32xf32, #tpu.memory_space<hbm>>
      tpu.enqueue_indirect_dma source(%dma_start3A_81 : memref<10000x32xf32, #tpu.memory_space<hbm>>) target(%dma_start3A_75 : memref<80x32xf32, #tpu.memory_space<vmem>>) offsets(%dma_start3A_78 : memref<80xi32, #tpu.memory_space<vmem>>) semaphore(%arg12 : memref<!tpu.dma_semaphore, #tpu.memory_space<semaphore_mem>>)
      %dma_wait3A_82 = arith.constant 0 : i32
      %dma_wait3A_83 = arith.constant 0 : i32
      %dma_wait3A_84 = arith.constant 0 : i32
      %dma_wait3A_85 = tpu.memref_slice %arg9[%dma_wait3A_82, %dma_wait3A_83, %dma_wait3A_84] : memref<2x80x32xf32, #tpu.memory_space<vmem>> -> memref<1x80x32xf32, #tpu.memory_space<vmem>>
      %dma_wait3A_86 = tpu.memref_squeeze %dma_wait3A_85 : memref<1x80x32xf32, #tpu.memory_space<vmem>> -> memref<80x32xf32, #tpu.memory_space<vmem>>
      %dma_wait3A_87 = arith.constant 0 : i32
      %dma_wait3A_88 = tpu.memref_slice %arg7[%add3A_66, %dma_wait3A_87] : memref<125x80xi32, #tpu.memory_space<vmem>> -> memref<1x80xi32, #tpu.memory_space<vmem>>
      %dma_wait3A_89 = tpu.memref_squeeze %dma_wait3A_88 : memref<1x80xi32, #tpu.memory_space<vmem>> -> memref<80xi32, #tpu.memory_space<vmem>>
      %dma_wait3A_90 = arith.constant 0 : i32
      %dma_wait3A_91 = arith.constant 0 : i32
      %dma_wait3A_92 = tpu.memref_slice %arg2[%dma_wait3A_90, %dma_wait3A_91] : memref<10000x32xf32, #tpu.memory_space<hbm>> -> memref<10000x32xf32, #tpu.memory_space<hbm>>
      tpu.wait_indirect_dma semaphore(%arg11 : memref<!tpu.dma_semaphore, #tpu.memory_space<semaphore_mem>>) src(%dma_wait3A_92 : memref<10000x32xf32, #tpu.memory_space<hbm>>) dst(%dma_wait3A_86 : memref<80x32xf32, #tpu.memory_space<vmem>>)
      %dma_start3A_93 = arith.constant 0 : i32
      %dma_start3A_94 = arith.constant 0 : i32
      %dma_start3A_95 = arith.constant 0 : i32
      %dma_start3A_96 = tpu.memref_slice %arg9[%dma_start3A_93, %dma_start3A_94, %dma_start3A_95] : memref<2x80x32xf32, #tpu.memory_space<vmem>> -> memref<1x80x32xf32, #tpu.memory_space<vmem>>
      %dma_start3A_97 = tpu.memref_squeeze %dma_start3A_96 : memref<1x80x32xf32, #tpu.memory_space<vmem>> -> memref<80x32xf32, #tpu.memory_space<vmem>>
      %dma_start3A_98 = arith.constant 0 : i32
      %dma_start3A_99 = tpu.memref_slice %arg8[%add3A_66, %dma_start3A_98] : memref<125x80xi32, #tpu.memory_space<vmem>> -> memref<1x80xi32, #tpu.memory_space<vmem>>
      %dma_start3A_100 = tpu.memref_squeeze %dma_start3A_99 : memref<1x80xi32, #tpu.memory_space<vmem>> -> memref<80xi32, #tpu.memory_space<vmem>>
      %dma_start3A_101 = arith.constant 0 : i32
      %dma_start3A_102 = arith.constant 0 : i32
      %dma_start3A_103 = tpu.memref_slice %arg10[%dma_start3A_101, %dma_start3A_102] : memref<10000x32xf32, #tpu.memory_space<vmem_shared>> -> memref<10000x32xf32, #tpu.memory_space<vmem_shared>>
      tpu.enqueue_indirect_dma source(%dma_start3A_97 : memref<80x32xf32, #tpu.memory_space<vmem>>) target(%dma_start3A_103 : memref<10000x32xf32, #tpu.memory_space<vmem_shared>>) offsets(%dma_start3A_100 : memref<80xi32, #tpu.memory_space<vmem>>) semaphore(%arg13 : memref<!tpu.dma_semaphore, #tpu.memory_space<semaphore_mem>>) {add = true}
      %mul3A_104 = arith.constant 2 : i32
      %mul3A_105 = arith.muli %scan3A_62, %mul3A_104 : i32
      %add3A_106 = arith.constant 1 : i32
      %add3A_107 = arith.addi %mul3A_105, %add3A_106 : i32
      %sub3A_108 = arith.constant 1 : i32
      %sub3A_109 = arith.subi %add3A_107, %sub3A_108 : i32
      %dma_wait3A_110 = arith.constant 0 : i32
      %dma_wait3A_111 = arith.constant 0 : i32
      %dma_wait3A_112 = arith.constant 0 : i32
      %dma_wait3A_113 = tpu.memref_slice %arg9[%dma_wait3A_110, %dma_wait3A_111, %dma_wait3A_112] : memref<2x80x32xf32, #tpu.memory_space<vmem>> -> memref<1x80x32xf32, #tpu.memory_space<vmem>>
      %dma_wait3A_114 = tpu.memref_squeeze %dma_wait3A_113 : memref<1x80x32xf32, #tpu.memory_space<vmem>> -> memref<80x32xf32, #tpu.memory_space<vmem>>
      %dma_wait3A_115 = arith.constant 0 : i32
      %dma_wait3A_116 = tpu.memref_slice %arg8[%sub3A_109, %dma_wait3A_115] : memref<125x80xi32, #tpu.memory_space<vmem>> -> memref<1x80xi32, #tpu.memory_space<vmem>>
      %dma_wait3A_117 = tpu.memref_squeeze %dma_wait3A_116 : memref<1x80xi32, #tpu.memory_space<vmem>> -> memref<80xi32, #tpu.memory_space<vmem>>
      %dma_wait3A_118 = arith.constant 0 : i32
      %dma_wait3A_119 = arith.constant 0 : i32
      %dma_wait3A_120 = tpu.memref_slice %arg10[%dma_wait3A_118, %dma_wait3A_119] : memref<10000x32xf32, #tpu.memory_space<vmem_shared>> -> memref<10000x32xf32, #tpu.memory_space<vmem_shared>>
      tpu.wait_indirect_dma semaphore(%arg13 : memref<!tpu.dma_semaphore, #tpu.memory_space<semaphore_mem>>) src(%dma_wait3A_114 : memref<80x32xf32, #tpu.memory_space<vmem>>) dst(%dma_wait3A_120 : memref<10000x32xf32, #tpu.memory_space<vmem_shared>>)
      %add3A_121 = arith.constant 1 : i32
      %add3A_122 = arith.addi %add3A_107, %add3A_121 : i32
      %dma_start3A_123 = arith.constant 0 : i32
      %dma_start3A_124 = arith.constant 0 : i32
      %dma_start3A_125 = arith.constant 0 : i32
      %dma_start3A_126 = tpu.memref_slice %arg9[%dma_start3A_123, %dma_start3A_124, %dma_start3A_125] : memref<2x80x32xf32, #tpu.memory_space<vmem>> -> memref<1x80x32xf32, #tpu.memory_space<vmem>>
      %dma_start3A_127 = tpu.memref_squeeze %dma_start3A_126 : memref<1x80x32xf32, #tpu.memory_space<vmem>> -> memref<80x32xf32, #tpu.memory_space<vmem>>
      %dma_start3A_128 = arith.constant 0 : i32
      %dma_start3A_129 = tpu.memref_slice %arg7[%add3A_122, %dma_start3A_128] : memref<125x80xi32, #tpu.memory_space<vmem>> -> memref<1x80xi32, #tpu.memory_space<vmem>>
      %dma_start3A_130 = tpu.memref_squeeze %dma_start3A_129 : memref<1x80xi32, #tpu.memory_space<vmem>> -> memref<80xi32, #tpu.memory_space<vmem>>
      %dma_start3A_131 = arith.constant 0 : i32
      %dma_start3A_132 = arith.constant 0 : i32
      %dma_start3A_133 = tpu.memref_slice %arg2[%dma_start3A_131, %dma_start3A_132] : memref<10000x32xf32, #tpu.memory_space<hbm>> -> memref<10000x32xf32, #tpu.memory_space<hbm>>
      tpu.enqueue_indirect_dma source(%dma_start3A_133 : memref<10000x32xf32, #tpu.memory_space<hbm>>) target(%dma_start3A_127 : memref<80x32xf32, #tpu.memory_space<vmem>>) offsets(%dma_start3A_130 : memref<80xi32, #tpu.memory_space<vmem>>) semaphore(%arg11 : memref<!tpu.dma_semaphore, #tpu.memory_space<semaphore_mem>>)
      %dma_wait3A_134 = arith.constant 1 : i32
      %dma_wait3A_135 = arith.constant 0 : i32
      %dma_wait3A_136 = arith.constant 0 : i32
      %dma_wait3A_137 = tpu.memref_slice %arg9[%dma_wait3A_134, %dma_wait3A_135, %dma_wait3A_136] : memref<2x80x32xf32, #tpu.memory_space<vmem>> -> memref<1x80x32xf32, #tpu.memory_space<vmem>>
      %dma_wait3A_138 = tpu.memref_squeeze %dma_wait3A_137 : memref<1x80x32xf32, #tpu.memory_space<vmem>> -> memref<80x32xf32, #tpu.memory_space<vmem>>
      %dma_wait3A_139 = arith.constant 0 : i32
      %dma_wait3A_140 = tpu.memref_slice %arg7[%add3A_107, %dma_wait3A_139] : memref<125x80xi32, #tpu.memory_space<vmem>> -> memref<1x80xi32, #tpu.memory_space<vmem>>
      %dma_wait3A_141 = tpu.memref_squeeze %dma_wait3A_140 : memref<1x80xi32, #tpu.memory_space<vmem>> -> memref<80xi32, #tpu.memory_space<vmem>>
      %dma_wait3A_142 = arith.constant 0 : i32
      %dma_wait3A_143 = arith.constant 0 : i32
      %dma_wait3A_144 = tpu.memref_slice %arg2[%dma_wait3A_142, %dma_wait3A_143] : memref<10000x32xf32, #tpu.memory_space<hbm>> -> memref<10000x32xf32, #tpu.memory_space<hbm>>
      tpu.wait_indirect_dma semaphore(%arg12 : memref<!tpu.dma_semaphore, #tpu.memory_space<semaphore_mem>>) src(%dma_wait3A_144 : memref<10000x32xf32, #tpu.memory_space<hbm>>) dst(%dma_wait3A_138 : memref<80x32xf32, #tpu.memory_space<vmem>>)
      %dma_start3A_145 = arith.constant 1 : i32
      %dma_start3A_146 = arith.constant 0 : i32
      %dma_start3A_147 = arith.constant 0 : i32
      %dma_start3A_148 = tpu.memref_slice %arg9[%dma_start3A_145, %dma_start3A_146, %dma_start3A_147] : memref<2x80x32xf32, #tpu.memory_space<vmem>> -> memref<1x80x32xf32, #tpu.memory_space<vmem>>
      %dma_start3A_149 = tpu.memref_squeeze %dma_start3A_148 : memref<1x80x32xf32, #tpu.memory_space<vmem>> -> memref<80x32xf32, #tpu.memory_space<vmem>>
      %dma_start3A_150 = arith.constant 0 : i32
      %dma_start3A_151 = tpu.memref_slice %arg8[%add3A_107, %dma_start3A_150] : memref<125x80xi32, #tpu.memory_space<vmem>> -> memref<1x80xi32, #tpu.memory_space<vmem>>
      %dma_start3A_152 = tpu.memref_squeeze %dma_start3A_151 : memref<1x80xi32, #tpu.memory_space<vmem>> -> memref<80xi32, #tpu.memory_space<vmem>>
      %dma_start3A_153 = arith.constant 0 : i32
      %dma_start3A_154 = arith.constant 0 : i32
      %dma_start3A_155 = tpu.memref_slice %arg10[%dma_start3A_153, %dma_start3A_154] : memref<10000x32xf32, #tpu.memory_space<vmem_shared>> -> memref<10000x32xf32, #tpu.memory_space<vmem_shared>>
      tpu.enqueue_indirect_dma source(%dma_start3A_149 : memref<80x32xf32, #tpu.memory_space<vmem>>) target(%dma_start3A_155 : memref<10000x32xf32, #tpu.memory_space<vmem_shared>>) offsets(%dma_start3A_152 : memref<80xi32, #tpu.memory_space<vmem>>) semaphore(%arg14 : memref<!tpu.dma_semaphore, #tpu.memory_space<semaphore_mem>>) {add = true}
    }
    %scan3A_36 = arith.constant 62 : i32
    %dma_wait3A = arith.constant 124 : i32
    %dma_wait3A_37 = arith.constant 0 : i32
    %dma_wait3A_38 = arith.constant 0 : i32
    %dma_wait3A_39 = arith.constant 0 : i32
    %dma_wait3A_40 = tpu.memref_slice %arg9[%dma_wait3A_37, %dma_wait3A_38, %dma_wait3A_39] : memref<2x80x32xf32, #tpu.memory_space<vmem>> -> memref<1x80x32xf32, #tpu.memory_space<vmem>>
    %dma_wait3A_41 = tpu.memref_squeeze %dma_wait3A_40 : memref<1x80x32xf32, #tpu.memory_space<vmem>> -> memref<80x32xf32, #tpu.memory_space<vmem>>
    %dma_wait3A_42 = arith.constant 0 : i32
    %dma_wait3A_43 = tpu.memref_slice %arg7[%dma_wait3A, %dma_wait3A_42] : memref<125x80xi32, #tpu.memory_space<vmem>> -> memref<1x80xi32, #tpu.memory_space<vmem>>
    %dma_wait3A_44 = tpu.memref_squeeze %dma_wait3A_43 : memref<1x80xi32, #tpu.memory_space<vmem>> -> memref<80xi32, #tpu.memory_space<vmem>>
    %dma_wait3A_45 = arith.constant 0 : i32
    %dma_wait3A_46 = arith.constant 0 : i32
    %dma_wait3A_47 = tpu.memref_slice %arg2[%dma_wait3A_45, %dma_wait3A_46] : memref<10000x32xf32, #tpu.memory_space<hbm>> -> memref<10000x32xf32, #tpu.memory_space<hbm>>
    tpu.wait_indirect_dma semaphore(%arg11 : memref<!tpu.dma_semaphore, #tpu.memory_space<semaphore_mem>>) src(%dma_wait3A_47 : memref<10000x32xf32, #tpu.memory_space<hbm>>) dst(%dma_wait3A_41 : memref<80x32xf32, #tpu.memory_space<vmem>>)
    %dma_wait3A_48 = arith.constant 1 : i32
    %dma_wait3A_49 = arith.constant 123 : i32
    %dma_wait3A_50 = arith.constant 0 : i32
    %dma_wait3A_51 = arith.constant 0 : i32
    %dma_wait3A_52 = tpu.memref_slice %arg9[%dma_wait3A_48, %dma_wait3A_50, %dma_wait3A_51] : memref<2x80x32xf32, #tpu.memory_space<vmem>> -> memref<1x80x32xf32, #tpu.memory_space<vmem>>
    %dma_wait3A_53 = tpu.memref_squeeze %dma_wait3A_52 : memref<1x80x32xf32, #tpu.memory_space<vmem>> -> memref<80x32xf32, #tpu.memory_space<vmem>>
    %dma_wait3A_54 = arith.constant 0 : i32
    %dma_wait3A_55 = tpu.memref_slice %arg8[%dma_wait3A_49, %dma_wait3A_54] : memref<125x80xi32, #tpu.memory_space<vmem>> -> memref<1x80xi32, #tpu.memory_space<vmem>>
    %dma_wait3A_56 = tpu.memref_squeeze %dma_wait3A_55 : memref<1x80xi32, #tpu.memory_space<vmem>> -> memref<80xi32, #tpu.memory_space<vmem>>
    %dma_wait3A_57 = arith.constant 0 : i32
    %dma_wait3A_58 = arith.constant 0 : i32
    %dma_wait3A_59 = tpu.memref_slice %arg10[%dma_wait3A_57, %dma_wait3A_58] : memref<10000x32xf32, #tpu.memory_space<vmem_shared>> -> memref<10000x32xf32, #tpu.memory_space<vmem_shared>>
    tpu.wait_indirect_dma semaphore(%arg14 : memref<!tpu.dma_semaphore, #tpu.memory_space<semaphore_mem>>) src(%dma_wait3A_53 : memref<80x32xf32, #tpu.memory_space<vmem>>) dst(%dma_wait3A_59 : memref<10000x32xf32, #tpu.memory_space<vmem_shared>>)
    %run_scoped3A = arith.constant 0 : i32
    %run_scoped3A_60 = arith.constant 124 : i32
    "tpu.region"() ({
      %run_scoped3A_62 = tpu.sem_alloc : memref<!tpu.dma_semaphore, #tpu.memory_space<semaphore_mem>>
      %dma_start3A_63 = arith.constant 0 : i32
      %dma_start3A_64 = arith.constant 0 : i32
      %dma_start3A_65 = tpu.memref_slice %arg9[%run_scoped3A, %dma_start3A_63, %dma_start3A_64] : memref<2x80x32xf32, #tpu.memory_space<vmem>> -> memref<1x80x32xf32, #tpu.memory_space<vmem>>
      %dma_start3A_66 = tpu.memref_squeeze %dma_start3A_65 : memref<1x80x32xf32, #tpu.memory_space<vmem>> -> memref<80x32xf32, #tpu.memory_space<vmem>>
      %dma_start3A_67 = arith.constant 0 : i32
      %dma_start3A_68 = tpu.memref_slice %arg8[%run_scoped3A_60, %dma_start3A_67] : memref<125x80xi32, #tpu.memory_space<vmem>> -> memref<1x80xi32, #tpu.memory_space<vmem>>
      %dma_start3A_69 = tpu.memref_squeeze %dma_start3A_68 : memref<1x80xi32, #tpu.memory_space<vmem>> -> memref<80xi32, #tpu.memory_space<vmem>>
      %dma_start3A_70 = arith.constant 0 : i32
      %dma_start3A_71 = arith.constant 0 : i32
      %dma_start3A_72 = tpu.memref_slice %arg10[%dma_start3A_70, %dma_start3A_71] : memref<10000x32xf32, #tpu.memory_space<vmem_shared>> -> memref<10000x32xf32, #tpu.memory_space<vmem_shared>>
      tpu.enqueue_indirect_dma source(%dma_start3A_66 : memref<80x32xf32, #tpu.memory_space<vmem>>) target(%dma_start3A_72 : memref<10000x32xf32, #tpu.memory_space<vmem_shared>>) offsets(%dma_start3A_69 : memref<80xi32, #tpu.memory_space<vmem>>) semaphore(%run_scoped3A_62 : memref<!tpu.dma_semaphore, #tpu.memory_space<semaphore_mem>>) {add = true}
      %dma_wait3A_73 = arith.constant 0 : i32
      %dma_wait3A_74 = arith.constant 0 : i32
      %dma_wait3A_75 = tpu.memref_slice %arg9[%run_scoped3A, %dma_wait3A_73, %dma_wait3A_74] : memref<2x80x32xf32, #tpu.memory_space<vmem>> -> memref<1x80x32xf32, #tpu.memory_space<vmem>>
      %dma_wait3A_76 = tpu.memref_squeeze %dma_wait3A_75 : memref<1x80x32xf32, #tpu.memory_space<vmem>> -> memref<80x32xf32, #tpu.memory_space<vmem>>
      %dma_wait3A_77 = arith.constant 0 : i32
      %dma_wait3A_78 = tpu.memref_slice %arg8[%run_scoped3A_60, %dma_wait3A_77] : memref<125x80xi32, #tpu.memory_space<vmem>> -> memref<1x80xi32, #tpu.memory_space<vmem>>
      %dma_wait3A_79 = tpu.memref_squeeze %dma_wait3A_78 : memref<1x80xi32, #tpu.memory_space<vmem>> -> memref<80xi32, #tpu.memory_space<vmem>>
      %dma_wait3A_80 = arith.constant 0 : i32
      %dma_wait3A_81 = arith.constant 0 : i32
      %dma_wait3A_82 = tpu.memref_slice %arg10[%dma_wait3A_80, %dma_wait3A_81] : memref<10000x32xf32, #tpu.memory_space<vmem_shared>> -> memref<10000x32xf32, #tpu.memory_space<vmem_shared>>
      tpu.wait_indirect_dma semaphore(%run_scoped3A_62 : memref<!tpu.dma_semaphore, #tpu.memory_space<semaphore_mem>>) src(%dma_wait3A_76 : memref<80x32xf32, #tpu.memory_space<vmem>>) dst(%dma_wait3A_82 : memref<10000x32xf32, #tpu.memory_space<vmem_shared>>)
      tpu.yield
    }) : () -> ()
    %barrier3A_61 = arith.constant 0 : index
    tpu.barrier barrier_id(%barrier3A_61)
    "tpu.region"() ({
      %run_scoped3A_62 = tpu.sem_alloc : memref<!tpu.dma_semaphore, #tpu.memory_space<semaphore_mem>>
      %dma_start3A_63 = arith.constant 0 : i32
      %dma_start3A_64 = tpu.memref_slice %arg6[%arg0, %multiple_of3A, %dma_start3A_63] : memref<2x10000x32xf32, #tpu.memory_space<hbm>> -> memref<1x632x32xf32, #tpu.memory_space<hbm>>
      %dma_start3A_65 = tpu.memref_squeeze %dma_start3A_64 : memref<1x632x32xf32, #tpu.memory_space<hbm>> -> memref<632x32xf32, #tpu.memory_space<hbm>>
      %dma_start3A_66 = arith.constant 0 : i32
      %dma_start3A_67 = tpu.memref_slice %arg10[%multiple_of3A, %dma_start3A_66] : memref<10000x32xf32, #tpu.memory_space<vmem_shared>> -> memref<632x32xf32, #tpu.memory_space<vmem_shared>>
      tpu.enqueue_dma source(%dma_start3A_67 : memref<632x32xf32, #tpu.memory_space<vmem_shared>>) target(%dma_start3A_65 : memref<632x32xf32, #tpu.memory_space<hbm>>) target_semaphore(%run_scoped3A_62 : memref<!tpu.dma_semaphore, #tpu.memory_space<semaphore_mem>>)
      %dma_wait3A_68 = arith.constant 0 : i32
      %dma_wait3A_69 = tpu.memref_slice %arg6[%arg0, %multiple_of3A, %dma_wait3A_68] : memref<2x10000x32xf32, #tpu.memory_space<hbm>> -> memref<1x632x32xf32, #tpu.memory_space<hbm>>
      %dma_wait3A_70 = tpu.memref_squeeze %dma_wait3A_69 : memref<1x632x32xf32, #tpu.memory_space<hbm>> -> memref<632x32xf32, #tpu.memory_space<hbm>>
      %dma_wait3A_71 = arith.constant 0 : i32
      %dma_wait3A_72 = tpu.memref_slice %arg10[%multiple_of3A, %dma_wait3A_71] : memref<10000x32xf32, #tpu.memory_space<vmem_shared>> -> memref<632x32xf32, #tpu.memory_space<vmem_shared>>
      tpu.wait_dma2 semaphore(%run_scoped3A_62 : memref<!tpu.dma_semaphore, #tpu.memory_space<semaphore_mem>>) src(%dma_wait3A_72 : memref<632x32xf32, #tpu.memory_space<vmem_shared>>) dst(%dma_wait3A_70 : memref<632x32xf32, #tpu.memory_space<hbm>>)
      tpu.yield
    }) : () -> ()
    return
  }
}

#map = affine_map<(d0, d1) -> (0, 0)>
#map1 = affine_map<(d0, d1) -> (0, 0, 0)>
module attributes {stable_mosaic.version = 14 : i64} {
  func.func @prop(%arg0: i32, %arg1: i32, %arg2: memref<10000x128xf32, #tpu.memory_space<hbm>>, %arg3: memref<32x125x80xi32, #tpu.memory_space<hbm>>, %arg4: memref<32x125x80xi32, #tpu.memory_space<hbm>>, %arg5: memref<632x128xf32, #tpu.memory_space<hbm>>, %arg6: memref<2x10000x128xf32, #tpu.memory_space<hbm>>, %arg7: memref<125x80xi32, #tpu.memory_space<vmem>>, %arg8: memref<125x80xi32, #tpu.memory_space<vmem>>, %arg9: memref<2x80x128xf32, #tpu.memory_space<vmem>>, %arg10: memref<10000x128xf32, #tpu.memory_space<vmem_shared>>, %arg11: memref<!tpu.dma_semaphore, #tpu.memory_space<semaphore_mem>>, %arg12: memref<!tpu.dma_semaphore, #tpu.memory_space<semaphore_mem>>, %arg13: memref<!tpu.dma_semaphore, #tpu.memory_space<semaphore_mem>>, %arg14: memref<!tpu.dma_semaphore, #tpu.memory_space<semaphore_mem>>) attributes {dimension_semantics = [#tpu.dimension_semantics<core_parallel>, #tpu.dimension_semantics<subcore_parallel>], iteration_bounds = array<i64: 2, 16>, scalar_prefetch = 0 : i64, scratch_operands = 8 : i64, tpu.core_type = #tpu.core_type<sc_vector_subcore>, window_params = [{transform_indices = #map}, {transform_indices = #map1}, {transform_indices = #map1}, {transform_indices = #map}, {transform_indices = #map1}]} {
    %mul3A = arith.constant 16 : i32
    %mul3A_0 = arith.muli %arg0, %mul3A : i32
    %add3A = arith.addi %mul3A_0, %arg1 : i32
    "tpu.region"() ({
      %run_scoped3A_62 = tpu.sem_alloc : memref<!tpu.dma_semaphore, #tpu.memory_space<semaphore_mem>>
      %dma_start3A_63 = arith.constant 0 : i32
      %dma_start3A_64 = arith.constant 0 : i32
      %dma_start3A_65 = tpu.memref_slice %arg3[%add3A, %dma_start3A_63, %dma_start3A_64] : memref<32x125x80xi32, #tpu.memory_space<hbm>> -> memref<1x125x80xi32, #tpu.memory_space<hbm>>
      %dma_start3A_66 = tpu.memref_squeeze %dma_start3A_65 : memref<1x125x80xi32, #tpu.memory_space<hbm>> -> memref<125x80xi32, #tpu.memory_space<hbm>>
      %dma_start3A_67 = arith.constant 0 : i32
      %dma_start3A_68 = arith.constant 0 : i32
      %dma_start3A_69 = tpu.memref_slice %arg3[%add3A, %dma_start3A_67, %dma_start3A_68] : memref<32x125x80xi32, #tpu.memory_space<hbm>> -> memref<1x125x80xi32, #tpu.memory_space<hbm>>
      %dma_start3A_70 = tpu.memref_squeeze %dma_start3A_69 : memref<1x125x80xi32, #tpu.memory_space<hbm>> -> memref<125x80xi32, #tpu.memory_space<hbm>>
      tpu.enqueue_dma source(%dma_start3A_70 : memref<125x80xi32, #tpu.memory_space<hbm>>) target(%arg7 : memref<125x80xi32, #tpu.memory_space<vmem>>) target_semaphore(%run_scoped3A_62 : memref<!tpu.dma_semaphore, #tpu.memory_space<semaphore_mem>>)
      %dma_wait3A_71 = arith.constant 0 : i32
      %dma_wait3A_72 = arith.constant 0 : i32
      %dma_wait3A_73 = tpu.memref_slice %arg3[%add3A, %dma_wait3A_71, %dma_wait3A_72] : memref<32x125x80xi32, #tpu.memory_space<hbm>> -> memref<1x125x80xi32, #tpu.memory_space<hbm>>
      %dma_wait3A_74 = tpu.memref_squeeze %dma_wait3A_73 : memref<1x125x80xi32, #tpu.memory_space<hbm>> -> memref<125x80xi32, #tpu.memory_space<hbm>>
      %dma_wait3A_75 = arith.constant 0 : i32
      %dma_wait3A_76 = arith.constant 0 : i32
      %dma_wait3A_77 = tpu.memref_slice %arg3[%add3A, %dma_wait3A_75, %dma_wait3A_76] : memref<32x125x80xi32, #tpu.memory_space<hbm>> -> memref<1x125x80xi32, #tpu.memory_space<hbm>>
      %dma_wait3A_78 = tpu.memref_squeeze %dma_wait3A_77 : memref<1x125x80xi32, #tpu.memory_space<hbm>> -> memref<125x80xi32, #tpu.memory_space<hbm>>
      tpu.wait_dma2 semaphore(%run_scoped3A_62 : memref<!tpu.dma_semaphore, #tpu.memory_space<semaphore_mem>>) src(%dma_wait3A_78 : memref<125x80xi32, #tpu.memory_space<hbm>>) dst(%arg7 : memref<125x80xi32, #tpu.memory_space<vmem>>)
      tpu.yield
    }) : () -> ()
    "tpu.region"() ({
      %run_scoped3A_62 = tpu.sem_alloc : memref<!tpu.dma_semaphore, #tpu.memory_space<semaphore_mem>>
      %dma_start3A_63 = arith.constant 0 : i32
      %dma_start3A_64 = arith.constant 0 : i32
      %dma_start3A_65 = tpu.memref_slice %arg4[%add3A, %dma_start3A_63, %dma_start3A_64] : memref<32x125x80xi32, #tpu.memory_space<hbm>> -> memref<1x125x80xi32, #tpu.memory_space<hbm>>
      %dma_start3A_66 = tpu.memref_squeeze %dma_start3A_65 : memref<1x125x80xi32, #tpu.memory_space<hbm>> -> memref<125x80xi32, #tpu.memory_space<hbm>>
      %dma_start3A_67 = arith.constant 0 : i32
      %dma_start3A_68 = arith.constant 0 : i32
      %dma_start3A_69 = tpu.memref_slice %arg4[%add3A, %dma_start3A_67, %dma_start3A_68] : memref<32x125x80xi32, #tpu.memory_space<hbm>> -> memref<1x125x80xi32, #tpu.memory_space<hbm>>
      %dma_start3A_70 = tpu.memref_squeeze %dma_start3A_69 : memref<1x125x80xi32, #tpu.memory_space<hbm>> -> memref<125x80xi32, #tpu.memory_space<hbm>>
      tpu.enqueue_dma source(%dma_start3A_70 : memref<125x80xi32, #tpu.memory_space<hbm>>) target(%arg8 : memref<125x80xi32, #tpu.memory_space<vmem>>) target_semaphore(%run_scoped3A_62 : memref<!tpu.dma_semaphore, #tpu.memory_space<semaphore_mem>>)
      %dma_wait3A_71 = arith.constant 0 : i32
      %dma_wait3A_72 = arith.constant 0 : i32
      %dma_wait3A_73 = tpu.memref_slice %arg4[%add3A, %dma_wait3A_71, %dma_wait3A_72] : memref<32x125x80xi32, #tpu.memory_space<hbm>> -> memref<1x125x80xi32, #tpu.memory_space<hbm>>
      %dma_wait3A_74 = tpu.memref_squeeze %dma_wait3A_73 : memref<1x125x80xi32, #tpu.memory_space<hbm>> -> memref<125x80xi32, #tpu.memory_space<hbm>>
      %dma_wait3A_75 = arith.constant 0 : i32
      %dma_wait3A_76 = arith.constant 0 : i32
      %dma_wait3A_77 = tpu.memref_slice %arg4[%add3A, %dma_wait3A_75, %dma_wait3A_76] : memref<32x125x80xi32, #tpu.memory_space<hbm>> -> memref<1x125x80xi32, #tpu.memory_space<hbm>>
      %dma_wait3A_78 = tpu.memref_squeeze %dma_wait3A_77 : memref<1x125x80xi32, #tpu.memory_space<hbm>> -> memref<125x80xi32, #tpu.memory_space<hbm>>
      tpu.wait_dma2 semaphore(%run_scoped3A_62 : memref<!tpu.dma_semaphore, #tpu.memory_space<semaphore_mem>>) src(%dma_wait3A_78 : memref<125x80xi32, #tpu.memory_space<hbm>>) dst(%arg8 : memref<125x80xi32, #tpu.memory_space<vmem>>)
      tpu.yield
    }) : () -> ()
    %mul3A_1 = arith.constant 625 : i32
    %mul3A_2 = arith.muli %arg1, %mul3A_1 : i32
    %jit3A = arith.constant 8 : i32
    %div3A = arith.divsi %mul3A_2, %jit3A : i32
    %sign3A = arith.constant 0 : i32
    %sign3A_3 = arith.cmpi sgt, %mul3A_2, %sign3A : i32
    %sign3A_4 = arith.extui %sign3A_3 : i1 to i32
    %sign3A_5 = arith.constant 0 : i32
    %sign3A_6 = arith.cmpi slt, %mul3A_2, %sign3A_5 : i32
    %sign3A_7 = arith.extui %sign3A_6 : i1 to i32
    %sign3A_8 = arith.subi %sign3A_4, %sign3A_7 : i32
    %sign3A_9 = arith.constant 0 : i32
    %sign3A_10 = arith.cmpi sgt, %jit3A, %sign3A_9 : i32
    %sign3A_11 = arith.extui %sign3A_10 : i1 to i32
    %sign3A_12 = arith.constant 0 : i32
    %sign3A_13 = arith.cmpi slt, %jit3A, %sign3A_12 : i32
    %sign3A_14 = arith.extui %sign3A_13 : i1 to i32
    %sign3A_15 = arith.subi %sign3A_11, %sign3A_14 : i32
    %ne3A = arith.cmpi ne, %sign3A_8, %sign3A_15 : i32
    %rem3A = arith.remsi %mul3A_2, %jit3A : i32
    %ne3A_16 = arith.constant 0 : i32
    %ne3A_17 = arith.cmpi ne, %rem3A, %ne3A_16 : i32
    %and3A = arith.andi %ne3A, %ne3A_17 : i1
    %sub3A = arith.constant 1 : i32
    %sub3A_18 = arith.subi %div3A, %sub3A : i32
    %select_n3A = arith.select %and3A, %sub3A_18, %div3A : i32
    %mul3A_19 = arith.constant 8 : i32
    %mul3A_20 = arith.muli %select_n3A, %mul3A_19 : i32
    %multiple_of3A = tpu.assume_multiple %mul3A_20, 8 : i32
    "tpu.region"() ({
      %run_scoped3A_62 = tpu.sem_alloc : memref<!tpu.dma_semaphore, #tpu.memory_space<semaphore_mem>>
      %dma_start3A_63 = arith.constant 0 : i32
      %dma_start3A_64 = tpu.memref_slice %arg10[%multiple_of3A, %dma_start3A_63] : memref<10000x128xf32, #tpu.memory_space<vmem_shared>> -> memref<632x128xf32, #tpu.memory_space<vmem_shared>>
      tpu.enqueue_dma source(%arg5 : memref<632x128xf32, #tpu.memory_space<hbm>>) target(%dma_start3A_64 : memref<632x128xf32, #tpu.memory_space<vmem_shared>>) target_semaphore(%run_scoped3A_62 : memref<!tpu.dma_semaphore, #tpu.memory_space<semaphore_mem>>)
      %dma_wait3A_65 = arith.constant 0 : i32
      %dma_wait3A_66 = tpu.memref_slice %arg10[%multiple_of3A, %dma_wait3A_65] : memref<10000x128xf32, #tpu.memory_space<vmem_shared>> -> memref<632x128xf32, #tpu.memory_space<vmem_shared>>
      tpu.wait_dma2 semaphore(%run_scoped3A_62 : memref<!tpu.dma_semaphore, #tpu.memory_space<semaphore_mem>>) src(%arg5 : memref<632x128xf32, #tpu.memory_space<hbm>>) dst(%dma_wait3A_66 : memref<632x128xf32, #tpu.memory_space<vmem_shared>>)
      tpu.yield
    }) : () -> ()
    %barrier3A = arith.constant 0 : index
    tpu.barrier barrier_id(%barrier3A)
    %dma_start3A = arith.constant 0 : i32
    %dma_start3A_21 = arith.constant 0 : i32
    %dma_start3A_22 = arith.constant 0 : i32
    %dma_start3A_23 = arith.constant 0 : i32
    %dma_start3A_24 = tpu.memref_slice %arg9[%dma_start3A_21, %dma_start3A_22, %dma_start3A_23] : memref<2x80x128xf32, #tpu.memory_space<vmem>> -> memref<1x80x128xf32, #tpu.memory_space<vmem>>
    %dma_start3A_25 = tpu.memref_squeeze %dma_start3A_24 : memref<1x80x128xf32, #tpu.memory_space<vmem>> -> memref<80x128xf32, #tpu.memory_space<vmem>>
    %dma_start3A_26 = arith.constant 0 : i32
    %dma_start3A_27 = tpu.memref_slice %arg7[%dma_start3A, %dma_start3A_26] : memref<125x80xi32, #tpu.memory_space<vmem>> -> memref<1x80xi32, #tpu.memory_space<vmem>>
    %dma_start3A_28 = tpu.memref_squeeze %dma_start3A_27 : memref<1x80xi32, #tpu.memory_space<vmem>> -> memref<80xi32, #tpu.memory_space<vmem>>
    %dma_start3A_29 = arith.constant 0 : i32
    %dma_start3A_30 = arith.constant 0 : i32
    %dma_start3A_31 = tpu.memref_slice %arg2[%dma_start3A_29, %dma_start3A_30] : memref<10000x128xf32, #tpu.memory_space<hbm>> -> memref<10000x128xf32, #tpu.memory_space<hbm>>
    tpu.enqueue_indirect_dma source(%dma_start3A_31 : memref<10000x128xf32, #tpu.memory_space<hbm>>) target(%dma_start3A_25 : memref<80x128xf32, #tpu.memory_space<vmem>>) offsets(%dma_start3A_28 : memref<80xi32, #tpu.memory_space<vmem>>) semaphore(%arg11 : memref<!tpu.dma_semaphore, #tpu.memory_space<semaphore_mem>>)
    %scan3A = arith.constant 0 : i32
    %scan3A_32 = arith.constant 0 : i32
    %scan3A_33 = arith.constant 62 : i32
    %scan3A_34 = arith.addi %scan3A_32, %scan3A_33 : i32
    %scan3A_35 = arith.constant 1 : i32
    scf.for %scan3A_62 = %scan3A_32 to %scan3A_34 step %scan3A_35  : i32 {
      %mul3A_63 = arith.constant 2 : i32
      %mul3A_64 = arith.muli %scan3A_62, %mul3A_63 : i32
      %add3A_65 = arith.constant 0 : i32
      %add3A_66 = arith.addi %mul3A_64, %add3A_65 : i32
      %ge3A = arith.constant 1 : i32
      %ge3A_67 = arith.cmpi sge, %scan3A_62, %ge3A : i32
      %convert_element_type3A = arith.extui %ge3A_67 : i1 to i32
      %cond3A = arith.constant 0 : i32
      %cond3A_68 = arith.cmpi ne, %convert_element_type3A, %cond3A : i32
      scf.if %cond3A_68 {
        %sub3A_156 = arith.constant 1 : i32
        %sub3A_157 = arith.subi %add3A_66, %sub3A_156 : i32
        %dma_wait3A_158 = arith.constant 1 : i32
        %dma_wait3A_159 = arith.constant 0 : i32
        %dma_wait3A_160 = arith.constant 0 : i32
        %dma_wait3A_161 = tpu.memref_slice %arg9[%dma_wait3A_158, %dma_wait3A_159, %dma_wait3A_160] : memref<2x80x128xf32, #tpu.memory_space<vmem>> -> memref<1x80x128xf32, #tpu.memory_space<vmem>>
        %dma_wait3A_162 = tpu.memref_squeeze %dma_wait3A_161 : memref<1x80x128xf32, #tpu.memory_space<vmem>> -> memref<80x128xf32, #tpu.memory_space<vmem>>
        %dma_wait3A_163 = arith.constant 0 : i32
        %dma_wait3A_164 = tpu.memref_slice %arg8[%sub3A_157, %dma_wait3A_163] : memref<125x80xi32, #tpu.memory_space<vmem>> -> memref<1x80xi32, #tpu.memory_space<vmem>>
        %dma_wait3A_165 = tpu.memref_squeeze %dma_wait3A_164 : memref<1x80xi32, #tpu.memory_space<vmem>> -> memref<80xi32, #tpu.memory_space<vmem>>
        %dma_wait3A_166 = arith.constant 0 : i32
        %dma_wait3A_167 = arith.constant 0 : i32
        %dma_wait3A_168 = tpu.memref_slice %arg10[%dma_wait3A_166, %dma_wait3A_167] : memref<10000x128xf32, #tpu.memory_space<vmem_shared>> -> memref<10000x128xf32, #tpu.memory_space<vmem_shared>>
        tpu.wait_indirect_dma semaphore(%arg14 : memref<!tpu.dma_semaphore, #tpu.memory_space<semaphore_mem>>) src(%dma_wait3A_162 : memref<80x128xf32, #tpu.memory_space<vmem>>) dst(%dma_wait3A_168 : memref<10000x128xf32, #tpu.memory_space<vmem_shared>>)
      } else {
      }
      %add3A_69 = arith.constant 1 : i32
      %add3A_70 = arith.addi %add3A_66, %add3A_69 : i32
      %dma_start3A_71 = arith.constant 1 : i32
      %dma_start3A_72 = arith.constant 0 : i32
      %dma_start3A_73 = arith.constant 0 : i32
      %dma_start3A_74 = tpu.memref_slice %arg9[%dma_start3A_71, %dma_start3A_72, %dma_start3A_73] : memref<2x80x128xf32, #tpu.memory_space<vmem>> -> memref<1x80x128xf32, #tpu.memory_space<vmem>>
      %dma_start3A_75 = tpu.memref_squeeze %dma_start3A_74 : memref<1x80x128xf32, #tpu.memory_space<vmem>> -> memref<80x128xf32, #tpu.memory_space<vmem>>
      %dma_start3A_76 = arith.constant 0 : i32
      %dma_start3A_77 = tpu.memref_slice %arg7[%add3A_70, %dma_start3A_76] : memref<125x80xi32, #tpu.memory_space<vmem>> -> memref<1x80xi32, #tpu.memory_space<vmem>>
      %dma_start3A_78 = tpu.memref_squeeze %dma_start3A_77 : memref<1x80xi32, #tpu.memory_space<vmem>> -> memref<80xi32, #tpu.memory_space<vmem>>
      %dma_start3A_79 = arith.constant 0 : i32
      %dma_start3A_80 = arith.constant 0 : i32
      %dma_start3A_81 = tpu.memref_slice %arg2[%dma_start3A_79, %dma_start3A_80] : memref<10000x128xf32, #tpu.memory_space<hbm>> -> memref<10000x128xf32, #tpu.memory_space<hbm>>
      tpu.enqueue_indirect_dma source(%dma_start3A_81 : memref<10000x128xf32, #tpu.memory_space<hbm>>) target(%dma_start3A_75 : memref<80x128xf32, #tpu.memory_space<vmem>>) offsets(%dma_start3A_78 : memref<80xi32, #tpu.memory_space<vmem>>) semaphore(%arg12 : memref<!tpu.dma_semaphore, #tpu.memory_space<semaphore_mem>>)
      %dma_wait3A_82 = arith.constant 0 : i32
      %dma_wait3A_83 = arith.constant 0 : i32
      %dma_wait3A_84 = arith.constant 0 : i32
      %dma_wait3A_85 = tpu.memref_slice %arg9[%dma_wait3A_82, %dma_wait3A_83, %dma_wait3A_84] : memref<2x80x128xf32, #tpu.memory_space<vmem>> -> memref<1x80x128xf32, #tpu.memory_space<vmem>>
      %dma_wait3A_86 = tpu.memref_squeeze %dma_wait3A_85 : memref<1x80x128xf32, #tpu.memory_space<vmem>> -> memref<80x128xf32, #tpu.memory_space<vmem>>
      %dma_wait3A_87 = arith.constant 0 : i32
      %dma_wait3A_88 = tpu.memref_slice %arg7[%add3A_66, %dma_wait3A_87] : memref<125x80xi32, #tpu.memory_space<vmem>> -> memref<1x80xi32, #tpu.memory_space<vmem>>
      %dma_wait3A_89 = tpu.memref_squeeze %dma_wait3A_88 : memref<1x80xi32, #tpu.memory_space<vmem>> -> memref<80xi32, #tpu.memory_space<vmem>>
      %dma_wait3A_90 = arith.constant 0 : i32
      %dma_wait3A_91 = arith.constant 0 : i32
      %dma_wait3A_92 = tpu.memref_slice %arg2[%dma_wait3A_90, %dma_wait3A_91] : memref<10000x128xf32, #tpu.memory_space<hbm>> -> memref<10000x128xf32, #tpu.memory_space<hbm>>
      tpu.wait_indirect_dma semaphore(%arg11 : memref<!tpu.dma_semaphore, #tpu.memory_space<semaphore_mem>>) src(%dma_wait3A_92 : memref<10000x128xf32, #tpu.memory_space<hbm>>) dst(%dma_wait3A_86 : memref<80x128xf32, #tpu.memory_space<vmem>>)
      %dma_start3A_93 = arith.constant 0 : i32
      %dma_start3A_94 = arith.constant 0 : i32
      %dma_start3A_95 = arith.constant 0 : i32
      %dma_start3A_96 = tpu.memref_slice %arg9[%dma_start3A_93, %dma_start3A_94, %dma_start3A_95] : memref<2x80x128xf32, #tpu.memory_space<vmem>> -> memref<1x80x128xf32, #tpu.memory_space<vmem>>
      %dma_start3A_97 = tpu.memref_squeeze %dma_start3A_96 : memref<1x80x128xf32, #tpu.memory_space<vmem>> -> memref<80x128xf32, #tpu.memory_space<vmem>>
      %dma_start3A_98 = arith.constant 0 : i32
      %dma_start3A_99 = tpu.memref_slice %arg8[%add3A_66, %dma_start3A_98] : memref<125x80xi32, #tpu.memory_space<vmem>> -> memref<1x80xi32, #tpu.memory_space<vmem>>
      %dma_start3A_100 = tpu.memref_squeeze %dma_start3A_99 : memref<1x80xi32, #tpu.memory_space<vmem>> -> memref<80xi32, #tpu.memory_space<vmem>>
      %dma_start3A_101 = arith.constant 0 : i32
      %dma_start3A_102 = arith.constant 0 : i32
      %dma_start3A_103 = tpu.memref_slice %arg10[%dma_start3A_101, %dma_start3A_102] : memref<10000x128xf32, #tpu.memory_space<vmem_shared>> -> memref<10000x128xf32, #tpu.memory_space<vmem_shared>>
      tpu.enqueue_indirect_dma source(%dma_start3A_97 : memref<80x128xf32, #tpu.memory_space<vmem>>) target(%dma_start3A_103 : memref<10000x128xf32, #tpu.memory_space<vmem_shared>>) offsets(%dma_start3A_100 : memref<80xi32, #tpu.memory_space<vmem>>) semaphore(%arg13 : memref<!tpu.dma_semaphore, #tpu.memory_space<semaphore_mem>>) {add = true}
      %mul3A_104 = arith.constant 2 : i32
      %mul3A_105 = arith.muli %scan3A_62, %mul3A_104 : i32
      %add3A_106 = arith.constant 1 : i32
      %add3A_107 = arith.addi %mul3A_105, %add3A_106 : i32
      %sub3A_108 = arith.constant 1 : i32
      %sub3A_109 = arith.subi %add3A_107, %sub3A_108 : i32
      %dma_wait3A_110 = arith.constant 0 : i32
      %dma_wait3A_111 = arith.constant 0 : i32
      %dma_wait3A_112 = arith.constant 0 : i32
      %dma_wait3A_113 = tpu.memref_slice %arg9[%dma_wait3A_110, %dma_wait3A_111, %dma_wait3A_112] : memref<2x80x128xf32, #tpu.memory_space<vmem>> -> memref<1x80x128xf32, #tpu.memory_space<vmem>>
      %dma_wait3A_114 = tpu.memref_squeeze %dma_wait3A_113 : memref<1x80x128xf32, #tpu.memory_space<vmem>> -> memref<80x128xf32, #tpu.memory_space<vmem>>
      %dma_wait3A_115 = arith.constant 0 : i32
      %dma_wait3A_116 = tpu.memref_slice %arg8[%sub3A_109, %dma_wait3A_115] : memref<125x80xi32, #tpu.memory_space<vmem>> -> memref<1x80xi32, #tpu.memory_space<vmem>>
      %dma_wait3A_117 = tpu.memref_squeeze %dma_wait3A_116 : memref<1x80xi32, #tpu.memory_space<vmem>> -> memref<80xi32, #tpu.memory_space<vmem>>
      %dma_wait3A_118 = arith.constant 0 : i32
      %dma_wait3A_119 = arith.constant 0 : i32
      %dma_wait3A_120 = tpu.memref_slice %arg10[%dma_wait3A_118, %dma_wait3A_119] : memref<10000x128xf32, #tpu.memory_space<vmem_shared>> -> memref<10000x128xf32, #tpu.memory_space<vmem_shared>>
      tpu.wait_indirect_dma semaphore(%arg13 : memref<!tpu.dma_semaphore, #tpu.memory_space<semaphore_mem>>) src(%dma_wait3A_114 : memref<80x128xf32, #tpu.memory_space<vmem>>) dst(%dma_wait3A_120 : memref<10000x128xf32, #tpu.memory_space<vmem_shared>>)
      %add3A_121 = arith.constant 1 : i32
      %add3A_122 = arith.addi %add3A_107, %add3A_121 : i32
      %dma_start3A_123 = arith.constant 0 : i32
      %dma_start3A_124 = arith.constant 0 : i32
      %dma_start3A_125 = arith.constant 0 : i32
      %dma_start3A_126 = tpu.memref_slice %arg9[%dma_start3A_123, %dma_start3A_124, %dma_start3A_125] : memref<2x80x128xf32, #tpu.memory_space<vmem>> -> memref<1x80x128xf32, #tpu.memory_space<vmem>>
      %dma_start3A_127 = tpu.memref_squeeze %dma_start3A_126 : memref<1x80x128xf32, #tpu.memory_space<vmem>> -> memref<80x128xf32, #tpu.memory_space<vmem>>
      %dma_start3A_128 = arith.constant 0 : i32
      %dma_start3A_129 = tpu.memref_slice %arg7[%add3A_122, %dma_start3A_128] : memref<125x80xi32, #tpu.memory_space<vmem>> -> memref<1x80xi32, #tpu.memory_space<vmem>>
      %dma_start3A_130 = tpu.memref_squeeze %dma_start3A_129 : memref<1x80xi32, #tpu.memory_space<vmem>> -> memref<80xi32, #tpu.memory_space<vmem>>
      %dma_start3A_131 = arith.constant 0 : i32
      %dma_start3A_132 = arith.constant 0 : i32
      %dma_start3A_133 = tpu.memref_slice %arg2[%dma_start3A_131, %dma_start3A_132] : memref<10000x128xf32, #tpu.memory_space<hbm>> -> memref<10000x128xf32, #tpu.memory_space<hbm>>
      tpu.enqueue_indirect_dma source(%dma_start3A_133 : memref<10000x128xf32, #tpu.memory_space<hbm>>) target(%dma_start3A_127 : memref<80x128xf32, #tpu.memory_space<vmem>>) offsets(%dma_start3A_130 : memref<80xi32, #tpu.memory_space<vmem>>) semaphore(%arg11 : memref<!tpu.dma_semaphore, #tpu.memory_space<semaphore_mem>>)
      %dma_wait3A_134 = arith.constant 1 : i32
      %dma_wait3A_135 = arith.constant 0 : i32
      %dma_wait3A_136 = arith.constant 0 : i32
      %dma_wait3A_137 = tpu.memref_slice %arg9[%dma_wait3A_134, %dma_wait3A_135, %dma_wait3A_136] : memref<2x80x128xf32, #tpu.memory_space<vmem>> -> memref<1x80x128xf32, #tpu.memory_space<vmem>>
      %dma_wait3A_138 = tpu.memref_squeeze %dma_wait3A_137 : memref<1x80x128xf32, #tpu.memory_space<vmem>> -> memref<80x128xf32, #tpu.memory_space<vmem>>
      %dma_wait3A_139 = arith.constant 0 : i32
      %dma_wait3A_140 = tpu.memref_slice %arg7[%add3A_107, %dma_wait3A_139] : memref<125x80xi32, #tpu.memory_space<vmem>> -> memref<1x80xi32, #tpu.memory_space<vmem>>
      %dma_wait3A_141 = tpu.memref_squeeze %dma_wait3A_140 : memref<1x80xi32, #tpu.memory_space<vmem>> -> memref<80xi32, #tpu.memory_space<vmem>>
      %dma_wait3A_142 = arith.constant 0 : i32
      %dma_wait3A_143 = arith.constant 0 : i32
      %dma_wait3A_144 = tpu.memref_slice %arg2[%dma_wait3A_142, %dma_wait3A_143] : memref<10000x128xf32, #tpu.memory_space<hbm>> -> memref<10000x128xf32, #tpu.memory_space<hbm>>
      tpu.wait_indirect_dma semaphore(%arg12 : memref<!tpu.dma_semaphore, #tpu.memory_space<semaphore_mem>>) src(%dma_wait3A_144 : memref<10000x128xf32, #tpu.memory_space<hbm>>) dst(%dma_wait3A_138 : memref<80x128xf32, #tpu.memory_space<vmem>>)
      %dma_start3A_145 = arith.constant 1 : i32
      %dma_start3A_146 = arith.constant 0 : i32
      %dma_start3A_147 = arith.constant 0 : i32
      %dma_start3A_148 = tpu.memref_slice %arg9[%dma_start3A_145, %dma_start3A_146, %dma_start3A_147] : memref<2x80x128xf32, #tpu.memory_space<vmem>> -> memref<1x80x128xf32, #tpu.memory_space<vmem>>
      %dma_start3A_149 = tpu.memref_squeeze %dma_start3A_148 : memref<1x80x128xf32, #tpu.memory_space<vmem>> -> memref<80x128xf32, #tpu.memory_space<vmem>>
      %dma_start3A_150 = arith.constant 0 : i32
      %dma_start3A_151 = tpu.memref_slice %arg8[%add3A_107, %dma_start3A_150] : memref<125x80xi32, #tpu.memory_space<vmem>> -> memref<1x80xi32, #tpu.memory_space<vmem>>
      %dma_start3A_152 = tpu.memref_squeeze %dma_start3A_151 : memref<1x80xi32, #tpu.memory_space<vmem>> -> memref<80xi32, #tpu.memory_space<vmem>>
      %dma_start3A_153 = arith.constant 0 : i32
      %dma_start3A_154 = arith.constant 0 : i32
      %dma_start3A_155 = tpu.memref_slice %arg10[%dma_start3A_153, %dma_start3A_154] : memref<10000x128xf32, #tpu.memory_space<vmem_shared>> -> memref<10000x128xf32, #tpu.memory_space<vmem_shared>>
      tpu.enqueue_indirect_dma source(%dma_start3A_149 : memref<80x128xf32, #tpu.memory_space<vmem>>) target(%dma_start3A_155 : memref<10000x128xf32, #tpu.memory_space<vmem_shared>>) offsets(%dma_start3A_152 : memref<80xi32, #tpu.memory_space<vmem>>) semaphore(%arg14 : memref<!tpu.dma_semaphore, #tpu.memory_space<semaphore_mem>>) {add = true}
    }
    %scan3A_36 = arith.constant 62 : i32
    %dma_wait3A = arith.constant 124 : i32
    %dma_wait3A_37 = arith.constant 0 : i32
    %dma_wait3A_38 = arith.constant 0 : i32
    %dma_wait3A_39 = arith.constant 0 : i32
    %dma_wait3A_40 = tpu.memref_slice %arg9[%dma_wait3A_37, %dma_wait3A_38, %dma_wait3A_39] : memref<2x80x128xf32, #tpu.memory_space<vmem>> -> memref<1x80x128xf32, #tpu.memory_space<vmem>>
    %dma_wait3A_41 = tpu.memref_squeeze %dma_wait3A_40 : memref<1x80x128xf32, #tpu.memory_space<vmem>> -> memref<80x128xf32, #tpu.memory_space<vmem>>
    %dma_wait3A_42 = arith.constant 0 : i32
    %dma_wait3A_43 = tpu.memref_slice %arg7[%dma_wait3A, %dma_wait3A_42] : memref<125x80xi32, #tpu.memory_space<vmem>> -> memref<1x80xi32, #tpu.memory_space<vmem>>
    %dma_wait3A_44 = tpu.memref_squeeze %dma_wait3A_43 : memref<1x80xi32, #tpu.memory_space<vmem>> -> memref<80xi32, #tpu.memory_space<vmem>>
    %dma_wait3A_45 = arith.constant 0 : i32
    %dma_wait3A_46 = arith.constant 0 : i32
    %dma_wait3A_47 = tpu.memref_slice %arg2[%dma_wait3A_45, %dma_wait3A_46] : memref<10000x128xf32, #tpu.memory_space<hbm>> -> memref<10000x128xf32, #tpu.memory_space<hbm>>
    tpu.wait_indirect_dma semaphore(%arg11 : memref<!tpu.dma_semaphore, #tpu.memory_space<semaphore_mem>>) src(%dma_wait3A_47 : memref<10000x128xf32, #tpu.memory_space<hbm>>) dst(%dma_wait3A_41 : memref<80x128xf32, #tpu.memory_space<vmem>>)
    %dma_wait3A_48 = arith.constant 1 : i32
    %dma_wait3A_49 = arith.constant 123 : i32
    %dma_wait3A_50 = arith.constant 0 : i32
    %dma_wait3A_51 = arith.constant 0 : i32
    %dma_wait3A_52 = tpu.memref_slice %arg9[%dma_wait3A_48, %dma_wait3A_50, %dma_wait3A_51] : memref<2x80x128xf32, #tpu.memory_space<vmem>> -> memref<1x80x128xf32, #tpu.memory_space<vmem>>
    %dma_wait3A_53 = tpu.memref_squeeze %dma_wait3A_52 : memref<1x80x128xf32, #tpu.memory_space<vmem>> -> memref<80x128xf32, #tpu.memory_space<vmem>>
    %dma_wait3A_54 = arith.constant 0 : i32
    %dma_wait3A_55 = tpu.memref_slice %arg8[%dma_wait3A_49, %dma_wait3A_54] : memref<125x80xi32, #tpu.memory_space<vmem>> -> memref<1x80xi32, #tpu.memory_space<vmem>>
    %dma_wait3A_56 = tpu.memref_squeeze %dma_wait3A_55 : memref<1x80xi32, #tpu.memory_space<vmem>> -> memref<80xi32, #tpu.memory_space<vmem>>
    %dma_wait3A_57 = arith.constant 0 : i32
    %dma_wait3A_58 = arith.constant 0 : i32
    %dma_wait3A_59 = tpu.memref_slice %arg10[%dma_wait3A_57, %dma_wait3A_58] : memref<10000x128xf32, #tpu.memory_space<vmem_shared>> -> memref<10000x128xf32, #tpu.memory_space<vmem_shared>>
    tpu.wait_indirect_dma semaphore(%arg14 : memref<!tpu.dma_semaphore, #tpu.memory_space<semaphore_mem>>) src(%dma_wait3A_53 : memref<80x128xf32, #tpu.memory_space<vmem>>) dst(%dma_wait3A_59 : memref<10000x128xf32, #tpu.memory_space<vmem_shared>>)
    %run_scoped3A = arith.constant 0 : i32
    %run_scoped3A_60 = arith.constant 124 : i32
    "tpu.region"() ({
      %run_scoped3A_62 = tpu.sem_alloc : memref<!tpu.dma_semaphore, #tpu.memory_space<semaphore_mem>>
      %dma_start3A_63 = arith.constant 0 : i32
      %dma_start3A_64 = arith.constant 0 : i32
      %dma_start3A_65 = tpu.memref_slice %arg9[%run_scoped3A, %dma_start3A_63, %dma_start3A_64] : memref<2x80x128xf32, #tpu.memory_space<vmem>> -> memref<1x80x128xf32, #tpu.memory_space<vmem>>
      %dma_start3A_66 = tpu.memref_squeeze %dma_start3A_65 : memref<1x80x128xf32, #tpu.memory_space<vmem>> -> memref<80x128xf32, #tpu.memory_space<vmem>>
      %dma_start3A_67 = arith.constant 0 : i32
      %dma_start3A_68 = tpu.memref_slice %arg8[%run_scoped3A_60, %dma_start3A_67] : memref<125x80xi32, #tpu.memory_space<vmem>> -> memref<1x80xi32, #tpu.memory_space<vmem>>
      %dma_start3A_69 = tpu.memref_squeeze %dma_start3A_68 : memref<1x80xi32, #tpu.memory_space<vmem>> -> memref<80xi32, #tpu.memory_space<vmem>>
      %dma_start3A_70 = arith.constant 0 : i32
      %dma_start3A_71 = arith.constant 0 : i32
      %dma_start3A_72 = tpu.memref_slice %arg10[%dma_start3A_70, %dma_start3A_71] : memref<10000x128xf32, #tpu.memory_space<vmem_shared>> -> memref<10000x128xf32, #tpu.memory_space<vmem_shared>>
      tpu.enqueue_indirect_dma source(%dma_start3A_66 : memref<80x128xf32, #tpu.memory_space<vmem>>) target(%dma_start3A_72 : memref<10000x128xf32, #tpu.memory_space<vmem_shared>>) offsets(%dma_start3A_69 : memref<80xi32, #tpu.memory_space<vmem>>) semaphore(%run_scoped3A_62 : memref<!tpu.dma_semaphore, #tpu.memory_space<semaphore_mem>>) {add = true}
      %dma_wait3A_73 = arith.constant 0 : i32
      %dma_wait3A_74 = arith.constant 0 : i32
      %dma_wait3A_75 = tpu.memref_slice %arg9[%run_scoped3A, %dma_wait3A_73, %dma_wait3A_74] : memref<2x80x128xf32, #tpu.memory_space<vmem>> -> memref<1x80x128xf32, #tpu.memory_space<vmem>>
      %dma_wait3A_76 = tpu.memref_squeeze %dma_wait3A_75 : memref<1x80x128xf32, #tpu.memory_space<vmem>> -> memref<80x128xf32, #tpu.memory_space<vmem>>
      %dma_wait3A_77 = arith.constant 0 : i32
      %dma_wait3A_78 = tpu.memref_slice %arg8[%run_scoped3A_60, %dma_wait3A_77] : memref<125x80xi32, #tpu.memory_space<vmem>> -> memref<1x80xi32, #tpu.memory_space<vmem>>
      %dma_wait3A_79 = tpu.memref_squeeze %dma_wait3A_78 : memref<1x80xi32, #tpu.memory_space<vmem>> -> memref<80xi32, #tpu.memory_space<vmem>>
      %dma_wait3A_80 = arith.constant 0 : i32
      %dma_wait3A_81 = arith.constant 0 : i32
      %dma_wait3A_82 = tpu.memref_slice %arg10[%dma_wait3A_80, %dma_wait3A_81] : memref<10000x128xf32, #tpu.memory_space<vmem_shared>> -> memref<10000x128xf32, #tpu.memory_space<vmem_shared>>
      tpu.wait_indirect_dma semaphore(%run_scoped3A_62 : memref<!tpu.dma_semaphore, #tpu.memory_space<semaphore_mem>>) src(%dma_wait3A_76 : memref<80x128xf32, #tpu.memory_space<vmem>>) dst(%dma_wait3A_82 : memref<10000x128xf32, #tpu.memory_space<vmem_shared>>)
      tpu.yield
    }) : () -> ()
    %barrier3A_61 = arith.constant 0 : index
    tpu.barrier barrier_id(%barrier3A_61)
    "tpu.region"() ({
      %run_scoped3A_62 = tpu.sem_alloc : memref<!tpu.dma_semaphore, #tpu.memory_space<semaphore_mem>>
      %dma_start3A_63 = arith.constant 0 : i32
      %dma_start3A_64 = tpu.memref_slice %arg6[%arg0, %multiple_of3A, %dma_start3A_63] : memref<2x10000x128xf32, #tpu.memory_space<hbm>> -> memref<1x632x128xf32, #tpu.memory_space<hbm>>
      %dma_start3A_65 = tpu.memref_squeeze %dma_start3A_64 : memref<1x632x128xf32, #tpu.memory_space<hbm>> -> memref<632x128xf32, #tpu.memory_space<hbm>>
      %dma_start3A_66 = arith.constant 0 : i32
      %dma_start3A_67 = tpu.memref_slice %arg10[%multiple_of3A, %dma_start3A_66] : memref<10000x128xf32, #tpu.memory_space<vmem_shared>> -> memref<632x128xf32, #tpu.memory_space<vmem_shared>>
      tpu.enqueue_dma source(%dma_start3A_67 : memref<632x128xf32, #tpu.memory_space<vmem_shared>>) target(%dma_start3A_65 : memref<632x128xf32, #tpu.memory_space<hbm>>) target_semaphore(%run_scoped3A_62 : memref<!tpu.dma_semaphore, #tpu.memory_space<semaphore_mem>>)
      %dma_wait3A_68 = arith.constant 0 : i32
      %dma_wait3A_69 = tpu.memref_slice %arg6[%arg0, %multiple_of3A, %dma_wait3A_68] : memref<2x10000x128xf32, #tpu.memory_space<hbm>> -> memref<1x632x128xf32, #tpu.memory_space<hbm>>
      %dma_wait3A_70 = tpu.memref_squeeze %dma_wait3A_69 : memref<1x632x128xf32, #tpu.memory_space<hbm>> -> memref<632x128xf32, #tpu.memory_space<hbm>>
      %dma_wait3A_71 = arith.constant 0 : i32
      %dma_wait3A_72 = tpu.memref_slice %arg10[%multiple_of3A, %dma_wait3A_71] : memref<10000x128xf32, #tpu.memory_space<vmem_shared>> -> memref<632x128xf32, #tpu.memory_space<vmem_shared>>
      tpu.wait_dma2 semaphore(%run_scoped3A_62 : memref<!tpu.dma_semaphore, #tpu.memory_space<semaphore_mem>>) src(%dma_wait3A_72 : memref<632x128xf32, #tpu.memory_space<vmem_shared>>) dst(%dma_wait3A_70 : memref<632x128xf32, #tpu.memory_space<hbm>>)
      tpu.yield
    }) : () -> ()
    return
  }
}

#map = affine_map<(d0, d1) -> (0, 0)>
#map1 = affine_map<(d0, d1) -> (0, 0, 0)>
module attributes {stable_mosaic.version = 14 : i64} {
  func.func @prop(%arg0: i32, %arg1: i32, %arg2: memref<10000x128xf32, #tpu.memory_space<hbm>>, %arg3: memref<32x125x80xi32, #tpu.memory_space<hbm>>, %arg4: memref<32x125x80xi32, #tpu.memory_space<hbm>>, %arg5: memref<632x128xf32, #tpu.memory_space<hbm>>, %arg6: memref<2x10000x128xf32, #tpu.memory_space<hbm>>, %arg7: memref<125x80xi32, #tpu.memory_space<vmem>>, %arg8: memref<125x80xi32, #tpu.memory_space<vmem>>, %arg9: memref<2x80x128xf32, #tpu.memory_space<vmem>>, %arg10: memref<10000x128xf32, #tpu.memory_space<vmem_shared>>, %arg11: memref<!tpu.dma_semaphore, #tpu.memory_space<semaphore_mem>>, %arg12: memref<!tpu.dma_semaphore, #tpu.memory_space<semaphore_mem>>, %arg13: memref<!tpu.dma_semaphore, #tpu.memory_space<semaphore_mem>>, %arg14: memref<!tpu.dma_semaphore, #tpu.memory_space<semaphore_mem>>) attributes {dimension_semantics = [#tpu.dimension_semantics<core_parallel>, #tpu.dimension_semantics<subcore_parallel>], iteration_bounds = array<i64: 2, 16>, scalar_prefetch = 0 : i64, scratch_operands = 8 : i64, tpu.core_type = #tpu.core_type<sc_vector_subcore>, window_params = [{transform_indices = #map}, {transform_indices = #map1}, {transform_indices = #map1}, {transform_indices = #map}, {transform_indices = #map1}]} {
    %mul3A = arith.constant 16 : i32
    %mul3A_0 = arith.muli %arg0, %mul3A : i32
    %add3A = arith.addi %mul3A_0, %arg1 : i32
    "tpu.region"() ({
      %run_scoped3A_62 = tpu.sem_alloc : memref<!tpu.dma_semaphore, #tpu.memory_space<semaphore_mem>>
      %dma_start3A_63 = arith.constant 0 : i32
      %dma_start3A_64 = arith.constant 0 : i32
      %dma_start3A_65 = tpu.memref_slice %arg3[%add3A, %dma_start3A_63, %dma_start3A_64] : memref<32x125x80xi32, #tpu.memory_space<hbm>> -> memref<1x125x80xi32, #tpu.memory_space<hbm>>
      %dma_start3A_66 = tpu.memref_squeeze %dma_start3A_65 : memref<1x125x80xi32, #tpu.memory_space<hbm>> -> memref<125x80xi32, #tpu.memory_space<hbm>>
      %dma_start3A_67 = arith.constant 0 : i32
      %dma_start3A_68 = arith.constant 0 : i32
      %dma_start3A_69 = tpu.memref_slice %arg3[%add3A, %dma_start3A_67, %dma_start3A_68] : memref<32x125x80xi32, #tpu.memory_space<hbm>> -> memref<1x125x80xi32, #tpu.memory_space<hbm>>
      %dma_start3A_70 = tpu.memref_squeeze %dma_start3A_69 : memref<1x125x80xi32, #tpu.memory_space<hbm>> -> memref<125x80xi32, #tpu.memory_space<hbm>>
      tpu.enqueue_dma source(%dma_start3A_70 : memref<125x80xi32, #tpu.memory_space<hbm>>) target(%arg7 : memref<125x80xi32, #tpu.memory_space<vmem>>) target_semaphore(%run_scoped3A_62 : memref<!tpu.dma_semaphore, #tpu.memory_space<semaphore_mem>>)
      %dma_wait3A_71 = arith.constant 0 : i32
      %dma_wait3A_72 = arith.constant 0 : i32
      %dma_wait3A_73 = tpu.memref_slice %arg3[%add3A, %dma_wait3A_71, %dma_wait3A_72] : memref<32x125x80xi32, #tpu.memory_space<hbm>> -> memref<1x125x80xi32, #tpu.memory_space<hbm>>
      %dma_wait3A_74 = tpu.memref_squeeze %dma_wait3A_73 : memref<1x125x80xi32, #tpu.memory_space<hbm>> -> memref<125x80xi32, #tpu.memory_space<hbm>>
      %dma_wait3A_75 = arith.constant 0 : i32
      %dma_wait3A_76 = arith.constant 0 : i32
      %dma_wait3A_77 = tpu.memref_slice %arg3[%add3A, %dma_wait3A_75, %dma_wait3A_76] : memref<32x125x80xi32, #tpu.memory_space<hbm>> -> memref<1x125x80xi32, #tpu.memory_space<hbm>>
      %dma_wait3A_78 = tpu.memref_squeeze %dma_wait3A_77 : memref<1x125x80xi32, #tpu.memory_space<hbm>> -> memref<125x80xi32, #tpu.memory_space<hbm>>
      tpu.wait_dma2 semaphore(%run_scoped3A_62 : memref<!tpu.dma_semaphore, #tpu.memory_space<semaphore_mem>>) src(%dma_wait3A_78 : memref<125x80xi32, #tpu.memory_space<hbm>>) dst(%arg7 : memref<125x80xi32, #tpu.memory_space<vmem>>)
      tpu.yield
    }) : () -> ()
    "tpu.region"() ({
      %run_scoped3A_62 = tpu.sem_alloc : memref<!tpu.dma_semaphore, #tpu.memory_space<semaphore_mem>>
      %dma_start3A_63 = arith.constant 0 : i32
      %dma_start3A_64 = arith.constant 0 : i32
      %dma_start3A_65 = tpu.memref_slice %arg4[%add3A, %dma_start3A_63, %dma_start3A_64] : memref<32x125x80xi32, #tpu.memory_space<hbm>> -> memref<1x125x80xi32, #tpu.memory_space<hbm>>
      %dma_start3A_66 = tpu.memref_squeeze %dma_start3A_65 : memref<1x125x80xi32, #tpu.memory_space<hbm>> -> memref<125x80xi32, #tpu.memory_space<hbm>>
      %dma_start3A_67 = arith.constant 0 : i32
      %dma_start3A_68 = arith.constant 0 : i32
      %dma_start3A_69 = tpu.memref_slice %arg4[%add3A, %dma_start3A_67, %dma_start3A_68] : memref<32x125x80xi32, #tpu.memory_space<hbm>> -> memref<1x125x80xi32, #tpu.memory_space<hbm>>
      %dma_start3A_70 = tpu.memref_squeeze %dma_start3A_69 : memref<1x125x80xi32, #tpu.memory_space<hbm>> -> memref<125x80xi32, #tpu.memory_space<hbm>>
      tpu.enqueue_dma source(%dma_start3A_70 : memref<125x80xi32, #tpu.memory_space<hbm>>) target(%arg8 : memref<125x80xi32, #tpu.memory_space<vmem>>) target_semaphore(%run_scoped3A_62 : memref<!tpu.dma_semaphore, #tpu.memory_space<semaphore_mem>>)
      %dma_wait3A_71 = arith.constant 0 : i32
      %dma_wait3A_72 = arith.constant 0 : i32
      %dma_wait3A_73 = tpu.memref_slice %arg4[%add3A, %dma_wait3A_71, %dma_wait3A_72] : memref<32x125x80xi32, #tpu.memory_space<hbm>> -> memref<1x125x80xi32, #tpu.memory_space<hbm>>
      %dma_wait3A_74 = tpu.memref_squeeze %dma_wait3A_73 : memref<1x125x80xi32, #tpu.memory_space<hbm>> -> memref<125x80xi32, #tpu.memory_space<hbm>>
      %dma_wait3A_75 = arith.constant 0 : i32
      %dma_wait3A_76 = arith.constant 0 : i32
      %dma_wait3A_77 = tpu.memref_slice %arg4[%add3A, %dma_wait3A_75, %dma_wait3A_76] : memref<32x125x80xi32, #tpu.memory_space<hbm>> -> memref<1x125x80xi32, #tpu.memory_space<hbm>>
      %dma_wait3A_78 = tpu.memref_squeeze %dma_wait3A_77 : memref<1x125x80xi32, #tpu.memory_space<hbm>> -> memref<125x80xi32, #tpu.memory_space<hbm>>
      tpu.wait_dma2 semaphore(%run_scoped3A_62 : memref<!tpu.dma_semaphore, #tpu.memory_space<semaphore_mem>>) src(%dma_wait3A_78 : memref<125x80xi32, #tpu.memory_space<hbm>>) dst(%arg8 : memref<125x80xi32, #tpu.memory_space<vmem>>)
      tpu.yield
    }) : () -> ()
    %mul3A_1 = arith.constant 625 : i32
    %mul3A_2 = arith.muli %arg1, %mul3A_1 : i32
    %jit3A = arith.constant 8 : i32
    %div3A = arith.divsi %mul3A_2, %jit3A : i32
    %sign3A = arith.constant 0 : i32
    %sign3A_3 = arith.cmpi sgt, %mul3A_2, %sign3A : i32
    %sign3A_4 = arith.extui %sign3A_3 : i1 to i32
    %sign3A_5 = arith.constant 0 : i32
    %sign3A_6 = arith.cmpi slt, %mul3A_2, %sign3A_5 : i32
    %sign3A_7 = arith.extui %sign3A_6 : i1 to i32
    %sign3A_8 = arith.subi %sign3A_4, %sign3A_7 : i32
    %sign3A_9 = arith.constant 0 : i32
    %sign3A_10 = arith.cmpi sgt, %jit3A, %sign3A_9 : i32
    %sign3A_11 = arith.extui %sign3A_10 : i1 to i32
    %sign3A_12 = arith.constant 0 : i32
    %sign3A_13 = arith.cmpi slt, %jit3A, %sign3A_12 : i32
    %sign3A_14 = arith.extui %sign3A_13 : i1 to i32
    %sign3A_15 = arith.subi %sign3A_11, %sign3A_14 : i32
    %ne3A = arith.cmpi ne, %sign3A_8, %sign3A_15 : i32
    %rem3A = arith.remsi %mul3A_2, %jit3A : i32
    %ne3A_16 = arith.constant 0 : i32
    %ne3A_17 = arith.cmpi ne, %rem3A, %ne3A_16 : i32
    %and3A = arith.andi %ne3A, %ne3A_17 : i1
    %sub3A = arith.constant 1 : i32
    %sub3A_18 = arith.subi %div3A, %sub3A : i32
    %select_n3A = arith.select %and3A, %sub3A_18, %div3A : i32
    %mul3A_19 = arith.constant 8 : i32
    %mul3A_20 = arith.muli %select_n3A, %mul3A_19 : i32
    %multiple_of3A = tpu.assume_multiple %mul3A_20, 8 : i32
    "tpu.region"() ({
      %run_scoped3A_62 = tpu.sem_alloc : memref<!tpu.dma_semaphore, #tpu.memory_space<semaphore_mem>>
      %dma_start3A_63 = arith.constant 0 : i32
      %dma_start3A_64 = tpu.memref_slice %arg10[%multiple_of3A, %dma_start3A_63] : memref<10000x128xf32, #tpu.memory_space<vmem_shared>> -> memref<632x128xf32, #tpu.memory_space<vmem_shared>>
      tpu.enqueue_dma source(%arg5 : memref<632x128xf32, #tpu.memory_space<hbm>>) target(%dma_start3A_64 : memref<632x128xf32, #tpu.memory_space<vmem_shared>>) target_semaphore(%run_scoped3A_62 : memref<!tpu.dma_semaphore, #tpu.memory_space<semaphore_mem>>)
      %dma_wait3A_65 = arith.constant 0 : i32
      %dma_wait3A_66 = tpu.memref_slice %arg10[%multiple_of3A, %dma_wait3A_65] : memref<10000x128xf32, #tpu.memory_space<vmem_shared>> -> memref<632x128xf32, #tpu.memory_space<vmem_shared>>
      tpu.wait_dma2 semaphore(%run_scoped3A_62 : memref<!tpu.dma_semaphore, #tpu.memory_space<semaphore_mem>>) src(%arg5 : memref<632x128xf32, #tpu.memory_space<hbm>>) dst(%dma_wait3A_66 : memref<632x128xf32, #tpu.memory_space<vmem_shared>>)
      tpu.yield
    }) : () -> ()
    %barrier3A = arith.constant 0 : index
    tpu.barrier barrier_id(%barrier3A)
    %dma_start3A = arith.constant 0 : i32
    %dma_start3A_21 = arith.constant 0 : i32
    %dma_start3A_22 = arith.constant 0 : i32
    %dma_start3A_23 = arith.constant 0 : i32
    %dma_start3A_24 = tpu.memref_slice %arg9[%dma_start3A_21, %dma_start3A_22, %dma_start3A_23] : memref<2x80x128xf32, #tpu.memory_space<vmem>> -> memref<1x80x128xf32, #tpu.memory_space<vmem>>
    %dma_start3A_25 = tpu.memref_squeeze %dma_start3A_24 : memref<1x80x128xf32, #tpu.memory_space<vmem>> -> memref<80x128xf32, #tpu.memory_space<vmem>>
    %dma_start3A_26 = arith.constant 0 : i32
    %dma_start3A_27 = tpu.memref_slice %arg7[%dma_start3A, %dma_start3A_26] : memref<125x80xi32, #tpu.memory_space<vmem>> -> memref<1x80xi32, #tpu.memory_space<vmem>>
    %dma_start3A_28 = tpu.memref_squeeze %dma_start3A_27 : memref<1x80xi32, #tpu.memory_space<vmem>> -> memref<80xi32, #tpu.memory_space<vmem>>
    %dma_start3A_29 = arith.constant 0 : i32
    %dma_start3A_30 = arith.constant 0 : i32
    %dma_start3A_31 = tpu.memref_slice %arg2[%dma_start3A_29, %dma_start3A_30] : memref<10000x128xf32, #tpu.memory_space<hbm>> -> memref<10000x128xf32, #tpu.memory_space<hbm>>
    tpu.enqueue_indirect_dma source(%dma_start3A_31 : memref<10000x128xf32, #tpu.memory_space<hbm>>) target(%dma_start3A_25 : memref<80x128xf32, #tpu.memory_space<vmem>>) offsets(%dma_start3A_28 : memref<80xi32, #tpu.memory_space<vmem>>) semaphore(%arg11 : memref<!tpu.dma_semaphore, #tpu.memory_space<semaphore_mem>>)
    %scan3A = arith.constant 0 : i32
    %scan3A_32 = arith.constant 0 : i32
    %scan3A_33 = arith.constant 62 : i32
    %scan3A_34 = arith.addi %scan3A_32, %scan3A_33 : i32
    %scan3A_35 = arith.constant 1 : i32
    scf.for %scan3A_62 = %scan3A_32 to %scan3A_34 step %scan3A_35  : i32 {
      %mul3A_63 = arith.constant 2 : i32
      %mul3A_64 = arith.muli %scan3A_62, %mul3A_63 : i32
      %add3A_65 = arith.constant 0 : i32
      %add3A_66 = arith.addi %mul3A_64, %add3A_65 : i32
      %ge3A = arith.constant 1 : i32
      %ge3A_67 = arith.cmpi sge, %scan3A_62, %ge3A : i32
      %convert_element_type3A = arith.extui %ge3A_67 : i1 to i32
      %cond3A = arith.constant 0 : i32
      %cond3A_68 = arith.cmpi ne, %convert_element_type3A, %cond3A : i32
      scf.if %cond3A_68 {
        %sub3A_156 = arith.constant 1 : i32
        %sub3A_157 = arith.subi %add3A_66, %sub3A_156 : i32
        %dma_wait3A_158 = arith.constant 1 : i32
        %dma_wait3A_159 = arith.constant 0 : i32
        %dma_wait3A_160 = arith.constant 0 : i32
        %dma_wait3A_161 = tpu.memref_slice %arg9[%dma_wait3A_158, %dma_wait3A_159, %dma_wait3A_160] : memref<2x80x128xf32, #tpu.memory_space<vmem>> -> memref<1x80x128xf32, #tpu.memory_space<vmem>>
        %dma_wait3A_162 = tpu.memref_squeeze %dma_wait3A_161 : memref<1x80x128xf32, #tpu.memory_space<vmem>> -> memref<80x128xf32, #tpu.memory_space<vmem>>
        %dma_wait3A_163 = arith.constant 0 : i32
        %dma_wait3A_164 = tpu.memref_slice %arg8[%sub3A_157, %dma_wait3A_163] : memref<125x80xi32, #tpu.memory_space<vmem>> -> memref<1x80xi32, #tpu.memory_space<vmem>>
        %dma_wait3A_165 = tpu.memref_squeeze %dma_wait3A_164 : memref<1x80xi32, #tpu.memory_space<vmem>> -> memref<80xi32, #tpu.memory_space<vmem>>
        %dma_wait3A_166 = arith.constant 0 : i32
        %dma_wait3A_167 = arith.constant 0 : i32
        %dma_wait3A_168 = tpu.memref_slice %arg10[%dma_wait3A_166, %dma_wait3A_167] : memref<10000x128xf32, #tpu.memory_space<vmem_shared>> -> memref<10000x128xf32, #tpu.memory_space<vmem_shared>>
        tpu.wait_indirect_dma semaphore(%arg14 : memref<!tpu.dma_semaphore, #tpu.memory_space<semaphore_mem>>) src(%dma_wait3A_162 : memref<80x128xf32, #tpu.memory_space<vmem>>) dst(%dma_wait3A_168 : memref<10000x128xf32, #tpu.memory_space<vmem_shared>>)
      } else {
      }
      %add3A_69 = arith.constant 1 : i32
      %add3A_70 = arith.addi %add3A_66, %add3A_69 : i32
      %dma_start3A_71 = arith.constant 1 : i32
      %dma_start3A_72 = arith.constant 0 : i32
      %dma_start3A_73 = arith.constant 0 : i32
      %dma_start3A_74 = tpu.memref_slice %arg9[%dma_start3A_71, %dma_start3A_72, %dma_start3A_73] : memref<2x80x128xf32, #tpu.memory_space<vmem>> -> memref<1x80x128xf32, #tpu.memory_space<vmem>>
      %dma_start3A_75 = tpu.memref_squeeze %dma_start3A_74 : memref<1x80x128xf32, #tpu.memory_space<vmem>> -> memref<80x128xf32, #tpu.memory_space<vmem>>
      %dma_start3A_76 = arith.constant 0 : i32
      %dma_start3A_77 = tpu.memref_slice %arg7[%add3A_70, %dma_start3A_76] : memref<125x80xi32, #tpu.memory_space<vmem>> -> memref<1x80xi32, #tpu.memory_space<vmem>>
      %dma_start3A_78 = tpu.memref_squeeze %dma_start3A_77 : memref<1x80xi32, #tpu.memory_space<vmem>> -> memref<80xi32, #tpu.memory_space<vmem>>
      %dma_start3A_79 = arith.constant 0 : i32
      %dma_start3A_80 = arith.constant 0 : i32
      %dma_start3A_81 = tpu.memref_slice %arg2[%dma_start3A_79, %dma_start3A_80] : memref<10000x128xf32, #tpu.memory_space<hbm>> -> memref<10000x128xf32, #tpu.memory_space<hbm>>
      tpu.enqueue_indirect_dma source(%dma_start3A_81 : memref<10000x128xf32, #tpu.memory_space<hbm>>) target(%dma_start3A_75 : memref<80x128xf32, #tpu.memory_space<vmem>>) offsets(%dma_start3A_78 : memref<80xi32, #tpu.memory_space<vmem>>) semaphore(%arg12 : memref<!tpu.dma_semaphore, #tpu.memory_space<semaphore_mem>>)
      %dma_wait3A_82 = arith.constant 0 : i32
      %dma_wait3A_83 = arith.constant 0 : i32
      %dma_wait3A_84 = arith.constant 0 : i32
      %dma_wait3A_85 = tpu.memref_slice %arg9[%dma_wait3A_82, %dma_wait3A_83, %dma_wait3A_84] : memref<2x80x128xf32, #tpu.memory_space<vmem>> -> memref<1x80x128xf32, #tpu.memory_space<vmem>>
      %dma_wait3A_86 = tpu.memref_squeeze %dma_wait3A_85 : memref<1x80x128xf32, #tpu.memory_space<vmem>> -> memref<80x128xf32, #tpu.memory_space<vmem>>
      %dma_wait3A_87 = arith.constant 0 : i32
      %dma_wait3A_88 = tpu.memref_slice %arg7[%add3A_66, %dma_wait3A_87] : memref<125x80xi32, #tpu.memory_space<vmem>> -> memref<1x80xi32, #tpu.memory_space<vmem>>
      %dma_wait3A_89 = tpu.memref_squeeze %dma_wait3A_88 : memref<1x80xi32, #tpu.memory_space<vmem>> -> memref<80xi32, #tpu.memory_space<vmem>>
      %dma_wait3A_90 = arith.constant 0 : i32
      %dma_wait3A_91 = arith.constant 0 : i32
      %dma_wait3A_92 = tpu.memref_slice %arg2[%dma_wait3A_90, %dma_wait3A_91] : memref<10000x128xf32, #tpu.memory_space<hbm>> -> memref<10000x128xf32, #tpu.memory_space<hbm>>
      tpu.wait_indirect_dma semaphore(%arg11 : memref<!tpu.dma_semaphore, #tpu.memory_space<semaphore_mem>>) src(%dma_wait3A_92 : memref<10000x128xf32, #tpu.memory_space<hbm>>) dst(%dma_wait3A_86 : memref<80x128xf32, #tpu.memory_space<vmem>>)
      %dma_start3A_93 = arith.constant 0 : i32
      %dma_start3A_94 = arith.constant 0 : i32
      %dma_start3A_95 = arith.constant 0 : i32
      %dma_start3A_96 = tpu.memref_slice %arg9[%dma_start3A_93, %dma_start3A_94, %dma_start3A_95] : memref<2x80x128xf32, #tpu.memory_space<vmem>> -> memref<1x80x128xf32, #tpu.memory_space<vmem>>
      %dma_start3A_97 = tpu.memref_squeeze %dma_start3A_96 : memref<1x80x128xf32, #tpu.memory_space<vmem>> -> memref<80x128xf32, #tpu.memory_space<vmem>>
      %dma_start3A_98 = arith.constant 0 : i32
      %dma_start3A_99 = tpu.memref_slice %arg8[%add3A_66, %dma_start3A_98] : memref<125x80xi32, #tpu.memory_space<vmem>> -> memref<1x80xi32, #tpu.memory_space<vmem>>
      %dma_start3A_100 = tpu.memref_squeeze %dma_start3A_99 : memref<1x80xi32, #tpu.memory_space<vmem>> -> memref<80xi32, #tpu.memory_space<vmem>>
      %dma_start3A_101 = arith.constant 0 : i32
      %dma_start3A_102 = arith.constant 0 : i32
      %dma_start3A_103 = tpu.memref_slice %arg10[%dma_start3A_101, %dma_start3A_102] : memref<10000x128xf32, #tpu.memory_space<vmem_shared>> -> memref<10000x128xf32, #tpu.memory_space<vmem_shared>>
      tpu.enqueue_indirect_dma source(%dma_start3A_97 : memref<80x128xf32, #tpu.memory_space<vmem>>) target(%dma_start3A_103 : memref<10000x128xf32, #tpu.memory_space<vmem_shared>>) offsets(%dma_start3A_100 : memref<80xi32, #tpu.memory_space<vmem>>) semaphore(%arg13 : memref<!tpu.dma_semaphore, #tpu.memory_space<semaphore_mem>>) {add = true}
      %mul3A_104 = arith.constant 2 : i32
      %mul3A_105 = arith.muli %scan3A_62, %mul3A_104 : i32
      %add3A_106 = arith.constant 1 : i32
      %add3A_107 = arith.addi %mul3A_105, %add3A_106 : i32
      %sub3A_108 = arith.constant 1 : i32
      %sub3A_109 = arith.subi %add3A_107, %sub3A_108 : i32
      %dma_wait3A_110 = arith.constant 0 : i32
      %dma_wait3A_111 = arith.constant 0 : i32
      %dma_wait3A_112 = arith.constant 0 : i32
      %dma_wait3A_113 = tpu.memref_slice %arg9[%dma_wait3A_110, %dma_wait3A_111, %dma_wait3A_112] : memref<2x80x128xf32, #tpu.memory_space<vmem>> -> memref<1x80x128xf32, #tpu.memory_space<vmem>>
      %dma_wait3A_114 = tpu.memref_squeeze %dma_wait3A_113 : memref<1x80x128xf32, #tpu.memory_space<vmem>> -> memref<80x128xf32, #tpu.memory_space<vmem>>
      %dma_wait3A_115 = arith.constant 0 : i32
      %dma_wait3A_116 = tpu.memref_slice %arg8[%sub3A_109, %dma_wait3A_115] : memref<125x80xi32, #tpu.memory_space<vmem>> -> memref<1x80xi32, #tpu.memory_space<vmem>>
      %dma_wait3A_117 = tpu.memref_squeeze %dma_wait3A_116 : memref<1x80xi32, #tpu.memory_space<vmem>> -> memref<80xi32, #tpu.memory_space<vmem>>
      %dma_wait3A_118 = arith.constant 0 : i32
      %dma_wait3A_119 = arith.constant 0 : i32
      %dma_wait3A_120 = tpu.memref_slice %arg10[%dma_wait3A_118, %dma_wait3A_119] : memref<10000x128xf32, #tpu.memory_space<vmem_shared>> -> memref<10000x128xf32, #tpu.memory_space<vmem_shared>>
      tpu.wait_indirect_dma semaphore(%arg13 : memref<!tpu.dma_semaphore, #tpu.memory_space<semaphore_mem>>) src(%dma_wait3A_114 : memref<80x128xf32, #tpu.memory_space<vmem>>) dst(%dma_wait3A_120 : memref<10000x128xf32, #tpu.memory_space<vmem_shared>>)
      %add3A_121 = arith.constant 1 : i32
      %add3A_122 = arith.addi %add3A_107, %add3A_121 : i32
      %dma_start3A_123 = arith.constant 0 : i32
      %dma_start3A_124 = arith.constant 0 : i32
      %dma_start3A_125 = arith.constant 0 : i32
      %dma_start3A_126 = tpu.memref_slice %arg9[%dma_start3A_123, %dma_start3A_124, %dma_start3A_125] : memref<2x80x128xf32, #tpu.memory_space<vmem>> -> memref<1x80x128xf32, #tpu.memory_space<vmem>>
      %dma_start3A_127 = tpu.memref_squeeze %dma_start3A_126 : memref<1x80x128xf32, #tpu.memory_space<vmem>> -> memref<80x128xf32, #tpu.memory_space<vmem>>
      %dma_start3A_128 = arith.constant 0 : i32
      %dma_start3A_129 = tpu.memref_slice %arg7[%add3A_122, %dma_start3A_128] : memref<125x80xi32, #tpu.memory_space<vmem>> -> memref<1x80xi32, #tpu.memory_space<vmem>>
      %dma_start3A_130 = tpu.memref_squeeze %dma_start3A_129 : memref<1x80xi32, #tpu.memory_space<vmem>> -> memref<80xi32, #tpu.memory_space<vmem>>
      %dma_start3A_131 = arith.constant 0 : i32
      %dma_start3A_132 = arith.constant 0 : i32
      %dma_start3A_133 = tpu.memref_slice %arg2[%dma_start3A_131, %dma_start3A_132] : memref<10000x128xf32, #tpu.memory_space<hbm>> -> memref<10000x128xf32, #tpu.memory_space<hbm>>
      tpu.enqueue_indirect_dma source(%dma_start3A_133 : memref<10000x128xf32, #tpu.memory_space<hbm>>) target(%dma_start3A_127 : memref<80x128xf32, #tpu.memory_space<vmem>>) offsets(%dma_start3A_130 : memref<80xi32, #tpu.memory_space<vmem>>) semaphore(%arg11 : memref<!tpu.dma_semaphore, #tpu.memory_space<semaphore_mem>>)
      %dma_wait3A_134 = arith.constant 1 : i32
      %dma_wait3A_135 = arith.constant 0 : i32
      %dma_wait3A_136 = arith.constant 0 : i32
      %dma_wait3A_137 = tpu.memref_slice %arg9[%dma_wait3A_134, %dma_wait3A_135, %dma_wait3A_136] : memref<2x80x128xf32, #tpu.memory_space<vmem>> -> memref<1x80x128xf32, #tpu.memory_space<vmem>>
      %dma_wait3A_138 = tpu.memref_squeeze %dma_wait3A_137 : memref<1x80x128xf32, #tpu.memory_space<vmem>> -> memref<80x128xf32, #tpu.memory_space<vmem>>
      %dma_wait3A_139 = arith.constant 0 : i32
      %dma_wait3A_140 = tpu.memref_slice %arg7[%add3A_107, %dma_wait3A_139] : memref<125x80xi32, #tpu.memory_space<vmem>> -> memref<1x80xi32, #tpu.memory_space<vmem>>
      %dma_wait3A_141 = tpu.memref_squeeze %dma_wait3A_140 : memref<1x80xi32, #tpu.memory_space<vmem>> -> memref<80xi32, #tpu.memory_space<vmem>>
      %dma_wait3A_142 = arith.constant 0 : i32
      %dma_wait3A_143 = arith.constant 0 : i32
      %dma_wait3A_144 = tpu.memref_slice %arg2[%dma_wait3A_142, %dma_wait3A_143] : memref<10000x128xf32, #tpu.memory_space<hbm>> -> memref<10000x128xf32, #tpu.memory_space<hbm>>
      tpu.wait_indirect_dma semaphore(%arg12 : memref<!tpu.dma_semaphore, #tpu.memory_space<semaphore_mem>>) src(%dma_wait3A_144 : memref<10000x128xf32, #tpu.memory_space<hbm>>) dst(%dma_wait3A_138 : memref<80x128xf32, #tpu.memory_space<vmem>>)
      %dma_start3A_145 = arith.constant 1 : i32
      %dma_start3A_146 = arith.constant 0 : i32
      %dma_start3A_147 = arith.constant 0 : i32
      %dma_start3A_148 = tpu.memref_slice %arg9[%dma_start3A_145, %dma_start3A_146, %dma_start3A_147] : memref<2x80x128xf32, #tpu.memory_space<vmem>> -> memref<1x80x128xf32, #tpu.memory_space<vmem>>
      %dma_start3A_149 = tpu.memref_squeeze %dma_start3A_148 : memref<1x80x128xf32, #tpu.memory_space<vmem>> -> memref<80x128xf32, #tpu.memory_space<vmem>>
      %dma_start3A_150 = arith.constant 0 : i32
      %dma_start3A_151 = tpu.memref_slice %arg8[%add3A_107, %dma_start3A_150] : memref<125x80xi32, #tpu.memory_space<vmem>> -> memref<1x80xi32, #tpu.memory_space<vmem>>
      %dma_start3A_152 = tpu.memref_squeeze %dma_start3A_151 : memref<1x80xi32, #tpu.memory_space<vmem>> -> memref<80xi32, #tpu.memory_space<vmem>>
      %dma_start3A_153 = arith.constant 0 : i32
      %dma_start3A_154 = arith.constant 0 : i32
      %dma_start3A_155 = tpu.memref_slice %arg10[%dma_start3A_153, %dma_start3A_154] : memref<10000x128xf32, #tpu.memory_space<vmem_shared>> -> memref<10000x128xf32, #tpu.memory_space<vmem_shared>>
      tpu.enqueue_indirect_dma source(%dma_start3A_149 : memref<80x128xf32, #tpu.memory_space<vmem>>) target(%dma_start3A_155 : memref<10000x128xf32, #tpu.memory_space<vmem_shared>>) offsets(%dma_start3A_152 : memref<80xi32, #tpu.memory_space<vmem>>) semaphore(%arg14 : memref<!tpu.dma_semaphore, #tpu.memory_space<semaphore_mem>>) {add = true}
    }
    %scan3A_36 = arith.constant 62 : i32
    %dma_wait3A = arith.constant 124 : i32
    %dma_wait3A_37 = arith.constant 0 : i32
    %dma_wait3A_38 = arith.constant 0 : i32
    %dma_wait3A_39 = arith.constant 0 : i32
    %dma_wait3A_40 = tpu.memref_slice %arg9[%dma_wait3A_37, %dma_wait3A_38, %dma_wait3A_39] : memref<2x80x128xf32, #tpu.memory_space<vmem>> -> memref<1x80x128xf32, #tpu.memory_space<vmem>>
    %dma_wait3A_41 = tpu.memref_squeeze %dma_wait3A_40 : memref<1x80x128xf32, #tpu.memory_space<vmem>> -> memref<80x128xf32, #tpu.memory_space<vmem>>
    %dma_wait3A_42 = arith.constant 0 : i32
    %dma_wait3A_43 = tpu.memref_slice %arg7[%dma_wait3A, %dma_wait3A_42] : memref<125x80xi32, #tpu.memory_space<vmem>> -> memref<1x80xi32, #tpu.memory_space<vmem>>
    %dma_wait3A_44 = tpu.memref_squeeze %dma_wait3A_43 : memref<1x80xi32, #tpu.memory_space<vmem>> -> memref<80xi32, #tpu.memory_space<vmem>>
    %dma_wait3A_45 = arith.constant 0 : i32
    %dma_wait3A_46 = arith.constant 0 : i32
    %dma_wait3A_47 = tpu.memref_slice %arg2[%dma_wait3A_45, %dma_wait3A_46] : memref<10000x128xf32, #tpu.memory_space<hbm>> -> memref<10000x128xf32, #tpu.memory_space<hbm>>
    tpu.wait_indirect_dma semaphore(%arg11 : memref<!tpu.dma_semaphore, #tpu.memory_space<semaphore_mem>>) src(%dma_wait3A_47 : memref<10000x128xf32, #tpu.memory_space<hbm>>) dst(%dma_wait3A_41 : memref<80x128xf32, #tpu.memory_space<vmem>>)
    %dma_wait3A_48 = arith.constant 1 : i32
    %dma_wait3A_49 = arith.constant 123 : i32
    %dma_wait3A_50 = arith.constant 0 : i32
    %dma_wait3A_51 = arith.constant 0 : i32
    %dma_wait3A_52 = tpu.memref_slice %arg9[%dma_wait3A_48, %dma_wait3A_50, %dma_wait3A_51] : memref<2x80x128xf32, #tpu.memory_space<vmem>> -> memref<1x80x128xf32, #tpu.memory_space<vmem>>
    %dma_wait3A_53 = tpu.memref_squeeze %dma_wait3A_52 : memref<1x80x128xf32, #tpu.memory_space<vmem>> -> memref<80x128xf32, #tpu.memory_space<vmem>>
    %dma_wait3A_54 = arith.constant 0 : i32
    %dma_wait3A_55 = tpu.memref_slice %arg8[%dma_wait3A_49, %dma_wait3A_54] : memref<125x80xi32, #tpu.memory_space<vmem>> -> memref<1x80xi32, #tpu.memory_space<vmem>>
    %dma_wait3A_56 = tpu.memref_squeeze %dma_wait3A_55 : memref<1x80xi32, #tpu.memory_space<vmem>> -> memref<80xi32, #tpu.memory_space<vmem>>
    %dma_wait3A_57 = arith.constant 0 : i32
    %dma_wait3A_58 = arith.constant 0 : i32
    %dma_wait3A_59 = tpu.memref_slice %arg10[%dma_wait3A_57, %dma_wait3A_58] : memref<10000x128xf32, #tpu.memory_space<vmem_shared>> -> memref<10000x128xf32, #tpu.memory_space<vmem_shared>>
    tpu.wait_indirect_dma semaphore(%arg14 : memref<!tpu.dma_semaphore, #tpu.memory_space<semaphore_mem>>) src(%dma_wait3A_53 : memref<80x128xf32, #tpu.memory_space<vmem>>) dst(%dma_wait3A_59 : memref<10000x128xf32, #tpu.memory_space<vmem_shared>>)
    %run_scoped3A = arith.constant 0 : i32
    %run_scoped3A_60 = arith.constant 124 : i32
    "tpu.region"() ({
      %run_scoped3A_62 = tpu.sem_alloc : memref<!tpu.dma_semaphore, #tpu.memory_space<semaphore_mem>>
      %dma_start3A_63 = arith.constant 0 : i32
      %dma_start3A_64 = arith.constant 0 : i32
      %dma_start3A_65 = tpu.memref_slice %arg9[%run_scoped3A, %dma_start3A_63, %dma_start3A_64] : memref<2x80x128xf32, #tpu.memory_space<vmem>> -> memref<1x80x128xf32, #tpu.memory_space<vmem>>
      %dma_start3A_66 = tpu.memref_squeeze %dma_start3A_65 : memref<1x80x128xf32, #tpu.memory_space<vmem>> -> memref<80x128xf32, #tpu.memory_space<vmem>>
      %dma_start3A_67 = arith.constant 0 : i32
      %dma_start3A_68 = tpu.memref_slice %arg8[%run_scoped3A_60, %dma_start3A_67] : memref<125x80xi32, #tpu.memory_space<vmem>> -> memref<1x80xi32, #tpu.memory_space<vmem>>
      %dma_start3A_69 = tpu.memref_squeeze %dma_start3A_68 : memref<1x80xi32, #tpu.memory_space<vmem>> -> memref<80xi32, #tpu.memory_space<vmem>>
      %dma_start3A_70 = arith.constant 0 : i32
      %dma_start3A_71 = arith.constant 0 : i32
      %dma_start3A_72 = tpu.memref_slice %arg10[%dma_start3A_70, %dma_start3A_71] : memref<10000x128xf32, #tpu.memory_space<vmem_shared>> -> memref<10000x128xf32, #tpu.memory_space<vmem_shared>>
      tpu.enqueue_indirect_dma source(%dma_start3A_66 : memref<80x128xf32, #tpu.memory_space<vmem>>) target(%dma_start3A_72 : memref<10000x128xf32, #tpu.memory_space<vmem_shared>>) offsets(%dma_start3A_69 : memref<80xi32, #tpu.memory_space<vmem>>) semaphore(%run_scoped3A_62 : memref<!tpu.dma_semaphore, #tpu.memory_space<semaphore_mem>>) {add = true}
      %dma_wait3A_73 = arith.constant 0 : i32
      %dma_wait3A_74 = arith.constant 0 : i32
      %dma_wait3A_75 = tpu.memref_slice %arg9[%run_scoped3A, %dma_wait3A_73, %dma_wait3A_74] : memref<2x80x128xf32, #tpu.memory_space<vmem>> -> memref<1x80x128xf32, #tpu.memory_space<vmem>>
      %dma_wait3A_76 = tpu.memref_squeeze %dma_wait3A_75 : memref<1x80x128xf32, #tpu.memory_space<vmem>> -> memref<80x128xf32, #tpu.memory_space<vmem>>
      %dma_wait3A_77 = arith.constant 0 : i32
      %dma_wait3A_78 = tpu.memref_slice %arg8[%run_scoped3A_60, %dma_wait3A_77] : memref<125x80xi32, #tpu.memory_space<vmem>> -> memref<1x80xi32, #tpu.memory_space<vmem>>
      %dma_wait3A_79 = tpu.memref_squeeze %dma_wait3A_78 : memref<1x80xi32, #tpu.memory_space<vmem>> -> memref<80xi32, #tpu.memory_space<vmem>>
      %dma_wait3A_80 = arith.constant 0 : i32
      %dma_wait3A_81 = arith.constant 0 : i32
      %dma_wait3A_82 = tpu.memref_slice %arg10[%dma_wait3A_80, %dma_wait3A_81] : memref<10000x128xf32, #tpu.memory_space<vmem_shared>> -> memref<10000x128xf32, #tpu.memory_space<vmem_shared>>
      tpu.wait_indirect_dma semaphore(%run_scoped3A_62 : memref<!tpu.dma_semaphore, #tpu.memory_space<semaphore_mem>>) src(%dma_wait3A_76 : memref<80x128xf32, #tpu.memory_space<vmem>>) dst(%dma_wait3A_82 : memref<10000x128xf32, #tpu.memory_space<vmem_shared>>)
      tpu.yield
    }) : () -> ()
    %barrier3A_61 = arith.constant 0 : index
    tpu.barrier barrier_id(%barrier3A_61)
    "tpu.region"() ({
      %run_scoped3A_62 = tpu.sem_alloc : memref<!tpu.dma_semaphore, #tpu.memory_space<semaphore_mem>>
      %dma_start3A_63 = arith.constant 0 : i32
      %dma_start3A_64 = tpu.memref_slice %arg6[%arg0, %multiple_of3A, %dma_start3A_63] : memref<2x10000x128xf32, #tpu.memory_space<hbm>> -> memref<1x632x128xf32, #tpu.memory_space<hbm>>
      %dma_start3A_65 = tpu.memref_squeeze %dma_start3A_64 : memref<1x632x128xf32, #tpu.memory_space<hbm>> -> memref<632x128xf32, #tpu.memory_space<hbm>>
      %dma_start3A_66 = arith.constant 0 : i32
      %dma_start3A_67 = tpu.memref_slice %arg10[%multiple_of3A, %dma_start3A_66] : memref<10000x128xf32, #tpu.memory_space<vmem_shared>> -> memref<632x128xf32, #tpu.memory_space<vmem_shared>>
      tpu.enqueue_dma source(%dma_start3A_67 : memref<632x128xf32, #tpu.memory_space<vmem_shared>>) target(%dma_start3A_65 : memref<632x128xf32, #tpu.memory_space<hbm>>) target_semaphore(%run_scoped3A_62 : memref<!tpu.dma_semaphore, #tpu.memory_space<semaphore_mem>>)
      %dma_wait3A_68 = arith.constant 0 : i32
      %dma_wait3A_69 = tpu.memref_slice %arg6[%arg0, %multiple_of3A, %dma_wait3A_68] : memref<2x10000x128xf32, #tpu.memory_space<hbm>> -> memref<1x632x128xf32, #tpu.memory_space<hbm>>
      %dma_wait3A_70 = tpu.memref_squeeze %dma_wait3A_69 : memref<1x632x128xf32, #tpu.memory_space<hbm>> -> memref<632x128xf32, #tpu.memory_space<hbm>>
      %dma_wait3A_71 = arith.constant 0 : i32
      %dma_wait3A_72 = tpu.memref_slice %arg10[%multiple_of3A, %dma_wait3A_71] : memref<10000x128xf32, #tpu.memory_space<vmem_shared>> -> memref<632x128xf32, #tpu.memory_space<vmem_shared>>
      tpu.wait_dma2 semaphore(%run_scoped3A_62 : memref<!tpu.dma_semaphore, #tpu.memory_space<semaphore_mem>>) src(%dma_wait3A_72 : memref<632x128xf32, #tpu.memory_space<vmem_shared>>) dst(%dma_wait3A_70 : memref<632x128xf32, #tpu.memory_space<hbm>>)
      tpu.yield
    }) : () -> ()
    return
  }
}

module attributes {stable_mosaic.version = 14 : i64} {
  func.func @body(%arg0: memref<32x10000xf32, #tpu.memory_space<vmem>>, %arg1: memref<1x10000xf32, #tpu.memory_space<vmem>>) attributes {dimension_semantics = [], scalar_prefetch = 0 : i64, scratch_operands = 0 : i64, tpu.core_type = #tpu.core_type<tc>} {
    %get3A = arith.constant 0 : index
    %get3A_0 = arith.constant 0 : index
    %get3A_1 = vector.load %arg0[%get3A, %get3A_0] : memref<32x10000xf32, #tpu.memory_space<vmem>>, vector<32x10000xf32>
    %reduce_sum3A = arith.constant dense<0.000000e+00> : vector<10000xf32>
    %reduce_sum3A_2 = vector.multi_reduction <add>, %get3A_1, %reduce_sum3A [0] : vector<32x10000xf32> to vector<10000xf32>
    %broadcast_in_dim3A = vector.shape_cast %reduce_sum3A_2 : vector<10000xf32> to vector<1x10000xf32>
    %add3A = arith.constant 1.000000e+00 : f32
    %add3A_3 = vector.broadcast %add3A : f32 to vector<1x10000xf32>
    %add3A_4 = arith.addf %add3A_3, %broadcast_in_dim3A : vector<1x10000xf32>
    %rsqrt3A = math.rsqrt %add3A_4 : vector<1x10000xf32>
    %swap3A = arith.constant 0 : index
    %swap3A_5 = arith.constant 0 : index
    %swap3A_6 = vector.load %arg1[%swap3A, %swap3A_5] : memref<1x10000xf32, #tpu.memory_space<vmem>>, vector<1x10000xf32>
    tpu.vector_store %arg1[%swap3A, %swap3A_5], %rsqrt3A {strides = array<i32>} : memref<1x10000xf32, #tpu.memory_space<vmem>>, vector<1x10000xf32>,
    return
  }
}

module attributes {stable_mosaic.version = 14 : i64} {
  func.func @body(%arg0: i32, %arg1: memref<2000x128xf32, #tpu.memory_space<vmem>>, %arg2: memref<128x64xf32, #tpu.memory_space<vmem>>, %arg3: memref<2000x1xf32, #tpu.memory_space<vmem>>, %arg4: memref<2000x64xf32, #tpu.memory_space<vmem>>) attributes {dimension_semantics = [#tpu.dimension_semantics<arbitrary>], iteration_bounds = array<i64: 5>, scalar_prefetch = 0 : i64, scratch_operands = 0 : i64, tpu.core_type = #tpu.core_type<tc>, window_params = [{transform_indices = @transform_0, window_bounds = array<i64: 2000, 128>}, {pipeline_mode = #tpu.pipeline_mode<synchronous>, transform_indices = @transform_1, window_bounds = array<i64: 128, 64>}, {transform_indices = @transform_2, window_bounds = array<i64: 2000, 1>}, {transform_indices = @transform_3, window_bounds = array<i64: 2000, 64>}]} {
    %get3A = arith.constant 0 : index
    %get3A_0 = arith.constant 0 : index
    %get3A_1 = vector.load %arg3[%get3A, %get3A_0] : memref<2000x1xf32, #tpu.memory_space<vmem>>, vector<2000x1xf32>
    %get3A_2 = arith.constant 0 : index
    %get3A_3 = arith.constant 0 : index
    %get3A_4 = vector.load %arg1[%get3A_2, %get3A_3] : memref<2000x128xf32, #tpu.memory_space<vmem>>, vector<2000x128xf32>
    %get3A_5 = arith.constant 0 : index
    %get3A_6 = arith.constant 0 : index
    %get3A_7 = vector.load %arg2[%get3A_5, %get3A_6] : memref<128x64xf32, #tpu.memory_space<vmem>>, vector<128x64xf32>
    %dot_general3A = arith.constant dense<0.000000e+00> : vector<2000x64xf32>
    %dot_general3A_8 = tpu.matmul %get3A_4, %get3A_7, %dot_general3A {dimension_numbers = #tpu.dot_dimension_numbers<[1], [0], [0], [1], [0, 0, 1, 1], [], []>, transpose_lhs_hint = false} : vector<2000x128xf32>, vector<128x64xf32>, vector<2000x64xf32> -> vector<2000x64xf32>
    %mul3A = vector.broadcast %get3A_1 : vector<2000x1xf32> to vector<2000x64xf32>
    %mul3A_9 = arith.mulf %mul3A, %dot_general3A_8 : vector<2000x64xf32>
    %swap3A = arith.constant 0 : index
    %swap3A_10 = arith.constant 0 : index
    %swap3A_11 = vector.load %arg4[%swap3A, %swap3A_10] : memref<2000x64xf32, #tpu.memory_space<vmem>>, vector<2000x64xf32>
    tpu.vector_store %arg4[%swap3A, %swap3A_10], %mul3A_9 {strides = array<i32>} : memref<2000x64xf32, #tpu.memory_space<vmem>>, vector<2000x64xf32>,
    return
  }
  func.func @transform_0(%arg0: i32) -> (i32, i32) {
    %c0_i32 = arith.constant 0 : i32
    %c0_i32_0 = arith.constant 0 : i32
    return %arg0, %c0_i32 : i32, i32
  }
  func.func @transform_1(%arg0: i32) -> (i32, i32) {
    %c0_i32 = arith.constant 0 : i32
    %c0_i32_0 = arith.constant 0 : i32
    %c0_i32_1 = arith.constant 0 : i32
    return %c0_i32, %c0_i32_0 : i32, i32
  }
  func.func @transform_2(%arg0: i32) -> (i32, i32) {
    %c0_i32 = arith.constant 0 : i32
    %c0_i32_0 = arith.constant 0 : i32
    return %arg0, %c0_i32 : i32, i32
  }
  func.func @transform_3(%arg0: i32) -> (i32, i32) {
    %c0_i32 = arith.constant 0 : i32
    %c0_i32_0 = arith.constant 0 : i32
    return %arg0, %c0_i32 : i32, i32
  }
}

module attributes {stable_mosaic.version = 14 : i64} {
  func.func @body(%arg0: i32, %arg1: memref<2x2000x64xf32, #tpu.memory_space<vmem>>, %arg2: memref<2000x64xf32, #tpu.memory_space<vmem>>, %arg3: memref<2000x1xf32, #tpu.memory_space<vmem>>, %arg4: memref<2000x64xf32, #tpu.memory_space<vmem>>) attributes {dimension_semantics = [#tpu.dimension_semantics<arbitrary>], iteration_bounds = array<i64: 5>, scalar_prefetch = 0 : i64, scratch_operands = 0 : i64, tpu.core_type = #tpu.core_type<tc>, window_params = [{transform_indices = @transform_0, window_bounds = array<i64: 2, 2000, 64>}, {transform_indices = @transform_1, window_bounds = array<i64: 2000, 64>}, {transform_indices = @transform_2, window_bounds = array<i64: 2000, 1>}, {transform_indices = @transform_3, window_bounds = array<i64: 2000, 64>}]} {
    %get3A = arith.constant 0 : index
    %get3A_0 = arith.constant 0 : index
    %get3A_1 = arith.constant 0 : index
    %get3A_2 = vector.load %arg1[%get3A, %get3A_0, %get3A_1] : memref<2x2000x64xf32, #tpu.memory_space<vmem>>, vector<1x2000x64xf32>
    %get3A_3 = vector.shape_cast %get3A_2 : vector<1x2000x64xf32> to vector<2000x64xf32>
    %get3A_4 = arith.constant 1 : index
    %get3A_5 = arith.constant 0 : index
    %get3A_6 = arith.constant 0 : index
    %get3A_7 = vector.load %arg1[%get3A_4, %get3A_5, %get3A_6] : memref<2x2000x64xf32, #tpu.memory_space<vmem>>, vector<1x2000x64xf32>
    %get3A_8 = vector.shape_cast %get3A_7 : vector<1x2000x64xf32> to vector<2000x64xf32>
    %add3A = arith.addf %get3A_3, %get3A_8 : vector<2000x64xf32>
    %get3A_9 = arith.constant 0 : index
    %get3A_10 = arith.constant 0 : index
    %get3A_11 = vector.load %arg2[%get3A_9, %get3A_10] : memref<2000x64xf32, #tpu.memory_space<vmem>>, vector<2000x64xf32>
    %add3A_12 = arith.addf %add3A, %get3A_11 : vector<2000x64xf32>
    %get3A_13 = arith.constant 0 : index
    %get3A_14 = arith.constant 0 : index
    %get3A_15 = vector.load %arg3[%get3A_13, %get3A_14] : memref<2000x1xf32, #tpu.memory_space<vmem>>, vector<2000x1xf32>
    %mul3A = vector.broadcast %get3A_15 : vector<2000x1xf32> to vector<2000x64xf32>
    %mul3A_16 = arith.mulf %mul3A, %add3A_12 : vector<2000x64xf32>
    %max3A = arith.constant 0.000000e+00 : f32
    %max3A_17 = vector.broadcast %max3A : f32 to vector<2000x64xf32>
    %max3A_18 = arith.maximumf %mul3A_16, %max3A_17 : vector<2000x64xf32>
    %swap3A = arith.constant 0 : index
    %swap3A_19 = arith.constant 0 : index
    %swap3A_20 = vector.load %arg4[%swap3A, %swap3A_19] : memref<2000x64xf32, #tpu.memory_space<vmem>>, vector<2000x64xf32>
    tpu.vector_store %arg4[%swap3A, %swap3A_19], %max3A_18 {strides = array<i32>} : memref<2000x64xf32, #tpu.memory_space<vmem>>, vector<2000x64xf32>,
    return
  }
  func.func @transform_0(%arg0: i32) -> (i32, i32, i32) {
    %c0_i32 = arith.constant 0 : i32
    %c0_i32_0 = arith.constant 0 : i32
    %c0_i32_1 = arith.constant 0 : i32
    return %c0_i32, %arg0, %c0_i32_0 : i32, i32, i32
  }
  func.func @transform_1(%arg0: i32) -> (i32, i32) {
    %c0_i32 = arith.constant 0 : i32
    %c0_i32_0 = arith.constant 0 : i32
    return %arg0, %c0_i32 : i32, i32
  }
  func.func @transform_2(%arg0: i32) -> (i32, i32) {
    %c0_i32 = arith.constant 0 : i32
    %c0_i32_0 = arith.constant 0 : i32
    return %arg0, %c0_i32 : i32, i32
  }
  func.func @transform_3(%arg0: i32) -> (i32, i32) {
    %c0_i32 = arith.constant 0 : i32
    %c0_i32_0 = arith.constant 0 : i32
    return %arg0, %c0_i32 : i32, i32
  }
}

module attributes {stable_mosaic.version = 14 : i64} {
  func.func @body(%arg0: i32, %arg1: memref<2000x64xf32, #tpu.memory_space<vmem>>, %arg2: memref<64x32xf32, #tpu.memory_space<vmem>>, %arg3: memref<2000x1xf32, #tpu.memory_space<vmem>>, %arg4: memref<2000x32xf32, #tpu.memory_space<vmem>>) attributes {dimension_semantics = [#tpu.dimension_semantics<arbitrary>], iteration_bounds = array<i64: 5>, scalar_prefetch = 0 : i64, scratch_operands = 0 : i64, tpu.core_type = #tpu.core_type<tc>, window_params = [{transform_indices = @transform_0, window_bounds = array<i64: 2000, 64>}, {pipeline_mode = #tpu.pipeline_mode<synchronous>, transform_indices = @transform_1, window_bounds = array<i64: 64, 32>}, {transform_indices = @transform_2, window_bounds = array<i64: 2000, 1>}, {transform_indices = @transform_3, window_bounds = array<i64: 2000, 32>}]} {
    %get3A = arith.constant 0 : index
    %get3A_0 = arith.constant 0 : index
    %get3A_1 = vector.load %arg3[%get3A, %get3A_0] : memref<2000x1xf32, #tpu.memory_space<vmem>>, vector<2000x1xf32>
    %get3A_2 = arith.constant 0 : index
    %get3A_3 = arith.constant 0 : index
    %get3A_4 = vector.load %arg1[%get3A_2, %get3A_3] : memref<2000x64xf32, #tpu.memory_space<vmem>>, vector<2000x64xf32>
    %get3A_5 = arith.constant 0 : index
    %get3A_6 = arith.constant 0 : index
    %get3A_7 = vector.load %arg2[%get3A_5, %get3A_6] : memref<64x32xf32, #tpu.memory_space<vmem>>, vector<64x32xf32>
    %dot_general3A = arith.constant dense<0.000000e+00> : vector<2000x32xf32>
    %dot_general3A_8 = tpu.matmul %get3A_4, %get3A_7, %dot_general3A {dimension_numbers = #tpu.dot_dimension_numbers<[1], [0], [0], [1], [0, 0, 1, 1], [], []>, transpose_lhs_hint = false} : vector<2000x64xf32>, vector<64x32xf32>, vector<2000x32xf32> -> vector<2000x32xf32>
    %mul3A = vector.broadcast %get3A_1 : vector<2000x1xf32> to vector<2000x32xf32>
    %mul3A_9 = arith.mulf %mul3A, %dot_general3A_8 : vector<2000x32xf32>
    %swap3A = arith.constant 0 : index
    %swap3A_10 = arith.constant 0 : index
    %swap3A_11 = vector.load %arg4[%swap3A, %swap3A_10] : memref<2000x32xf32, #tpu.memory_space<vmem>>, vector<2000x32xf32>
    tpu.vector_store %arg4[%swap3A, %swap3A_10], %mul3A_9 {strides = array<i32>} : memref<2000x32xf32, #tpu.memory_space<vmem>>, vector<2000x32xf32>,
    return
  }
  func.func @transform_0(%arg0: i32) -> (i32, i32) {
    %c0_i32 = arith.constant 0 : i32
    %c0_i32_0 = arith.constant 0 : i32
    return %arg0, %c0_i32 : i32, i32
  }
  func.func @transform_1(%arg0: i32) -> (i32, i32) {
    %c0_i32 = arith.constant 0 : i32
    %c0_i32_0 = arith.constant 0 : i32
    %c0_i32_1 = arith.constant 0 : i32
    return %c0_i32, %c0_i32_0 : i32, i32
  }
  func.func @transform_2(%arg0: i32) -> (i32, i32) {
    %c0_i32 = arith.constant 0 : i32
    %c0_i32_0 = arith.constant 0 : i32
    return %arg0, %c0_i32 : i32, i32
  }
  func.func @transform_3(%arg0: i32) -> (i32, i32) {
    %c0_i32 = arith.constant 0 : i32
    %c0_i32_0 = arith.constant 0 : i32
    return %arg0, %c0_i32 : i32, i32
  }
}

module attributes {stable_mosaic.version = 14 : i64} {
  func.func @body(%arg0: i32, %arg1: memref<2x2000x32xf32, #tpu.memory_space<vmem>>, %arg2: memref<2000x32xf32, #tpu.memory_space<vmem>>, %arg3: memref<2000x1xf32, #tpu.memory_space<vmem>>, %arg4: memref<2000x32xf32, #tpu.memory_space<vmem>>) attributes {dimension_semantics = [#tpu.dimension_semantics<arbitrary>], iteration_bounds = array<i64: 5>, scalar_prefetch = 0 : i64, scratch_operands = 0 : i64, tpu.core_type = #tpu.core_type<tc>, window_params = [{transform_indices = @transform_0, window_bounds = array<i64: 2, 2000, 32>}, {transform_indices = @transform_1, window_bounds = array<i64: 2000, 32>}, {transform_indices = @transform_2, window_bounds = array<i64: 2000, 1>}, {transform_indices = @transform_3, window_bounds = array<i64: 2000, 32>}]} {
    %get3A = arith.constant 0 : index
    %get3A_0 = arith.constant 0 : index
    %get3A_1 = arith.constant 0 : index
    %get3A_2 = vector.load %arg1[%get3A, %get3A_0, %get3A_1] : memref<2x2000x32xf32, #tpu.memory_space<vmem>>, vector<1x2000x32xf32>
    %get3A_3 = vector.shape_cast %get3A_2 : vector<1x2000x32xf32> to vector<2000x32xf32>
    %get3A_4 = arith.constant 1 : index
    %get3A_5 = arith.constant 0 : index
    %get3A_6 = arith.constant 0 : index
    %get3A_7 = vector.load %arg1[%get3A_4, %get3A_5, %get3A_6] : memref<2x2000x32xf32, #tpu.memory_space<vmem>>, vector<1x2000x32xf32>
    %get3A_8 = vector.shape_cast %get3A_7 : vector<1x2000x32xf32> to vector<2000x32xf32>
    %add3A = arith.addf %get3A_3, %get3A_8 : vector<2000x32xf32>
    %get3A_9 = arith.constant 0 : index
    %get3A_10 = arith.constant 0 : index
    %get3A_11 = vector.load %arg2[%get3A_9, %get3A_10] : memref<2000x32xf32, #tpu.memory_space<vmem>>, vector<2000x32xf32>
    %add3A_12 = arith.addf %add3A, %get3A_11 : vector<2000x32xf32>
    %get3A_13 = arith.constant 0 : index
    %get3A_14 = arith.constant 0 : index
    %get3A_15 = vector.load %arg3[%get3A_13, %get3A_14] : memref<2000x1xf32, #tpu.memory_space<vmem>>, vector<2000x1xf32>
    %mul3A = vector.broadcast %get3A_15 : vector<2000x1xf32> to vector<2000x32xf32>
    %mul3A_16 = arith.mulf %mul3A, %add3A_12 : vector<2000x32xf32>
    %max3A = arith.constant 0.000000e+00 : f32
    %max3A_17 = vector.broadcast %max3A : f32 to vector<2000x32xf32>
    %max3A_18 = arith.maximumf %mul3A_16, %max3A_17 : vector<2000x32xf32>
    %swap3A = arith.constant 0 : index
    %swap3A_19 = arith.constant 0 : index
    %swap3A_20 = vector.load %arg4[%swap3A, %swap3A_19] : memref<2000x32xf32, #tpu.memory_space<vmem>>, vector<2000x32xf32>
    tpu.vector_store %arg4[%swap3A, %swap3A_19], %max3A_18 {strides = array<i32>} : memref<2000x32xf32, #tpu.memory_space<vmem>>, vector<2000x32xf32>,
    return
  }
  func.func @transform_0(%arg0: i32) -> (i32, i32, i32) {
    %c0_i32 = arith.constant 0 : i32
    %c0_i32_0 = arith.constant 0 : i32
    %c0_i32_1 = arith.constant 0 : i32
    return %c0_i32, %arg0, %c0_i32_0 : i32, i32, i32
  }
  func.func @transform_1(%arg0: i32) -> (i32, i32) {
    %c0_i32 = arith.constant 0 : i32
    %c0_i32_0 = arith.constant 0 : i32
    return %arg0, %c0_i32 : i32, i32
  }
  func.func @transform_2(%arg0: i32) -> (i32, i32) {
    %c0_i32 = arith.constant 0 : i32
    %c0_i32_0 = arith.constant 0 : i32
    return %arg0, %c0_i32 : i32, i32
  }
  func.func @transform_3(%arg0: i32) -> (i32, i32) {
    %c0_i32 = arith.constant 0 : i32
    %c0_i32_0 = arith.constant 0 : i32
    return %arg0, %c0_i32 : i32, i32
  }
}

module attributes {stable_mosaic.version = 14 : i64} {
  func.func @body(%arg0: i32, %arg1: memref<2000x32xf32, #tpu.memory_space<vmem>>, %arg2: memref<32x128xf32, #tpu.memory_space<vmem>>, %arg3: memref<2000x1xf32, #tpu.memory_space<vmem>>, %arg4: memref<2000x128xf32, #tpu.memory_space<vmem>>) attributes {dimension_semantics = [#tpu.dimension_semantics<arbitrary>], iteration_bounds = array<i64: 5>, scalar_prefetch = 0 : i64, scratch_operands = 0 : i64, tpu.core_type = #tpu.core_type<tc>, window_params = [{transform_indices = @transform_0, window_bounds = array<i64: 2000, 32>}, {pipeline_mode = #tpu.pipeline_mode<synchronous>, transform_indices = @transform_1, window_bounds = array<i64: 32, 128>}, {transform_indices = @transform_2, window_bounds = array<i64: 2000, 1>}, {transform_indices = @transform_3, window_bounds = array<i64: 2000, 128>}]} {
    %get3A = arith.constant 0 : index
    %get3A_0 = arith.constant 0 : index
    %get3A_1 = vector.load %arg3[%get3A, %get3A_0] : memref<2000x1xf32, #tpu.memory_space<vmem>>, vector<2000x1xf32>
    %get3A_2 = arith.constant 0 : index
    %get3A_3 = arith.constant 0 : index
    %get3A_4 = vector.load %arg1[%get3A_2, %get3A_3] : memref<2000x32xf32, #tpu.memory_space<vmem>>, vector<2000x32xf32>
    %get3A_5 = arith.constant 0 : index
    %get3A_6 = arith.constant 0 : index
    %get3A_7 = vector.load %arg2[%get3A_5, %get3A_6] : memref<32x128xf32, #tpu.memory_space<vmem>>, vector<32x128xf32>
    %dot_general3A = arith.constant dense<0.000000e+00> : vector<2000x128xf32>
    %dot_general3A_8 = tpu.matmul %get3A_4, %get3A_7, %dot_general3A {dimension_numbers = #tpu.dot_dimension_numbers<[1], [0], [0], [1], [0, 0, 1, 1], [], []>, transpose_lhs_hint = false} : vector<2000x32xf32>, vector<32x128xf32>, vector<2000x128xf32> -> vector<2000x128xf32>
    %mul3A = vector.broadcast %get3A_1 : vector<2000x1xf32> to vector<2000x128xf32>
    %mul3A_9 = arith.mulf %mul3A, %dot_general3A_8 : vector<2000x128xf32>
    %swap3A = arith.constant 0 : index
    %swap3A_10 = arith.constant 0 : index
    %swap3A_11 = vector.load %arg4[%swap3A, %swap3A_10] : memref<2000x128xf32, #tpu.memory_space<vmem>>, vector<2000x128xf32>
    tpu.vector_store %arg4[%swap3A, %swap3A_10], %mul3A_9 {strides = array<i32>} : memref<2000x128xf32, #tpu.memory_space<vmem>>, vector<2000x128xf32>,
    return
  }
  func.func @transform_0(%arg0: i32) -> (i32, i32) {
    %c0_i32 = arith.constant 0 : i32
    %c0_i32_0 = arith.constant 0 : i32
    return %arg0, %c0_i32 : i32, i32
  }
  func.func @transform_1(%arg0: i32) -> (i32, i32) {
    %c0_i32 = arith.constant 0 : i32
    %c0_i32_0 = arith.constant 0 : i32
    %c0_i32_1 = arith.constant 0 : i32
    return %c0_i32, %c0_i32_0 : i32, i32
  }
  func.func @transform_2(%arg0: i32) -> (i32, i32) {
    %c0_i32 = arith.constant 0 : i32
    %c0_i32_0 = arith.constant 0 : i32
    return %arg0, %c0_i32 : i32, i32
  }
  func.func @transform_3(%arg0: i32) -> (i32, i32) {
    %c0_i32 = arith.constant 0 : i32
    %c0_i32_0 = arith.constant 0 : i32
    return %arg0, %c0_i32 : i32, i32
  }
}

module attributes {stable_mosaic.version = 14 : i64} {
  func.func @body(%arg0: i32, %arg1: memref<2x2000x128xf32, #tpu.memory_space<vmem>>, %arg2: memref<2000x128xf32, #tpu.memory_space<vmem>>, %arg3: memref<2000x1xf32, #tpu.memory_space<vmem>>, %arg4: memref<2000x128xf32, #tpu.memory_space<vmem>>) attributes {dimension_semantics = [#tpu.dimension_semantics<arbitrary>], iteration_bounds = array<i64: 5>, scalar_prefetch = 0 : i64, scratch_operands = 0 : i64, tpu.core_type = #tpu.core_type<tc>, window_params = [{transform_indices = @transform_0, window_bounds = array<i64: 2, 2000, 128>}, {transform_indices = @transform_1, window_bounds = array<i64: 2000, 128>}, {transform_indices = @transform_2, window_bounds = array<i64: 2000, 1>}, {transform_indices = @transform_3, window_bounds = array<i64: 2000, 128>}]} {
    %get3A = arith.constant 0 : index
    %get3A_0 = arith.constant 0 : index
    %get3A_1 = arith.constant 0 : index
    %get3A_2 = vector.load %arg1[%get3A, %get3A_0, %get3A_1] : memref<2x2000x128xf32, #tpu.memory_space<vmem>>, vector<1x2000x128xf32>
    %get3A_3 = vector.shape_cast %get3A_2 : vector<1x2000x128xf32> to vector<2000x128xf32>
    %get3A_4 = arith.constant 1 : index
    %get3A_5 = arith.constant 0 : index
    %get3A_6 = arith.constant 0 : index
    %get3A_7 = vector.load %arg1[%get3A_4, %get3A_5, %get3A_6] : memref<2x2000x128xf32, #tpu.memory_space<vmem>>, vector<1x2000x128xf32>
    %get3A_8 = vector.shape_cast %get3A_7 : vector<1x2000x128xf32> to vector<2000x128xf32>
    %add3A = arith.addf %get3A_3, %get3A_8 : vector<2000x128xf32>
    %get3A_9 = arith.constant 0 : index
    %get3A_10 = arith.constant 0 : index
    %get3A_11 = vector.load %arg2[%get3A_9, %get3A_10] : memref<2000x128xf32, #tpu.memory_space<vmem>>, vector<2000x128xf32>
    %add3A_12 = arith.addf %add3A, %get3A_11 : vector<2000x128xf32>
    %get3A_13 = arith.constant 0 : index
    %get3A_14 = arith.constant 0 : index
    %get3A_15 = vector.load %arg3[%get3A_13, %get3A_14] : memref<2000x1xf32, #tpu.memory_space<vmem>>, vector<2000x1xf32>
    %mul3A = vector.broadcast %get3A_15 : vector<2000x1xf32> to vector<2000x128xf32>
    %mul3A_16 = arith.mulf %mul3A, %add3A_12 : vector<2000x128xf32>
    %max3A = arith.constant 0.000000e+00 : f32
    %max3A_17 = vector.broadcast %max3A : f32 to vector<2000x128xf32>
    %max3A_18 = arith.maximumf %mul3A_16, %max3A_17 : vector<2000x128xf32>
    %swap3A = arith.constant 0 : index
    %swap3A_19 = arith.constant 0 : index
    %swap3A_20 = vector.load %arg4[%swap3A, %swap3A_19] : memref<2000x128xf32, #tpu.memory_space<vmem>>, vector<2000x128xf32>
    tpu.vector_store %arg4[%swap3A, %swap3A_19], %max3A_18 {strides = array<i32>} : memref<2000x128xf32, #tpu.memory_space<vmem>>, vector<2000x128xf32>,
    return
  }
  func.func @transform_0(%arg0: i32) -> (i32, i32, i32) {
    %c0_i32 = arith.constant 0 : i32
    %c0_i32_0 = arith.constant 0 : i32
    %c0_i32_1 = arith.constant 0 : i32
    return %c0_i32, %arg0, %c0_i32_0 : i32, i32, i32
  }
  func.func @transform_1(%arg0: i32) -> (i32, i32) {
    %c0_i32 = arith.constant 0 : i32
    %c0_i32_0 = arith.constant 0 : i32
    return %arg0, %c0_i32 : i32, i32
  }
  func.func @transform_2(%arg0: i32) -> (i32, i32) {
    %c0_i32 = arith.constant 0 : i32
    %c0_i32_0 = arith.constant 0 : i32
    return %arg0, %c0_i32 : i32, i32
  }
  func.func @transform_3(%arg0: i32) -> (i32, i32) {
    %c0_i32 = arith.constant 0 : i32
    %c0_i32_0 = arith.constant 0 : i32
    return %arg0, %c0_i32 : i32, i32
  }
}

module attributes {stable_mosaic.version = 14 : i64} {
  func.func @body(%arg0: i32, %arg1: memref<2000x128xf32, #tpu.memory_space<vmem>>, %arg2: memref<128x128xf32, #tpu.memory_space<vmem>>, %arg3: memref<2000x1xf32, #tpu.memory_space<vmem>>, %arg4: memref<2000x128xf32, #tpu.memory_space<vmem>>) attributes {dimension_semantics = [#tpu.dimension_semantics<arbitrary>], iteration_bounds = array<i64: 5>, scalar_prefetch = 0 : i64, scratch_operands = 0 : i64, tpu.core_type = #tpu.core_type<tc>, window_params = [{transform_indices = @transform_0, window_bounds = array<i64: 2000, 128>}, {pipeline_mode = #tpu.pipeline_mode<synchronous>, transform_indices = @transform_1, window_bounds = array<i64: 128, 128>}, {transform_indices = @transform_2, window_bounds = array<i64: 2000, 1>}, {transform_indices = @transform_3, window_bounds = array<i64: 2000, 128>}]} {
    %get3A = arith.constant 0 : index
    %get3A_0 = arith.constant 0 : index
    %get3A_1 = vector.load %arg3[%get3A, %get3A_0] : memref<2000x1xf32, #tpu.memory_space<vmem>>, vector<2000x1xf32>
    %get3A_2 = arith.constant 0 : index
    %get3A_3 = arith.constant 0 : index
    %get3A_4 = vector.load %arg1[%get3A_2, %get3A_3] : memref<2000x128xf32, #tpu.memory_space<vmem>>, vector<2000x128xf32>
    %get3A_5 = arith.constant 0 : index
    %get3A_6 = arith.constant 0 : index
    %get3A_7 = vector.load %arg2[%get3A_5, %get3A_6] : memref<128x128xf32, #tpu.memory_space<vmem>>, vector<128x128xf32>
    %dot_general3A = arith.constant dense<0.000000e+00> : vector<2000x128xf32>
    %dot_general3A_8 = tpu.matmul %get3A_4, %get3A_7, %dot_general3A {dimension_numbers = #tpu.dot_dimension_numbers<[1], [0], [0], [1], [0, 0, 1, 1], [], []>, transpose_lhs_hint = false} : vector<2000x128xf32>, vector<128x128xf32>, vector<2000x128xf32> -> vector<2000x128xf32>
    %mul3A = vector.broadcast %get3A_1 : vector<2000x1xf32> to vector<2000x128xf32>
    %mul3A_9 = arith.mulf %mul3A, %dot_general3A_8 : vector<2000x128xf32>
    %swap3A = arith.constant 0 : index
    %swap3A_10 = arith.constant 0 : index
    %swap3A_11 = vector.load %arg4[%swap3A, %swap3A_10] : memref<2000x128xf32, #tpu.memory_space<vmem>>, vector<2000x128xf32>
    tpu.vector_store %arg4[%swap3A, %swap3A_10], %mul3A_9 {strides = array<i32>} : memref<2000x128xf32, #tpu.memory_space<vmem>>, vector<2000x128xf32>,
    return
  }
  func.func @transform_0(%arg0: i32) -> (i32, i32) {
    %c0_i32 = arith.constant 0 : i32
    %c0_i32_0 = arith.constant 0 : i32
    return %arg0, %c0_i32 : i32, i32
  }
  func.func @transform_1(%arg0: i32) -> (i32, i32) {
    %c0_i32 = arith.constant 0 : i32
    %c0_i32_0 = arith.constant 0 : i32
    %c0_i32_1 = arith.constant 0 : i32
    return %c0_i32, %c0_i32_0 : i32, i32
  }
  func.func @transform_2(%arg0: i32) -> (i32, i32) {
    %c0_i32 = arith.constant 0 : i32
    %c0_i32_0 = arith.constant 0 : i32
    return %arg0, %c0_i32 : i32, i32
  }
  func.func @transform_3(%arg0: i32) -> (i32, i32) {
    %c0_i32 = arith.constant 0 : i32
    %c0_i32_0 = arith.constant 0 : i32
    return %arg0, %c0_i32 : i32, i32
  }
}

module attributes {stable_mosaic.version = 14 : i64} {
  func.func @body(%arg0: i32, %arg1: memref<200x128xf32, #tpu.memory_space<vmem>>, %arg2: memref<10000x128xf32, #tpu.memory_space<vmem>>, %arg3: memref<200x10000xf32, #tpu.memory_space<vmem>>) attributes {dimension_semantics = [#tpu.dimension_semantics<arbitrary>], iteration_bounds = array<i64: 50>, scalar_prefetch = 0 : i64, scratch_operands = 0 : i64, tpu.core_type = #tpu.core_type<tc>, window_params = [{transform_indices = @transform_0, window_bounds = array<i64: 200, 128>}, {pipeline_mode = #tpu.pipeline_mode<synchronous>, transform_indices = @transform_1, window_bounds = array<i64: 10000, 128>}, {transform_indices = @transform_2, window_bounds = array<i64: 200, 10000>}]} {
    %get3A = arith.constant 0 : index
    %get3A_0 = arith.constant 0 : index
    %get3A_1 = vector.load %arg1[%get3A, %get3A_0] : memref<200x128xf32, #tpu.memory_space<vmem>>, vector<200x64xf32>
    %get3A_2 = arith.constant 0 : index
    %get3A_3 = arith.constant 0 : index
    %get3A_4 = vector.load %arg2[%get3A_2, %get3A_3] : memref<10000x128xf32, #tpu.memory_space<vmem>>, vector<10000x64xf32>
    %dot_general3A = arith.constant dense<0.000000e+00> : vector<200x10000xf32>
    %dot_general3A_5 = tpu.matmul %get3A_1, %get3A_4, %dot_general3A {dimension_numbers = #tpu.dot_dimension_numbers<[1], [1], [0], [0], [0, 0, 1, 0], [], []>, transpose_lhs_hint = false} : vector<200x64xf32>, vector<10000x64xf32>, vector<200x10000xf32> -> vector<200x10000xf32>
    %logistic3A = arith.negf %dot_general3A_5 : vector<200x10000xf32>
    %logistic3A_6 = math.exp %logistic3A : vector<200x10000xf32>
    %logistic3A_7 = arith.constant 1.000000e+00 : f32
    %logistic3A_8 = vector.broadcast %logistic3A_7 : f32 to vector<200x10000xf32>
    %logistic3A_9 = arith.addf %logistic3A_8, %logistic3A_6 : vector<200x10000xf32>
    %logistic3A_10 = arith.divf %logistic3A_8, %logistic3A_9 : vector<200x10000xf32>
    %swap3A = arith.constant 0 : index
    %swap3A_11 = arith.constant 0 : index
    %swap3A_12 = vector.load %arg3[%swap3A, %swap3A_11] : memref<200x10000xf32, #tpu.memory_space<vmem>>, vector<200x10000xf32>
    tpu.vector_store %arg3[%swap3A, %swap3A_11], %logistic3A_10 {strides = array<i32>} : memref<200x10000xf32, #tpu.memory_space<vmem>>, vector<200x10000xf32>,
    return
  }
  func.func @transform_0(%arg0: i32) -> (i32, i32) {
    %c0_i32 = arith.constant 0 : i32
    %c0_i32_0 = arith.constant 0 : i32
    return %arg0, %c0_i32 : i32, i32
  }
  func.func @transform_1(%arg0: i32) -> (i32, i32) {
    %c0_i32 = arith.constant 0 : i32
    %c0_i32_0 = arith.constant 0 : i32
    %c0_i32_1 = arith.constant 0 : i32
    return %c0_i32, %c0_i32_0 : i32, i32
  }
  func.func @transform_2(%arg0: i32) -> (i32, i32) {
    %c0_i32 = arith.constant 0 : i32
    %c0_i32_0 = arith.constant 0 : i32
    return %arg0, %c0_i32 : i32, i32
  }
}

module attributes {stable_mosaic.version = 14 : i64} {
  func.func @body(%arg0: i32, %arg1: memref<2x2000x128xf32, #tpu.memory_space<vmem>>, %arg2: memref<2000x128xf32, #tpu.memory_space<vmem>>, %arg3: memref<2000x1xf32, #tpu.memory_space<vmem>>, %arg4: memref<2000x128xf32, #tpu.memory_space<vmem>>) attributes {dimension_semantics = [#tpu.dimension_semantics<arbitrary>], iteration_bounds = array<i64: 5>, scalar_prefetch = 0 : i64, scratch_operands = 0 : i64, tpu.core_type = #tpu.core_type<tc>, window_params = [{transform_indices = @transform_0, window_bounds = array<i64: 2, 2000, 128>}, {transform_indices = @transform_1, window_bounds = array<i64: 2000, 128>}, {transform_indices = @transform_2, window_bounds = array<i64: 2000, 1>}, {transform_indices = @transform_3, window_bounds = array<i64: 2000, 128>}]} {
    %get3A = arith.constant 0 : index
    %get3A_0 = arith.constant 0 : index
    %get3A_1 = arith.constant 0 : index
    %get3A_2 = vector.load %arg1[%get3A, %get3A_0, %get3A_1] : memref<2x2000x128xf32, #tpu.memory_space<vmem>>, vector<1x2000x128xf32>
    %get3A_3 = vector.shape_cast %get3A_2 : vector<1x2000x128xf32> to vector<2000x128xf32>
    %get3A_4 = arith.constant 1 : index
    %get3A_5 = arith.constant 0 : index
    %get3A_6 = arith.constant 0 : index
    %get3A_7 = vector.load %arg1[%get3A_4, %get3A_5, %get3A_6] : memref<2x2000x128xf32, #tpu.memory_space<vmem>>, vector<1x2000x128xf32>
    %get3A_8 = vector.shape_cast %get3A_7 : vector<1x2000x128xf32> to vector<2000x128xf32>
    %add3A = arith.addf %get3A_3, %get3A_8 : vector<2000x128xf32>
    %get3A_9 = arith.constant 0 : index
    %get3A_10 = arith.constant 0 : index
    %get3A_11 = vector.load %arg2[%get3A_9, %get3A_10] : memref<2000x128xf32, #tpu.memory_space<vmem>>, vector<2000x128xf32>
    %add3A_12 = arith.addf %add3A, %get3A_11 : vector<2000x128xf32>
    %get3A_13 = arith.constant 0 : index
    %get3A_14 = arith.constant 0 : index
    %get3A_15 = vector.load %arg3[%get3A_13, %get3A_14] : memref<2000x1xf32, #tpu.memory_space<vmem>>, vector<2000x1xf32>
    %mul3A = vector.broadcast %get3A_15 : vector<2000x1xf32> to vector<2000x128xf32>
    %mul3A_16 = arith.mulf %mul3A, %add3A_12 : vector<2000x128xf32>
    %max3A = arith.constant 0.000000e+00 : f32
    %max3A_17 = vector.broadcast %max3A : f32 to vector<2000x128xf32>
    %max3A_18 = arith.maximumf %mul3A_16, %max3A_17 : vector<2000x128xf32>
    %swap3A = arith.constant 0 : index
    %swap3A_19 = arith.constant 0 : index
    %swap3A_20 = vector.load %arg4[%swap3A, %swap3A_19] : memref<2000x128xf32, #tpu.memory_space<vmem>>, vector<2000x128xf32>
    tpu.vector_store %arg4[%swap3A, %swap3A_19], %max3A_18 {strides = array<i32>} : memref<2000x128xf32, #tpu.memory_space<vmem>>, vector<2000x128xf32>,
    return
  }
  func.func @transform_0(%arg0: i32) -> (i32, i32, i32) {
    %c0_i32 = arith.constant 0 : i32
    %c0_i32_0 = arith.constant 0 : i32
    %c0_i32_1 = arith.constant 0 : i32
    return %c0_i32, %arg0, %c0_i32_0 : i32, i32, i32
  }
  func.func @transform_1(%arg0: i32) -> (i32, i32) {
    %c0_i32 = arith.constant 0 : i32
    %c0_i32_0 = arith.constant 0 : i32
    return %arg0, %c0_i32 : i32, i32
  }
  func.func @transform_2(%arg0: i32) -> (i32, i32) {
    %c0_i32 = arith.constant 0 : i32
    %c0_i32_0 = arith.constant 0 : i32
    return %arg0, %c0_i32 : i32, i32
  }
  func.func @transform_3(%arg0: i32) -> (i32, i32) {
    %c0_i32 = arith.constant 0 : i32
    %c0_i32_0 = arith.constant 0 : i32
    return %arg0, %c0_i32 : i32, i32
  }
}

</mosaic_0001>

<sc_bundles>
// kernel: kernel.17.cloned.1.call-start
scs
__scs_entry_jumppad:
0x0: {  	(pc) =	sbr.rel $0x88, $3  }
0x1: {  	(tag) =	ssettag $0x0;
	lr =	simm.s32 $0x1  }
0x2: {  	[smem:$0x3F9A] =	sst lr;
	_ =	strace $0xD0000000  }
0x3: {  	_ = 	snop  }
0x4: {  	_ = 	snop  }
0x5: {  	_ = 	snop  }
0x6: {  	_ = 	snop  }
0x7: {  	_ = 	snop  }
__scs_overlays_trampoline_lowered:
0x8: {  	[smem:$0x3FA9] =	sst s0  }
0x9: {  	[smem:$0x3FAA] =	sst s1  }
0xa: {  	[smem:$0x3FAB] =	sst s2  }
0xb: {  	[smem:$0x3FAC] =	sst s3  }
0xc: {  	[smem:$0x3FAD] =	sst s4  }
0xd: {  	[smem:$0x3FAE] =	sst s5  }
0xe: {  	[smem:$0x3FAF] =	sst s6  }
0xf: {  	[smem:$0x3FB0] =	sst s7  }
0x10: {  	[smem:$0x3FB1] =	sst s8  }
0x11: {  	[smem:$0x3FB2] =	sst s9;
	s0 =	simm.s32 @!p0 $0x0  }
0x12: {  	s1 =	sld [smem:$0x3F98];
	s0 =	simm.s32 @p0 $0x1  }
0x13: {  	[smem:$0x3FB3] =	sst s0;
	s0 =	simm.s32 @!p1 $0x0  }
0x14: {  	s2 =	sld [smem:$0x3F97];
	s0 =	simm.s32 @p1 $0x1  }
0x15: {  	[smem:$0x3FB4] =	sst s0;
	s0 =	simm.s32 @!p2 $0x0  }
0x16: {  	s3 =	sld [smem:$0x3FDB];
	s0 =	simm.s32 @p2 $0x1  }
0x17: {  	s4 =	simm.s32 $0x1BF5;
	[smem:$0x3FB6] =	sst s0  }
0x18: {  	s0 =	sld [smem:$0x3F99];
	_ =	swait.ge [sflag:s4], $0x0  }
0x19: {  	s7 =	sld [smem:$0x3F9A]  }
0x1a: {  	s8 =	sadd.s32 $0xFFFFE003, lr  }
0x1b: {  	s9 =	sadd.s32 $0xFFFFFEF7, lr;
	s5 =	simm.s32 $0xFFFFFFFF;
	p2 =	slt.u32 s8, $0xFFFFF086  }
0x1c: {  	p1 =	slt.u32 s9, $0xF7A;
	s5 =	simm.s32 @!p2 $0x0  }
0x1d: {  	s5 =	simm.s32 @p1 $0x1;
	p0 =	seq.s32 s7, s2  }
0x1e: {  	s7 =	smul.u32 @!p0 $0xF7A, s2;
	p2 =	seq.s32 @!p0 s5, $0x0  }
0x1f: {  	s9 =	smul.u32 $0xF7A, s1;
	s8 =	simm.s32 @!p0 $0x1BF5;
	p2 =	por !p2, p0  }
0x20: {  	[sflag:s8] =	ssyncset.s32 @!p0 $0xFFFFF086;
	s6 =	sadd.s32 @!p0 s3, s7;
	s7 =	simm.s32 @!p0 $0x108  }
0x21: {  	s3 =	sadd.s32 s3, s9;
	s6 =	sadd.s32 @!p0 $0x88, s6;
	s7 =	simm.s32 @p2 $0x1082  }
0x22: {  	[simem:s7], [sflag:s8] =	dma.local @!p0 [hbm:s6], $0xF7A  }
0x23: {  	s9 =	sor.u32 $0xD0000000, s2;
	s6 =	simm.s32 $0x108;
	_ =	swait.ge @!p0 [sflag:s8], $0x0  }
0x24: {  	s3 =	sadd.s32 $0x88, s3;
	s6 =	simm.s32 @!p1 $0x1082;
	[sflag:s4] =	ssyncset.s32 $0xFFFFF086  }
0x25: {  	[simem:s6], [sflag:s4] =	dma.local [hbm:s3], $0xF7A  }
0x26: {  	[smem:$0x3F9A] =	sst s1;
	(tag) =	ssettag s2;
	_ =	strace s9  }
0x27: {  	s1 =	sld [smem:$0x3FAA]  }
0x28: {  	s2 =	sld [smem:$0x3FAB]  }
0x29: {  	s4 =	sld [smem:$0x3FAD]  }
0x2a: {  	p0 =	seq.s32 s5, $0x0;
	s5 =	sld [smem:$0x3FAE]  }
0x2b: {  	s6 =	sld [smem:$0x3FAF]  }
0x2c: {  	s7 =	sld [smem:$0x3FB0]  }
0x2d: {  	s3 =	simm.s32 $0x108;
	s8 =	sld [smem:$0x3FB1]  }
0x2e: {  	s3 =	simm.s32 @!p0 $0x1082;
	s9 =	sld [smem:$0x3FB2]  }
0x2f: {  	lr =	sadd.s32 s0, s3;
	s0 =	sld [smem:$0x3FA9]  }
0x30: {  	s3 =	sld [smem:$0x3FAC]  }
0x31: {  	[smem:$0x3FB5] =	sst s10  }
0x32: {  	s10 =	sld [smem:$0x3FB3];
	_ =	sdelay $0x3  }
0x33: {  	p0 =	seq.s32 s10, $0x1;
	s10 =	sld [smem:$0x3FB5];
	_ =	sdelay $0x3  }
0x34: {  	[smem:$0x3FB5] =	sst s10  }
0x35: {  	s10 =	sld [smem:$0x3FB4];
	_ =	sdelay $0x3  }
0x36: {  	p1 =	seq.s32 s10, $0x1;
	s10 =	sld [smem:$0x3FB5];
	_ =	sdelay $0x3  }
0x37: {  	[smem:$0x3FB5] =	sst s10  }
0x38: {  	s10 =	sld [smem:$0x3FB6]  }
0x39: {  	_ = 	snop;
	(pc) =	sbr.ind lr, $3  }
0x3a: {  	_ = 	snop  }
0x3b: {  	_ = 	snop  }
0x3c: {  	p2 =	seq.s32 s10, $0x1;
	s10 =	sld [smem:$0x3FB5]  }
0x3d: {  	_ =	shalt  }
0x3e: {  	_ =	shalt  }
0x3f: {  	_ =	shalt  }
0x40: {  	_ =	shalt  }
0x41: {  	_ =	shalt  }
0x42: {  	_ =	shalt  }
0x43: {  	_ =	shalt  }
0x44: {  	_ =	shalt  }
0x45: {  	_ =	shalt  }
0x46: {  	_ =	shalt  }
0x47: {  	_ =	shalt  }
0x48: {  	_ =	shalt  }
0x49: {  	_ =	shalt  }
0x4a: {  	_ =	shalt  }
0x4b: {  	_ =	shalt  }
0x4c: {  	_ =	shalt  }
0x4d: {  	_ =	shalt  }
0x4e: {  	_ =	shalt  }
0x4f: {  	_ =	shalt  }
0x50: {  	_ =	shalt  }
0x51: {  	_ =	shalt  }
0x52: {  	_ =	shalt  }
0x53: {  	_ =	shalt  }
0x54: {  	_ =	shalt  }
0x55: {  	_ =	shalt  }
0x56: {  	_ =	shalt  }
0x57: {  	_ =	shalt  }
0x58: {  	_ =	shalt  }
0x59: {  	_ =	shalt  }
0x5a: {  	_ =	shalt  }
0x5b: {  	_ =	shalt  }
0x5c: {  	_ =	shalt  }
0x5d: {  	_ =	shalt  }
0x5e: {  	_ =	shalt  }
0x5f: {  	_ =	shalt  }
0x60: {  	_ =	shalt  }
0x61: {  	_ =	shalt  }
0x62: {  	_ =	shalt  }
0x63: {  	_ =	shalt  }
0x64: {  	_ =	shalt  }
0x65: {  	_ =	shalt  }
0x66: {  	_ =	shalt  }
0x67: {  	_ =	shalt  }
0x68: {  	_ =	shalt  }
0x69: {  	_ =	shalt  }
0x6a: {  	_ =	shalt  }
0x6b: {  	_ =	shalt  }
0x6c: {  	_ =	shalt  }
0x6d: {  	_ =	shalt  }
0x6e: {  	_ =	shalt  }
0x6f: {  	_ =	shalt  }
0x70: {  	_ =	shalt  }
0x71: {  	_ =	shalt  }
0x72: {  	_ =	shalt  }
0x73: {  	_ =	shalt  }
0x74: {  	_ =	shalt  }
0x75: {  	_ =	shalt  }
0x76: {  	_ =	shalt  }
0x77: {  	_ =	shalt  }
0x78: {  	_ =	shalt  }
0x79: {  	_ =	shalt  }
0x7a: {  	_ =	shalt  }
0x7b: {  	_ =	shalt  }
0x7c: {  	_ =	shalt  }
0x7d: {  	_ =	shalt  }
0x7e: {  	_ =	shalt  }
0x7f: {  	_ =	shalt  }
0x80: {  	_ =	shalt  }
0x81: {  	_ =	shalt  }
0x82: {  	_ =	shalt  }
0x83: {  	_ =	shalt  }
0x84: {  	_ =	shalt  }
0x85: {  	_ =	shalt  }
0x86: {  	_ =	shalt  }
0x87: {  	_ =	shalt  }
.Lfunc_end0:
.L_simem_size_0:
called_computation_lowered:
.L_overlay_start_0:
0x88: {  	s2 =	sld [smem:$0x3FD9]  }
0x89: {  	s3 =	sld [smem:$0x3FFE];
	_ =	sdelay $0x1  }
0x8a: {  	s1 =	srdreg.scid  }
0x8b: {  	s0 =	sand.u32 $0x1, s1  }
0x8c: {  	s14 =	sshll.u32 s0, $0xA;
	s2 =	sadd.s32 s3, s2  }
0x8d: {  	s2 =	sadd.s32 s2, s14  }
0x8e: {  	[smem:$0x3FC1] =	sst s2  }
0x8f: {  	_ = 	snop  }
0x90: {  	s2 =	sld [smem:$0x3FD0];
	_ =	sdelay $0x2  }
0x91: {  	s15 =	simm.s32 $0xA;
	s4 =	simm.s32 $0x10  }
0x92: {  	[smem:s4], [sflag:s15] =	dma.local [hbm:s2], $0x1  }
0x93: {  	_ =	swait.eq [sflag:s15], $0x1  }
0x94: {  	[sflag:s15] =	ssyncset.done $0x0  }
0x95: {  	s16 =	sld [smem:$0x10];
	[sflag:s15] =	ssyncadd.s32 $0xFFFFFFFF  }
0x96: {  	s17 =	sld [smem:$0x11];
	(tm) =	ssettm $0x1  }
0x97: {  	s18 =	sld [smem:$0x3FFB];
	_ =	sdelay $0x3  }
0x98: {  	_ =	strace s18  }
0x99: {  	s4 =	sld [smem:$0x3FFC];
	_ =	sdelay $0x3  }
0x9a: {  	_ =	strace s4  }
0x9b: {  	s4 =	sld [smem:$0x3FFD];
	_ =	sdelay $0x3  }
0x9c: {  	_ =	strace s4  }
0x9d: {  	_ =	strace $0x8FFFFFFF  }
0x9e: {  	s19 =	sld [smem:$0x3FDB];
	_ =	sdelay $0x1  }
0x9f: {  	s5 =	simm.s32 $_scs_section_size  }
0xa0: {  	s6 =	simm.s32 $_size__tile_overlayer_lowered;
	s7 =	simm.s32 $_tile_overlayer_lowered  }
0xa1: {  	s22 =	simm.s32 $0x1BFF;
	s21 =	sshll.u32 s7, $0x1;
	s4 =	sadd.s32 s5, s19  }
0xa2: {  	s8 =	simm.s32 $0x0;
	s20 =	sshll.u32 s6, $0x1;
	s6 =	sadd.s32 s21, s4  }
0xa3: {  	[timem:s8], [sflag:s22] =	dma.local [hbm:s6], s20  }
0xa4: {  	_ =	swait.ge [sflag:s22], s20  }
0xa5: {  	s5 =	ssub.s32 $0x0, s20;
	[sflag:s22] =	ssyncset.done $0x0  }
0xa6: {  	[sflag:s22] =	ssyncadd.s32 s5;
	_ =	sdelay $0x1  }
0xa7: {  	s23 =	simm.s32 $0x1B8B  }
0xa8: {  	_ =	swait.ge [sflag:s23], $0x1  }
0xa9: {  	[sflag:s23] =	ssyncset.done $0x0  }
0xaa: {  	s25 =	simm.s32 $0x1B8E;
	s24 =	sld [smem:$0x3FFE];
	[sflag:s23] =	ssyncadd.s32 $0xFFFFFFFF  }
0xab: {  	s26 =	simm.s32 $execute0_lowered;
	[smem:$0x3FD2] =	sst s25  }
0xac: {  	s6 =	sshll.u32 s26, $0x1;
	_ =	strace $0x80000046;
	[dreg:$0x1] =	wrdreg $0xFFFFFFFF  }
0xad: {  	s28 =	simm.s32 $_size_execute0_lowered;
	s4 =	sadd.s32 s4, s6;
	[dreg:$0x0] =	wrdreg $0x0  }
0xae: {  	s6 =	sshll.u32 s28, $0x1;
	[dreg:$0x2] =	wrdreg s4  }
0xaf: {  	[dreg:$0x3] =	wrdreg s6  }
0xb0: {  	[dreg:$0x4] =	wrdreg $0xC0  }
0xb1: {  	_ =	task [dreg:s8], $0x5FFFF  }
0xb2: {  	[dreg:$0x1] =	wrdreg $0xFFFFFFFF  }
0xb3: {  	[dreg:$0x0] =	wrdreg $0x60  }
0xb4: {  	[dreg:$0x2] =	wrdreg s24  }
0xb5: {  	[dreg:$0x3] =	wrdreg s17  }
0xb6: {  	[dreg:$0x4] =	wrdreg s16  }
0xb7: {  	[dreg:$0x5] =	wrdreg $0x9  }
0xb8: {  	_ =	task.clear_ibuf [dreg:s8], $0x6FFFF;
	_ =	strace $0x90000046  }
0xb9: {  	s29 =	simm.s32 $0x9;
	_ =	strace $0x80000048  }
0xba: {  	_ =	swait.ge [sflag:s29], $0x1  }
0xbb: {  	[sflag:s29] =	ssyncadd.s32 $0xFFFFFFFF  }
0xbc: {  	_ =	strace $0x90000048  }
0xbd: {  	_ =	sfence  }
0xbe: {  	s30 =	sld [smem:$0x0];
	_ =	sdelay $0x2  }
0xbf: {  	s31 =	sshll.u32 s1, $0xD;
	s1 =	sshrl.u32 s1, $0x2  }
0xc0: {  	s3 =	sand.u32 $0x4000, s31;
	s1 =	sadd.s32 s1, s30  }
0xc1: {  	s0 =	sor.u32 s3, s0;
	s1 =	sshll.u32 s1, $0x11  }
0xc2: {  	s0 =	sor.u32 s1, s0  }
0xc3: {  	s0 =	sadd.s32 $0x8F2B, s0  }
0xc4: {  	[sflag:s0] =	ssyncadd.remote.s32 $0x1  }
0xc5: {  	_ =	sfence.sel $0xFFFF  }
0xc6: {  	[dreg:$0x0] =	wrdreg $0xFFFFFFFF;
	(pc) =	sbr.abs _section_cstart, $3  }
0xc7: {  	[dreg:$0x1] =	wrdreg $0xFFFFFFFF  }
0xc8: {  	_ =	task.clear_ibuf [dreg:s8], $0x2FFFF;
	_ =	strace $0x9FFFFFFF  }
0xc9: {  	(tm) =	ssettm $0x7FFFFFFF  }
tec
execute0_lowered:
.L_overlay_start_1:
0x0: {  	(tag) =	ssettag $0x1  }
0x1: {  	s4 =	rddreg [dreg:$0x0]  }
0x2: {  	s0 =	srdreg.scid;
	s2 =	rddreg [dreg:$0x1]  }
0x3: {  	s6 =	rddreg [dreg:$0x2];
	s5 =	sand.u32 $0x1, s0  }
0x4: {  	s1 =	stileid.u32;
	s9 =	simm.s32 $0x0;
	s3 =	sshll.u32 s5, $0x4  }
0x5: {  	s5 =	ssub.s32 $0x2, s5;
	s7 =	sor.u32 s1, s3;
	s3 =	simm.s32 $0x0  }
0x6: {  	s8 =	sshrl.u32 s5, $0x1;
	s7 =	smul.u32 $0x4E2, s7;
	[smem:$0x7FF] =	sst s3  }
0x7: {  	s0 =	rddreg [dreg:$0x3];
	s8 =	ssub.s32 s5, s8;
	_ =	strace $0x80000047  }
0x8: {  	s4 =	sadd.s32 s7, s4;
	s5 =	sadd.s32 s6, s7;
	s6 =	smax.u32 s8, $0x1  }
0x9: {  	v0 =	vimm.f32 $1.000000000e+00;
	s7 =	simm.s32 $0x1;
	s8 =	simm.s32 $0x2710;
	s4 =	sadd.s32 $0xCC00, s4  }
.LBB2_1:
0xa: {  	[tilespmem:s3], [sflag:$0x1] =	stream.linear.gather [hbm4b:s4+s3], $0x2710, $0x38;
	[tilespmem:$0x4E20] =	vst v63  }
0xb: {  	_ =	swait.ge [sflag:s7], $0x2710  }
0xc: {  	[sflag:s7] =	ssyncset.done $0x0  }
0xd: {  	[sflag:s7] =	ssyncadd.s32 $0xFFFFD8F0  }
0xe: {  	[tilespmem:s8], [sflag:$0x1] =	stream.linear.gather [hbm4b:s2+s3], $0x2710, $0x38;
	[tilespmem:$0x4E20] =	vst v63  }
0xf: {  	_ =	swait.ge [sflag:s7], $0x2710  }
0x10: {  	[sflag:s7] =	ssyncset.done $0x0  }
0x11: {  	s11 =	simm.s32 $0x0;
	s10 =	simm.s32 $0x40;
	[sflag:s7] =	ssyncadd.s32 $0xFFFFD8F0  }
.LBB2_2:
0x12: {  	p0 =	sne.s32 s10, $0x9C00;
	v1 =	vld [tilespmem:s11+$0x0];
	_ =	sdelay $0x3  }
.Ltmp0:
0x13: {  	(pc) =	sbr.rel @p0 .LBB2_2-.Ltmp0, $2  }
0x14: {  	_ =	sdelay $0x2  }
0x15: {  	s11 =	sshra.s32 s10, $0x2;
	s10 =	sadd.s32 $0x40, s10;
	[tilespmem:v1+s8+$0x0] =	vst.idx.add.f32.msk $0xffff, v0  }
0x16: {  	v1 =	vld [tilespmem:s11+$0x0];
	_ =	sdelay $0x5  }
0x17: {  	s9 =	sadd.s32 $0x1, s9  }
0x18: {  	p0 =	sne.s32 s9, s6  }
.Ltmp1:
0x19: {  	[tilespmem:v1+s8+$0x0] =	vst.idx.add.f32.msk $0xffff, v0;
	(pc) =	sbr.rel @p0 .LBB2_1-.Ltmp1, $4  }
0x1a: {  	[hbm4b:s5+s3] =	stream.linear.scatter [tilespmem:s8], [sflag:$0x1], $0x2710, $0x38;
	[tilespmem:$0x4E20] =	vst v63  }
0x1b: {  	_ =	swait.ge [sflag:s7], $0x2710  }
0x1c: {  	[sflag:s7] =	ssyncset.done $0x0  }
0x1d: {  	[sflag:s7] =	ssyncadd.s32 $0xFFFFD8F0  }
0x1e: {  	_ =	sfence.sel $0x180000  }
0x1f: {  	[bflag:$0x0] =	sbarrier.arrive $0xFFFF  }
0x20: {  	p0 =	sne.s32 s1, $0x0;
	_ =	strace $0x90000047  }
0x21: {  	s0 =	sadd.s32 @!p0 $0x100000, s0;
	[bflag:$0x2] =	sbarrier.arrive $0xFFFF  }
0x22: {  	[sflag:s0] =	ssyncadd.tile.s32 @!p0 $0x1;
	_ =	shalt  }
.Lfunc_end2:
_tile_overlayer_lowered:
.L_overlay_start_2:
0x23: {  	(tag) =	ssettag $0x2  }
0x24: {  	s0 =	rddreg [dreg:$0x0];
	s2 =	stileid.u32  }
0x25: {  	s1 =	rddreg [dreg:$0x1];
	p0 =	sne.s32 s2, $0x0  }
0x26: {  	s3 =	rddreg [dreg:$0x2];
	[bflag:$0x3] =	sbarrier.arrive $0xFFFF;
	s2 =	simm.s32 @!p0 $0x1C01  }
0x27: {  	[timem:s3], [sflag:s2] =	dma.local @!p0 [hbm:s0], s1  }
0x28: {  	s0 =	simm.s32 @!p0 $0x1  }
0x29: {  	_ =	swait.ge @!p0 [sflag:s0], s1  }
0x2a: {  	s1 =	ssub.s32 @!p0 $0x0, s1;
	[sflag:s0] =	ssyncset.done @!p0 $0x0  }
0x2b: {  	[sflag:s0] =	ssyncadd.s32 @!p0 s1  }
0x2c: {  	[bflag:$0x3] =	sbarrier.arrive $0xFFFF  }
0x2d: {  	_ =	shalt  }

// kernel: kernel.20.cloned.1.call-start
scs
__scs_entry_jumppad:
0x0: {  	(pc) =	sbr.rel $0x88, $3  }
0x1: {  	(tag) =	ssettag $0x0;
	lr =	simm.s32 $0x1  }
0x2: {  	[smem:$0x3F9A] =	sst lr;
	_ =	strace $0xD0000000  }
0x3: {  	_ = 	snop  }
0x4: {  	_ = 	snop  }
0x5: {  	_ = 	snop  }
0x6: {  	_ = 	snop  }
0x7: {  	_ = 	snop  }
__scs_overlays_trampoline_lowered:
0x8: {  	[smem:$0x3FA9] =	sst s0  }
0x9: {  	[smem:$0x3FAA] =	sst s1  }
0xa: {  	[smem:$0x3FAB] =	sst s2  }
0xb: {  	[smem:$0x3FAC] =	sst s3  }
0xc: {  	[smem:$0x3FAD] =	sst s4  }
0xd: {  	[smem:$0x3FAE] =	sst s5  }
0xe: {  	[smem:$0x3FAF] =	sst s6  }
0xf: {  	[smem:$0x3FB0] =	sst s7  }
0x10: {  	[smem:$0x3FB1] =	sst s8  }
0x11: {  	[smem:$0x3FB2] =	sst s9;
	s0 =	simm.s32 @!p0 $0x0  }
0x12: {  	s1 =	sld [smem:$0x3F98];
	s0 =	simm.s32 @p0 $0x1  }
0x13: {  	[smem:$0x3FB3] =	sst s0;
	s0 =	simm.s32 @!p1 $0x0  }
0x14: {  	s2 =	sld [smem:$0x3F97];
	s0 =	simm.s32 @p1 $0x1  }
0x15: {  	[smem:$0x3FB4] =	sst s0;
	s0 =	simm.s32 @!p2 $0x0  }
0x16: {  	s3 =	sld [smem:$0x3FDB];
	s0 =	simm.s32 @p2 $0x1  }
0x17: {  	s4 =	simm.s32 $0x1BF5;
	[smem:$0x3FB6] =	sst s0  }
0x18: {  	s0 =	sld [smem:$0x3F99];
	_ =	swait.ge [sflag:s4], $0x0  }
0x19: {  	s7 =	sld [smem:$0x3F9A]  }
0x1a: {  	s8 =	sadd.s32 $0xFFFFE003, lr  }
0x1b: {  	s9 =	sadd.s32 $0xFFFFFEF7, lr;
	s5 =	simm.s32 $0xFFFFFFFF;
	p2 =	slt.u32 s8, $0xFFFFF086  }
0x1c: {  	p1 =	slt.u32 s9, $0xF7A;
	s5 =	simm.s32 @!p2 $0x0  }
0x1d: {  	s5 =	simm.s32 @p1 $0x1;
	p0 =	seq.s32 s7, s2  }
0x1e: {  	s7 =	smul.u32 @!p0 $0xF7A, s2;
	p2 =	seq.s32 @!p0 s5, $0x0  }
0x1f: {  	s9 =	smul.u32 $0xF7A, s1;
	s8 =	simm.s32 @!p0 $0x1BF5;
	p2 =	por !p2, p0  }
0x20: {  	[sflag:s8] =	ssyncset.s32 @!p0 $0xFFFFF086;
	s6 =	sadd.s32 @!p0 s3, s7;
	s7 =	simm.s32 @!p0 $0x108  }
0x21: {  	s3 =	sadd.s32 s3, s9;
	s6 =	sadd.s32 @!p0 $0x88, s6;
	s7 =	simm.s32 @p2 $0x1082  }
0x22: {  	[simem:s7], [sflag:s8] =	dma.local @!p0 [hbm:s6], $0xF7A  }
0x23: {  	s9 =	sor.u32 $0xD0000000, s2;
	s6 =	simm.s32 $0x108;
	_ =	swait.ge @!p0 [sflag:s8], $0x0  }
0x24: {  	s3 =	sadd.s32 $0x88, s3;
	s6 =	simm.s32 @!p1 $0x1082;
	[sflag:s4] =	ssyncset.s32 $0xFFFFF086  }
0x25: {  	[simem:s6], [sflag:s4] =	dma.local [hbm:s3], $0xF7A  }
0x26: {  	[smem:$0x3F9A] =	sst s1;
	(tag) =	ssettag s2;
	_ =	strace s9  }
0x27: {  	s1 =	sld [smem:$0x3FAA]  }
0x28: {  	s2 =	sld [smem:$0x3FAB]  }
0x29: {  	s4 =	sld [smem:$0x3FAD]  }
0x2a: {  	p0 =	seq.s32 s5, $0x0;
	s5 =	sld [smem:$0x3FAE]  }
0x2b: {  	s6 =	sld [smem:$0x3FAF]  }
0x2c: {  	s7 =	sld [smem:$0x3FB0]  }
0x2d: {  	s3 =	simm.s32 $0x108;
	s8 =	sld [smem:$0x3FB1]  }
0x2e: {  	s3 =	simm.s32 @!p0 $0x1082;
	s9 =	sld [smem:$0x3FB2]  }
0x2f: {  	lr =	sadd.s32 s0, s3;
	s0 =	sld [smem:$0x3FA9]  }
0x30: {  	s3 =	sld [smem:$0x3FAC]  }
0x31: {  	[smem:$0x3FB5] =	sst s10  }
0x32: {  	s10 =	sld [smem:$0x3FB3];
	_ =	sdelay $0x3  }
0x33: {  	p0 =	seq.s32 s10, $0x1;
	s10 =	sld [smem:$0x3FB5];
	_ =	sdelay $0x3  }
0x34: {  	[smem:$0x3FB5] =	sst s10  }
0x35: {  	s10 =	sld [smem:$0x3FB4];
	_ =	sdelay $0x3  }
0x36: {  	p1 =	seq.s32 s10, $0x1;
	s10 =	sld [smem:$0x3FB5];
	_ =	sdelay $0x3  }
0x37: {  	[smem:$0x3FB5] =	sst s10  }
0x38: {  	s10 =	sld [smem:$0x3FB6]  }
0x39: {  	_ = 	snop;
	(pc) =	sbr.ind lr, $3  }
0x3a: {  	_ = 	snop  }
0x3b: {  	_ = 	snop  }
0x3c: {  	p2 =	seq.s32 s10, $0x1;
	s10 =	sld [smem:$0x3FB5]  }
0x3d: {  	_ =	shalt  }
0x3e: {  	_ =	shalt  }
0x3f: {  	_ =	shalt  }
0x40: {  	_ =	shalt  }
0x41: {  	_ =	shalt  }
0x42: {  	_ =	shalt  }
0x43: {  	_ =	shalt  }
0x44: {  	_ =	shalt  }
0x45: {  	_ =	shalt  }
0x46: {  	_ =	shalt  }
0x47: {  	_ =	shalt  }
0x48: {  	_ =	shalt  }
0x49: {  	_ =	shalt  }
0x4a: {  	_ =	shalt  }
0x4b: {  	_ =	shalt  }
0x4c: {  	_ =	shalt  }
0x4d: {  	_ =	shalt  }
0x4e: {  	_ =	shalt  }
0x4f: {  	_ =	shalt  }
0x50: {  	_ =	shalt  }
0x51: {  	_ =	shalt  }
0x52: {  	_ =	shalt  }
0x53: {  	_ =	shalt  }
0x54: {  	_ =	shalt  }
0x55: {  	_ =	shalt  }
0x56: {  	_ =	shalt  }
0x57: {  	_ =	shalt  }
0x58: {  	_ =	shalt  }
0x59: {  	_ =	shalt  }
0x5a: {  	_ =	shalt  }
0x5b: {  	_ =	shalt  }
0x5c: {  	_ =	shalt  }
0x5d: {  	_ =	shalt  }
0x5e: {  	_ =	shalt  }
0x5f: {  	_ =	shalt  }
0x60: {  	_ =	shalt  }
0x61: {  	_ =	shalt  }
0x62: {  	_ =	shalt  }
0x63: {  	_ =	shalt  }
0x64: {  	_ =	shalt  }
0x65: {  	_ =	shalt  }
0x66: {  	_ =	shalt  }
0x67: {  	_ =	shalt  }
0x68: {  	_ =	shalt  }
0x69: {  	_ =	shalt  }
0x6a: {  	_ =	shalt  }
0x6b: {  	_ =	shalt  }
0x6c: {  	_ =	shalt  }
0x6d: {  	_ =	shalt  }
0x6e: {  	_ =	shalt  }
0x6f: {  	_ =	shalt  }
0x70: {  	_ =	shalt  }
0x71: {  	_ =	shalt  }
0x72: {  	_ =	shalt  }
0x73: {  	_ =	shalt  }
0x74: {  	_ =	shalt  }
0x75: {  	_ =	shalt  }
0x76: {  	_ =	shalt  }
0x77: {  	_ =	shalt  }
0x78: {  	_ =	shalt  }
0x79: {  	_ =	shalt  }
0x7a: {  	_ =	shalt  }
0x7b: {  	_ =	shalt  }
0x7c: {  	_ =	shalt  }
0x7d: {  	_ =	shalt  }
0x7e: {  	_ =	shalt  }
0x7f: {  	_ =	shalt  }
0x80: {  	_ =	shalt  }
0x81: {  	_ =	shalt  }
0x82: {  	_ =	shalt  }
0x83: {  	_ =	shalt  }
0x84: {  	_ =	shalt  }
0x85: {  	_ =	shalt  }
0x86: {  	_ =	shalt  }
0x87: {  	_ =	shalt  }
.Lfunc_end0:
.L_simem_size_0:
called_computation.1_lowered:
.L_overlay_start_0:
0x88: {  	s2 =	sld [smem:$0x3FD9]  }
0x89: {  	s3 =	sld [smem:$0x3FFE];
	_ =	sdelay $0x1  }
0x8a: {  	s1 =	srdreg.scid  }
0x8b: {  	s0 =	sand.u32 $0x1, s1  }
0x8c: {  	s14 =	sshll.u32 s0, $0xA;
	s2 =	sadd.s32 s3, s2  }
0x8d: {  	s2 =	sadd.s32 s2, s14  }
0x8e: {  	[smem:$0x3FC1] =	sst s2  }
0x8f: {  	_ = 	snop  }
0x90: {  	s2 =	sld [smem:$0x3FD0];
	_ =	sdelay $0x2  }
0x91: {  	s15 =	simm.s32 $0xA;
	s4 =	simm.s32 $0x10  }
0x92: {  	[smem:s4], [sflag:s15] =	dma.local [hbm:s2], $0x1  }
0x93: {  	_ =	swait.eq [sflag:s15], $0x1  }
0x94: {  	[sflag:s15] =	ssyncset.done $0x0  }
0x95: {  	s16 =	sld [smem:$0x10];
	[sflag:s15] =	ssyncadd.s32 $0xFFFFFFFF  }
0x96: {  	s17 =	sld [smem:$0x11];
	(tm) =	ssettm $0x1  }
0x97: {  	s18 =	sld [smem:$0x3FFB];
	_ =	sdelay $0x3  }
0x98: {  	_ =	strace s18  }
0x99: {  	s4 =	sld [smem:$0x3FFC];
	_ =	sdelay $0x3  }
0x9a: {  	_ =	strace s4  }
0x9b: {  	s4 =	sld [smem:$0x3FFD];
	_ =	sdelay $0x3  }
0x9c: {  	_ =	strace s4  }
0x9d: {  	_ =	strace $0x8FFFFFFF  }
0x9e: {  	s19 =	sld [smem:$0x3FDB];
	_ =	sdelay $0x1  }
0x9f: {  	s5 =	simm.s32 $_scs_section_size  }
0xa0: {  	s6 =	simm.s32 $_size__tile_overlayer_lowered;
	s7 =	simm.s32 $_tile_overlayer_lowered  }
0xa1: {  	s22 =	simm.s32 $0x1BFF;
	s21 =	sshll.u32 s7, $0x1;
	s4 =	sadd.s32 s5, s19  }
0xa2: {  	s8 =	simm.s32 $0x0;
	s20 =	sshll.u32 s6, $0x1;
	s6 =	sadd.s32 s21, s4  }
0xa3: {  	[timem:s8], [sflag:s22] =	dma.local [hbm:s6], s20  }
0xa4: {  	_ =	swait.ge [sflag:s22], s20  }
0xa5: {  	s5 =	ssub.s32 $0x0, s20;
	[sflag:s22] =	ssyncset.done $0x0  }
0xa6: {  	[sflag:s22] =	ssyncadd.s32 s5;
	_ =	sdelay $0x1  }
0xa7: {  	s23 =	simm.s32 $0x1B8B  }
0xa8: {  	_ =	swait.ge [sflag:s23], $0x1  }
0xa9: {  	[sflag:s23] =	ssyncset.done $0x0  }
0xaa: {  	s25 =	simm.s32 $0x1B8E;
	s24 =	sld [smem:$0x3FFE];
	[sflag:s23] =	ssyncadd.s32 $0xFFFFFFFF  }
0xab: {  	s26 =	simm.s32 $execute0_lowered;
	[smem:$0x3FD2] =	sst s25  }
0xac: {  	s6 =	sshll.u32 s26, $0x1;
	_ =	strace $0x80000049;
	[dreg:$0x1] =	wrdreg $0xFFFFFFFF  }
0xad: {  	s28 =	simm.s32 $_size_execute0_lowered;
	s4 =	sadd.s32 s4, s6;
	[dreg:$0x0] =	wrdreg $0x0  }
0xae: {  	s6 =	sshll.u32 s28, $0x1;
	[dreg:$0x2] =	wrdreg s4  }
0xaf: {  	[dreg:$0x3] =	wrdreg s6  }
0xb0: {  	[dreg:$0x4] =	wrdreg $0xC0  }
0xb1: {  	_ =	task [dreg:s8], $0x5FFFF  }
0xb2: {  	[dreg:$0x1] =	wrdreg $0xFFFFFFFF  }
0xb3: {  	[dreg:$0x0] =	wrdreg $0x60  }
0xb4: {  	[dreg:$0x2] =	wrdreg s17  }
0xb5: {  	[dreg:$0x3] =	wrdreg s24  }
0xb6: {  	[dreg:$0x4] =	wrdreg s16  }
0xb7: {  	[dreg:$0x5] =	wrdreg $0x76200  }
0xb8: {  	[dreg:$0x6] =	wrdreg $0x9  }
0xb9: {  	_ =	task.clear_ibuf [dreg:s8], $0x7FFFF;
	_ =	strace $0x90000049  }
0xba: {  	s29 =	simm.s32 $0x9;
	_ =	strace $0x8000004B  }
0xbb: {  	_ =	swait.ge [sflag:s29], $0x1  }
0xbc: {  	[sflag:s29] =	ssyncadd.s32 $0xFFFFFFFF  }
0xbd: {  	_ =	strace $0x9000004B  }
0xbe: {  	_ =	sfence  }
0xbf: {  	s30 =	sld [smem:$0x0];
	_ =	sdelay $0x2  }
0xc0: {  	s31 =	sshll.u32 s1, $0xD;
	s1 =	sshrl.u32 s1, $0x2  }
0xc1: {  	s3 =	sand.u32 $0x4000, s31;
	s1 =	sadd.s32 s1, s30  }
0xc2: {  	s0 =	sor.u32 s3, s0;
	s1 =	sshll.u32 s1, $0x11  }
0xc3: {  	s0 =	sor.u32 s1, s0  }
0xc4: {  	s0 =	sadd.s32 $0x8F2B, s0  }
0xc5: {  	[sflag:s0] =	ssyncadd.remote.s32 $0x1  }
0xc6: {  	_ =	sfence.sel $0xFFFF  }
0xc7: {  	[dreg:$0x0] =	wrdreg $0xFFFFFFFF;
	(pc) =	sbr.abs _section_cstart, $3  }
0xc8: {  	[dreg:$0x1] =	wrdreg $0xFFFFFFFF  }
0xc9: {  	_ =	task.clear_ibuf [dreg:s8], $0x2FFFF;
	_ =	strace $0x9FFFFFFF  }
0xca: {  	(tm) =	ssettm $0x7FFFFFFF  }
0xcb: {  	_ =	shalt  }
tec
execute0_lowered:
.L_overlay_start_1:
0x0: {  	(tag) =	ssettag $0x1  }
0x1: {  	s0 =	rddreg [dreg:$0x0]  }
0x2: {  	s5 =	rddreg [dreg:$0x1]  }
0x3: {  	s1 =	srdreg.scid;
	s8 =	rddreg [dreg:$0x2]  }
0x4: {  	s3 =	rddreg [dreg:$0x3];
	s2 =	stileid.u32  }
0x5: {  	s4 =	simm.s32 $0x0;
	s14 =	simm.s32 $0x50;
	s15 =	simm.s32 $0x4E20  }
0x6: {  	s16 =	simm.s32 $0x6220;
	s17 =	simm.s32 $0x1;
	s18 =	simm.s32 $0x3  }
0x7: {  	s19 =	simm.s32 $0xA0;
	s20 =	simm.s32 $0x2;
	s21 =	simm.s32 $0x2760  }
0x8: {  	s22 =	simm.s32 $0x4;
	s6 =	sand.u32 $0x1, s1;
	s1 =	rddreg [dreg:$0x4]  }
0x9: {  	s23 =	simm.s32 $0x4DD0;
	s24 =	simm.s32 $0x0;
	[smem:$0x7FF] =	sst s4  }
0xa: {  	s9 =	smul.u32 $0x9C40, s2;
	s12 =	sshll.u32 s2, $0x6;
	s7 =	sshll.u32 s6, $0x4  }
0xb: {  	_ =	strace $0x8000004A;
	s10 =	ssub.s32 $0x2, s6;
	s11 =	smul.u32 $0x9C400, s6  }
0xc: {  	s12 =	sor.u32 $0x1C05, s12;
	s7 =	sor.u32 s2, s7;
	s9 =	sand.u32 $0xFFE00, s9  }
0xd: {  	s30 =	sshrl.u32 s10, $0x1;
	s7 =	smul.u32 $0x4E2, s7;
	s11 =	sadd.s32 s11, s9  }
0xe: {  	s10 =	ssub.s32 s10, s30;
	s13 =	sadd.s32 s9, s3;
	s31 =	sshrl.u32 s11, $0x3  }
0xf: {  	s9 =	smax.u32 s10, $0x1;
	s10 =	simm.s32 $0x5;
	s11 =	simm.s32 $0x2710  }
0x10: {  	s13 =	sshrl.u32 s13, $0x3;
	s7 =	sadd.s32 s7, s5;
	s5 =	sadd.s32 $0x16A00, s5  }
0x11: {  	s8 =	sadd.s32 s8, s31;
	s6 =	sadd.s32 $0x2E00, s7;
	s7 =	sadd.s32 $0xCC00, s7  }
.LBB2_1:
0x12: {  	[tilespmem:s4], [sflag:$0x5] =	stream.linear.gather [hbm4b:s6+s4], $0x2710, $0x38;
	[tilespmem:$0x11260] =	vst v63  }
0x13: {  	_ =	swait.ge [sflag:s10], $0x2710  }
0x14: {  	[sflag:s10] =	ssyncset.done $0x0  }
0x15: {  	[sflag:s10] =	ssyncadd.s32 $0xFFFFD8F0  }
0x16: {  	[tilespmem:s11], [sflag:$0x5] =	stream.linear.gather [hbm4b:s7+s4], $0x2710, $0x38;
	[tilespmem:$0x11260] =	vst v63  }
0x17: {  	_ =	swait.ge [sflag:s10], $0x2710  }
0x18: {  	[sflag:s10] =	ssyncset.done $0x0  }
0x19: {  	[sflag:s10] =	ssyncadd.s32 $0xFFFFD8F0  }
0x1a: {  	[spmem:s13], [sflag:s12] =	dma.local [hbm:s5], $0x13C0  }
0x1b: {  	_ =	swait.ge [sflag:s10], $0x13C0  }
0x1c: {  	[sflag:s10] =	ssyncset.done $0x0  }
0x1d: {  	[sflag:s10] =	ssyncadd.s32 $0xFFFFEC40  }
0x1e: {  	[bflag:$0x0] =	sbarrier.arrive $0xFFFF  }
0x1f: {  	[tilespmem:s15], [sflag:$0x1] =	stream.indirect.gather [hbm4b:s0+s14], $0x40, s4, s14, $0xb8;
	[tilespmem:$0x11260] =	vst v63  }
0x20: {  	_ = 	snop  }
0x21: {  	[tilespmem:s16], [sflag:$0x2] =	stream.indirect.gather [hbm4b:s0+s14], $0x40, s14, s14, $0xb8;
	[tilespmem:$0x11260] =	vst v63  }
0x22: {  	_ =	swait.ge [sflag:s17], $0x1400  }
0x23: {  	[sflag:s17] =	ssyncset.done $0x0  }
0x24: {  	[sflag:s17] =	ssyncadd.s32 $0xFFFFEC00  }
0x25: {  	[spmem:s3] =	stream.indirect.scatter.add.f32 [tilespmem:s15], [sflag:$0x3], $0x40, s11, s14, $0xb8;
	[tilespmem:$0x11260] =	vst v63  }
0x26: {  	_ =	swait.ge [sflag:s18], $0x1400  }
0x27: {  	[sflag:s18] =	ssyncset.done $0x0  }
0x28: {  	[sflag:s18] =	ssyncadd.s32 $0xFFFFEC00  }
0x29: {  	[tilespmem:s15], [sflag:$0x1] =	stream.indirect.gather [hbm4b:s0+s14], $0x40, s19, s14, $0xb8;
	[tilespmem:$0x11260] =	vst v63  }
0x2a: {  	_ =	swait.ge [sflag:s20], $0x1400  }
0x2b: {  	[sflag:s20] =	ssyncset.done $0x0  }
0x2c: {  	[sflag:s20] =	ssyncadd.s32 $0xFFFFEC00  }
0x2d: {  	[spmem:s3] =	stream.indirect.scatter.add.f32 [tilespmem:s16], [sflag:$0x4], $0x40, s21, s14, $0xb8;
	[tilespmem:$0x11260] =	vst v63  }
0x2e: {  	_ =	swait.ge [sflag:s22], $0x1400  }
0x2f: {  	[sflag:s22] =	ssyncset.done $0x0  }
0x30: {  	s25 =	simm.s32 $0xF0;
	[sflag:s22] =	ssyncadd.s32 $0xFFFFEC00  }
0x31: {  	[tilespmem:s16], [sflag:$0x2] =	stream.indirect.gather [hbm4b:s0+s14], $0x40, s25, s14, $0xb8;
	[tilespmem:$0x11260] =	vst v63  }
0x32: {  	_ =	swait.ge [sflag:s17], $0x1400  }
0x33: {  	[sflag:s17] =	ssyncset.done $0x0  }
0x34: {  	s30 =	simm.s32 $0x27B0;
	[sflag:s17] =	ssyncadd.s32 $0xFFFFEC00  }
0x35: {  	[spmem:s3] =	stream.indirect.scatter.add.f32 [tilespmem:s15], [sflag:$0x3], $0x40, s30, s14, $0xb8;
	[tilespmem:$0x11260] =	vst v63  }
0x36: {  	_ =	swait.ge [sflag:s18], $0x1400  }
0x37: {  	[sflag:s18] =	ssyncset.done $0x0  }
0x38: {  	s31 =	simm.s32 $0x140;
	[sflag:s18] =	ssyncadd.s32 $0xFFFFEC00  }
0x39: {  	[tilespmem:s15], [sflag:$0x1] =	stream.indirect.gather [hbm4b:s0+s14], $0x40, s31, s14, $0xb8;
	[tilespmem:$0x11260] =	vst v63  }
0x3a: {  	_ =	swait.ge [sflag:s20], $0x1400  }
0x3b: {  	[sflag:s20] =	ssyncset.done $0x0  }
0x3c: {  	s26 =	simm.s32 $0x2800;
	s25 =	simm.s32 $0xFFFF6A00;
	[sflag:s20] =	ssyncadd.s32 $0xFFFFEC00  }
.LBB2_2:
0x3d: {  	[spmem:s3] =	stream.indirect.scatter.add.f32 [tilespmem:s16], [sflag:$0x4], $0x40, s26, s14, $0xb8;
	[tilespmem:$0x11260] =	vst v63  }
0x3e: {  	s26 =	smov.u32 s25  }
0x3f: {  	p0 =	sne.s32 s25, $0xFFFFFD80;
	s25 =	sadd.s32 $0x280, s25;
	_ =	swait.ge [sflag:s22], $0x1400  }
0x40: {  	s26 =	sshra.s32 s26, $0x2;
	[sflag:s22] =	ssyncset.done $0x0  }
0x41: {  	s28 =	sadd.s32 $0x2710, s26;
	[sflag:s22] =	ssyncadd.s32 $0xFFFFEC00  }
0x42: {  	[tilespmem:s16], [sflag:$0x2] =	stream.indirect.gather [hbm4b:s0+s14], $0x40, s28, s14, $0xb8;
	[tilespmem:$0x11260] =	vst v63  }
0x43: {  	_ =	swait.ge [sflag:s17], $0x1400  }
0x44: {  	[sflag:s17] =	ssyncset.done $0x0  }
0x45: {  	s28 =	sadd.s32 $0x4DD0, s26;
	[sflag:s17] =	ssyncadd.s32 $0xFFFFEC00  }
0x46: {  	[spmem:s3] =	stream.indirect.scatter.add.f32 [tilespmem:s15], [sflag:$0x3], $0x40, s28, s14, $0xb8;
	[tilespmem:$0x11260] =	vst v63  }
0x47: {  	_ =	swait.ge [sflag:s18], $0x1400  }
0x48: {  	[sflag:s18] =	ssyncset.done $0x0  }
.Ltmp0:
0x49: {  	s28 =	sadd.s32 $0x2760, s26;
	[sflag:s18] =	ssyncadd.s32 $0xFFFFEC00;
	(pc) =	sbr.rel @p0 .LBB2_2-.Ltmp0, $4  }
0x4a: {  	[tilespmem:s15], [sflag:$0x1] =	stream.indirect.gather [hbm4b:s0+s14], $0x40, s28, s14, $0xb8;
	[tilespmem:$0x11260] =	vst v63  }
0x4b: {  	_ =	swait.ge [sflag:s20], $0x1400  }
0x4c: {  	[sflag:s20] =	ssyncset.done $0x0  }
0x4d: {  	s26 =	sadd.s32 $0x4E20, s26;
	[sflag:s20] =	ssyncadd.s32 $0xFFFFEC00  }
0x4e: {  	[spmem:s3] =	stream.indirect.scatter.add.f32 [tilespmem:s16], [sflag:$0x4], $0x40, s26, s14, $0xb8;
	[tilespmem:$0x11260] =	vst v63  }
0x4f: {  	_ =	swait.ge [sflag:s17], $0x1400  }
0x50: {  	[sflag:s17] =	ssyncset.done $0x0  }
0x51: {  	[sflag:s17] =	ssyncadd.s32 $0xFFFFEC00  }
0x52: {  	_ =	swait.ge [sflag:s22], $0x1400  }
0x53: {  	[sflag:s22] =	ssyncset.done $0x0  }
0x54: {  	[sflag:s22] =	ssyncadd.s32 $0xFFFFEC00  }
0x55: {  	[spmem:s3] =	stream.indirect.scatter.add.f32 [tilespmem:s15], [sflag:$0x5], $0x40, s23, s14, $0xb8;
	[tilespmem:$0x11260] =	vst v63  }
0x56: {  	_ =	swait.ge [sflag:s10], $0x1400  }
0x57: {  	s24 =	sadd.s32 $0x1, s24;
	[sflag:s10] =	ssyncset.done $0x0  }
0x58: {  	p0 =	sne.s32 s24, s9;
	[sflag:s10] =	ssyncadd.s32 $0xFFFFEC00  }
.Ltmp1:
0x59: {  	[bflag:$0x0] =	sbarrier.arrive $0xFFFF;
	(pc) =	sbr.rel @p0 .LBB2_1-.Ltmp1, $4  }
0x5a: {  	[hbm:s8], [sflag:s12] =	dma.local [spmem:s13], $0x13C0  }
0x5b: {  	_ =	swait.ge [sflag:s10], $0x13C0  }
0x5c: {  	[sflag:s10] =	ssyncset.done $0x0  }
0x5d: {  	[sflag:s10] =	ssyncadd.s32 $0xFFFFEC40  }
0x5e: {  	_ =	sfence.sel $0x180000  }
0x5f: {  	[bflag:$0x0] =	sbarrier.arrive $0xFFFF  }
0x60: {  	p0 =	sne.s32 s2, $0x0;
	_ =	strace $0x9000004A  }
0x61: {  	s0 =	sadd.s32 @!p0 $0x100000, s1;
	[bflag:$0x2] =	sbarrier.arrive $0xFFFF  }
0x62: {  	[sflag:s0] =	ssyncadd.tile.s32 @!p0 $0x1;
	_ =	shalt  }
.Lfunc_end2:
_tile_overlayer_lowered:
.L_overlay_start_2:
0x63: {  	(tag) =	ssettag $0x2  }
0x64: {  	s0 =	rddreg [dreg:$0x0];
	s2 =	stileid.u32  }
0x65: {  	s1 =	rddreg [dreg:$0x1];
	p0 =	sne.s32 s2, $0x0  }
0x66: {  	s3 =	rddreg [dreg:$0x2];
	[bflag:$0x3] =	sbarrier.arrive $0xFFFF;
	s2 =	simm.s32 @!p0 $0x1C05  }
0x67: {  	[timem:s3], [sflag:s2] =	dma.local @!p0 [hbm:s0], s1  }
0x68: {  	s0 =	simm.s32 @!p0 $0x5  }
0x69: {  	_ =	swait.ge @!p0 [sflag:s0], s1  }
0x6a: {  	s1 =	ssub.s32 @!p0 $0x0, s1;
	[sflag:s0] =	ssyncset.done @!p0 $0x0  }
0x6b: {  	[sflag:s0] =	ssyncadd.s32 @!p0 s1  }
0x6c: {  	[bflag:$0x3] =	sbarrier.arrive $0xFFFF  }
0x6d: {  	_ =	shalt  }

// kernel: kernel.23.cloned.1.call-start
scs
__scs_entry_jumppad:
0x0: {  	(pc) =	sbr.rel $0x88, $3  }
0x1: {  	(tag) =	ssettag $0x0;
	lr =	simm.s32 $0x1  }
0x2: {  	[smem:$0x3F9A] =	sst lr;
	_ =	strace $0xD0000000  }
0x3: {  	_ = 	snop  }
0x4: {  	_ = 	snop  }
0x5: {  	_ = 	snop  }
0x6: {  	_ = 	snop  }
0x7: {  	_ = 	snop  }
__scs_overlays_trampoline_lowered:
0x8: {  	[smem:$0x3FA9] =	sst s0  }
0x9: {  	[smem:$0x3FAA] =	sst s1  }
0xa: {  	[smem:$0x3FAB] =	sst s2  }
0xb: {  	[smem:$0x3FAC] =	sst s3  }
0xc: {  	[smem:$0x3FAD] =	sst s4  }
0xd: {  	[smem:$0x3FAE] =	sst s5  }
0xe: {  	[smem:$0x3FAF] =	sst s6  }
0xf: {  	[smem:$0x3FB0] =	sst s7  }
0x10: {  	[smem:$0x3FB1] =	sst s8  }
0x11: {  	[smem:$0x3FB2] =	sst s9;
	s0 =	simm.s32 @!p0 $0x0  }
0x12: {  	s1 =	sld [smem:$0x3F98];
	s0 =	simm.s32 @p0 $0x1  }
0x13: {  	[smem:$0x3FB3] =	sst s0;
	s0 =	simm.s32 @!p1 $0x0  }
0x14: {  	s2 =	sld [smem:$0x3F97];
	s0 =	simm.s32 @p1 $0x1  }
0x15: {  	[smem:$0x3FB4] =	sst s0;
	s0 =	simm.s32 @!p2 $0x0  }
0x16: {  	s3 =	sld [smem:$0x3FDB];
	s0 =	simm.s32 @p2 $0x1  }
0x17: {  	s4 =	simm.s32 $0x1BF5;
	[smem:$0x3FB6] =	sst s0  }
0x18: {  	s0 =	sld [smem:$0x3F99];
	_ =	swait.ge [sflag:s4], $0x0  }
0x19: {  	s7 =	sld [smem:$0x3F9A]  }
0x1a: {  	s8 =	sadd.s32 $0xFFFFE003, lr  }
0x1b: {  	s9 =	sadd.s32 $0xFFFFFEF7, lr;
	s5 =	simm.s32 $0xFFFFFFFF;
	p2 =	slt.u32 s8, $0xFFFFF086  }
0x1c: {  	p1 =	slt.u32 s9, $0xF7A;
	s5 =	simm.s32 @!p2 $0x0  }
0x1d: {  	s5 =	simm.s32 @p1 $0x1;
	p0 =	seq.s32 s7, s2  }
0x1e: {  	s7 =	smul.u32 @!p0 $0xF7A, s2;
	p2 =	seq.s32 @!p0 s5, $0x0  }
0x1f: {  	s9 =	smul.u32 $0xF7A, s1;
	s8 =	simm.s32 @!p0 $0x1BF5;
	p2 =	por !p2, p0  }
0x20: {  	[sflag:s8] =	ssyncset.s32 @!p0 $0xFFFFF086;
	s6 =	sadd.s32 @!p0 s3, s7;
	s7 =	simm.s32 @!p0 $0x108  }
0x21: {  	s3 =	sadd.s32 s3, s9;
	s6 =	sadd.s32 @!p0 $0x88, s6;
	s7 =	simm.s32 @p2 $0x1082  }
0x22: {  	[simem:s7], [sflag:s8] =	dma.local @!p0 [hbm:s6], $0xF7A  }
0x23: {  	s9 =	sor.u32 $0xD0000000, s2;
	s6 =	simm.s32 $0x108;
	_ =	swait.ge @!p0 [sflag:s8], $0x0  }
0x24: {  	s3 =	sadd.s32 $0x88, s3;
	s6 =	simm.s32 @!p1 $0x1082;
	[sflag:s4] =	ssyncset.s32 $0xFFFFF086  }
0x25: {  	[simem:s6], [sflag:s4] =	dma.local [hbm:s3], $0xF7A  }
0x26: {  	[smem:$0x3F9A] =	sst s1;
	(tag) =	ssettag s2;
	_ =	strace s9  }
0x27: {  	s1 =	sld [smem:$0x3FAA]  }
0x28: {  	s2 =	sld [smem:$0x3FAB]  }
0x29: {  	s4 =	sld [smem:$0x3FAD]  }
0x2a: {  	p0 =	seq.s32 s5, $0x0;
	s5 =	sld [smem:$0x3FAE]  }
0x2b: {  	s6 =	sld [smem:$0x3FAF]  }
0x2c: {  	s7 =	sld [smem:$0x3FB0]  }
0x2d: {  	s3 =	simm.s32 $0x108;
	s8 =	sld [smem:$0x3FB1]  }
0x2e: {  	s3 =	simm.s32 @!p0 $0x1082;
	s9 =	sld [smem:$0x3FB2]  }
0x2f: {  	lr =	sadd.s32 s0, s3;
	s0 =	sld [smem:$0x3FA9]  }
0x30: {  	s3 =	sld [smem:$0x3FAC]  }
0x31: {  	[smem:$0x3FB5] =	sst s10  }
0x32: {  	s10 =	sld [smem:$0x3FB3];
	_ =	sdelay $0x3  }
0x33: {  	p0 =	seq.s32 s10, $0x1;
	s10 =	sld [smem:$0x3FB5];
	_ =	sdelay $0x3  }
0x34: {  	[smem:$0x3FB5] =	sst s10  }
0x35: {  	s10 =	sld [smem:$0x3FB4];
	_ =	sdelay $0x3  }
0x36: {  	p1 =	seq.s32 s10, $0x1;
	s10 =	sld [smem:$0x3FB5];
	_ =	sdelay $0x3  }
0x37: {  	[smem:$0x3FB5] =	sst s10  }
0x38: {  	s10 =	sld [smem:$0x3FB6]  }
0x39: {  	_ = 	snop;
	(pc) =	sbr.ind lr, $3  }
0x3a: {  	_ = 	snop  }
0x3b: {  	_ = 	snop  }
0x3c: {  	p2 =	seq.s32 s10, $0x1;
	s10 =	sld [smem:$0x3FB5]  }
0x3d: {  	_ =	shalt  }
0x3e: {  	_ =	shalt  }
0x3f: {  	_ =	shalt  }
0x40: {  	_ =	shalt  }
0x41: {  	_ =	shalt  }
0x42: {  	_ =	shalt  }
0x43: {  	_ =	shalt  }
0x44: {  	_ =	shalt  }
0x45: {  	_ =	shalt  }
0x46: {  	_ =	shalt  }
0x47: {  	_ =	shalt  }
0x48: {  	_ =	shalt  }
0x49: {  	_ =	shalt  }
0x4a: {  	_ =	shalt  }
0x4b: {  	_ =	shalt  }
0x4c: {  	_ =	shalt  }
0x4d: {  	_ =	shalt  }
0x4e: {  	_ =	shalt  }
0x4f: {  	_ =	shalt  }
0x50: {  	_ =	shalt  }
0x51: {  	_ =	shalt  }
0x52: {  	_ =	shalt  }
0x53: {  	_ =	shalt  }
0x54: {  	_ =	shalt  }
0x55: {  	_ =	shalt  }
0x56: {  	_ =	shalt  }
0x57: {  	_ =	shalt  }
0x58: {  	_ =	shalt  }
0x59: {  	_ =	shalt  }
0x5a: {  	_ =	shalt  }
0x5b: {  	_ =	shalt  }
0x5c: {  	_ =	shalt  }
0x5d: {  	_ =	shalt  }
0x5e: {  	_ =	shalt  }
0x5f: {  	_ =	shalt  }
0x60: {  	_ =	shalt  }
0x61: {  	_ =	shalt  }
0x62: {  	_ =	shalt  }
0x63: {  	_ =	shalt  }
0x64: {  	_ =	shalt  }
0x65: {  	_ =	shalt  }
0x66: {  	_ =	shalt  }
0x67: {  	_ =	shalt  }
0x68: {  	_ =	shalt  }
0x69: {  	_ =	shalt  }
0x6a: {  	_ =	shalt  }
0x6b: {  	_ =	shalt  }
0x6c: {  	_ =	shalt  }
0x6d: {  	_ =	shalt  }
0x6e: {  	_ =	shalt  }
0x6f: {  	_ =	shalt  }
0x70: {  	_ =	shalt  }
0x71: {  	_ =	shalt  }
0x72: {  	_ =	shalt  }
0x73: {  	_ =	shalt  }
0x74: {  	_ =	shalt  }
0x75: {  	_ =	shalt  }
0x76: {  	_ =	shalt  }
0x77: {  	_ =	shalt  }
0x78: {  	_ =	shalt  }
0x79: {  	_ =	shalt  }
0x7a: {  	_ =	shalt  }
0x7b: {  	_ =	shalt  }
0x7c: {  	_ =	shalt  }
0x7d: {  	_ =	shalt  }
0x7e: {  	_ =	shalt  }
0x7f: {  	_ =	shalt  }
0x80: {  	_ =	shalt  }
0x81: {  	_ =	shalt  }
0x82: {  	_ =	shalt  }
0x83: {  	_ =	shalt  }
0x84: {  	_ =	shalt  }
0x85: {  	_ =	shalt  }
0x86: {  	_ =	shalt  }
0x87: {  	_ =	shalt  }
.Lfunc_end0:
.L_simem_size_0:
called_computation.2_lowered:
.L_overlay_start_0:
0x88: {  	s2 =	sld [smem:$0x3FD9]  }
0x89: {  	s3 =	sld [smem:$0x3FFE];
	_ =	sdelay $0x1  }
0x8a: {  	s1 =	srdreg.scid  }
0x8b: {  	s0 =	sand.u32 $0x1, s1  }
0x8c: {  	s14 =	sshll.u32 s0, $0xA;
	s2 =	sadd.s32 s3, s2  }
0x8d: {  	s2 =	sadd.s32 s2, s14  }
0x8e: {  	[smem:$0x3FC1] =	sst s2  }
0x8f: {  	_ = 	snop  }
0x90: {  	s2 =	sld [smem:$0x3FD0];
	_ =	sdelay $0x2  }
0x91: {  	s15 =	simm.s32 $0xA;
	s4 =	simm.s32 $0x10  }
0x92: {  	[smem:s4], [sflag:s15] =	dma.local [hbm:s2], $0x1  }
0x93: {  	_ =	swait.eq [sflag:s15], $0x1  }
0x94: {  	[sflag:s15] =	ssyncset.done $0x0  }
0x95: {  	s16 =	sld [smem:$0x10];
	[sflag:s15] =	ssyncadd.s32 $0xFFFFFFFF  }
0x96: {  	s17 =	sld [smem:$0x11];
	(tm) =	ssettm $0x1  }
0x97: {  	s18 =	sld [smem:$0x3FFB];
	_ =	sdelay $0x3  }
0x98: {  	_ =	strace s18  }
0x99: {  	s4 =	sld [smem:$0x3FFC];
	_ =	sdelay $0x3  }
0x9a: {  	_ =	strace s4  }
0x9b: {  	s4 =	sld [smem:$0x3FFD];
	_ =	sdelay $0x3  }
0x9c: {  	_ =	strace s4  }
0x9d: {  	_ =	strace $0x8FFFFFFF  }
0x9e: {  	s19 =	sld [smem:$0x3FDB];
	_ =	sdelay $0x1  }
0x9f: {  	s5 =	simm.s32 $_scs_section_size  }
0xa0: {  	s6 =	simm.s32 $_size__tile_overlayer_lowered;
	s7 =	simm.s32 $_tile_overlayer_lowered  }
0xa1: {  	s22 =	simm.s32 $0x1BFF;
	s21 =	sshll.u32 s7, $0x1;
	s4 =	sadd.s32 s5, s19  }
0xa2: {  	s8 =	simm.s32 $0x0;
	s20 =	sshll.u32 s6, $0x1;
	s6 =	sadd.s32 s21, s4  }
0xa3: {  	[timem:s8], [sflag:s22] =	dma.local [hbm:s6], s20  }
0xa4: {  	_ =	swait.ge [sflag:s22], s20  }
0xa5: {  	s5 =	ssub.s32 $0x0, s20;
	[sflag:s22] =	ssyncset.done $0x0  }
0xa6: {  	[sflag:s22] =	ssyncadd.s32 s5;
	_ =	sdelay $0x1  }
0xa7: {  	s23 =	simm.s32 $0x1B8B  }
0xa8: {  	_ =	swait.ge [sflag:s23], $0x1  }
0xa9: {  	[sflag:s23] =	ssyncset.done $0x0  }
0xaa: {  	s25 =	simm.s32 $0x1B8E;
	s24 =	sld [smem:$0x3FFE];
	[sflag:s23] =	ssyncadd.s32 $0xFFFFFFFF  }
0xab: {  	s26 =	simm.s32 $execute0_lowered;
	[smem:$0x3FD2] =	sst s25  }
0xac: {  	s6 =	sshll.u32 s26, $0x1;
	_ =	strace $0x8000004C;
	[dreg:$0x1] =	wrdreg $0xFFFFFFFF  }
0xad: {  	s28 =	simm.s32 $_size_execute0_lowered;
	s4 =	sadd.s32 s4, s6;
	[dreg:$0x0] =	wrdreg $0x0  }
0xae: {  	s6 =	sshll.u32 s28, $0x1;
	[dreg:$0x2] =	wrdreg s4  }
0xaf: {  	[dreg:$0x3] =	wrdreg s6  }
0xb0: {  	[dreg:$0x4] =	wrdreg $0xC0  }
0xb1: {  	_ =	task [dreg:s8], $0x5FFFF  }
0xb2: {  	[dreg:$0x1] =	wrdreg $0xFFFFFFFF  }
0xb3: {  	[dreg:$0x0] =	wrdreg $0x60  }
0xb4: {  	[dreg:$0x2] =	wrdreg s17  }
0xb5: {  	[dreg:$0x3] =	wrdreg s24  }
0xb6: {  	[dreg:$0x4] =	wrdreg s16  }
0xb7: {  	[dreg:$0x5] =	wrdreg $0x62200  }
0xb8: {  	[dreg:$0x6] =	wrdreg $0x9  }
0xb9: {  	_ =	task.clear_ibuf [dreg:s8], $0x7FFFF;
	_ =	strace $0x9000004C  }
0xba: {  	s29 =	simm.s32 $0x9;
	_ =	strace $0x8000004E  }
0xbb: {  	_ =	swait.ge [sflag:s29], $0x1  }
0xbc: {  	[sflag:s29] =	ssyncadd.s32 $0xFFFFFFFF  }
0xbd: {  	_ =	strace $0x9000004E  }
0xbe: {  	_ =	sfence  }
0xbf: {  	s30 =	sld [smem:$0x0];
	_ =	sdelay $0x2  }
0xc0: {  	s31 =	sshll.u32 s1, $0xD;
	s1 =	sshrl.u32 s1, $0x2  }
0xc1: {  	s3 =	sand.u32 $0x4000, s31;
	s1 =	sadd.s32 s1, s30  }
0xc2: {  	s0 =	sor.u32 s3, s0;
	s1 =	sshll.u32 s1, $0x11  }
0xc3: {  	s0 =	sor.u32 s1, s0  }
0xc4: {  	s0 =	sadd.s32 $0x8F2B, s0  }
0xc5: {  	[sflag:s0] =	ssyncadd.remote.s32 $0x1  }
0xc6: {  	_ =	sfence.sel $0xFFFF  }
0xc7: {  	[dreg:$0x0] =	wrdreg $0xFFFFFFFF;
	(pc) =	sbr.abs _section_cstart, $3  }
0xc8: {  	[dreg:$0x1] =	wrdreg $0xFFFFFFFF  }
0xc9: {  	_ =	task.clear_ibuf [dreg:s8], $0x2FFFF;
	_ =	strace $0x9FFFFFFF  }
0xca: {  	(tm) =	ssettm $0x7FFFFFFF  }
0xcb: {  	_ =	shalt  }
tec
execute0_lowered:
.L_overlay_start_1:
0x0: {  	(tag) =	ssettag $0x1  }
0x1: {  	s0 =	rddreg [dreg:$0x0]  }
0x2: {  	s5 =	rddreg [dreg:$0x1]  }
0x3: {  	s1 =	srdreg.scid;
	s8 =	rddreg [dreg:$0x2]  }
0x4: {  	s3 =	rddreg [dreg:$0x3];
	s2 =	stileid.u32  }
0x5: {  	s4 =	simm.s32 $0x0;
	s14 =	simm.s32 $0x50;
	s15 =	simm.s32 $0x4E20  }
0x6: {  	s16 =	simm.s32 $0x5820;
	s17 =	simm.s32 $0x1;
	s18 =	simm.s32 $0x3  }
0x7: {  	s19 =	simm.s32 $0xA0;
	s20 =	simm.s32 $0x2;
	s21 =	simm.s32 $0x2760  }
0x8: {  	s22 =	simm.s32 $0x4;
	s6 =	sand.u32 $0x1, s1;
	s1 =	rddreg [dreg:$0x4]  }
0x9: {  	s23 =	simm.s32 $0x4DD0;
	s24 =	simm.s32 $0x0;
	[smem:$0x7FF] =	sst s4  }
0xa: {  	s9 =	smul.u32 $0x4E20, s2;
	s12 =	sshll.u32 s2, $0x6;
	s7 =	sshll.u32 s6, $0x4  }
0xb: {  	_ =	strace $0x8000004D;
	s10 =	ssub.s32 $0x2, s6;
	s11 =	smul.u32 $0x4E200, s6  }
0xc: {  	s12 =	sor.u32 $0x1C05, s12;
	s7 =	sor.u32 s2, s7;
	s9 =	sand.u32 $0x7FF00, s9  }
0xd: {  	s30 =	sshrl.u32 s10, $0x1;
	s7 =	smul.u32 $0x4E2, s7;
	s11 =	sadd.s32 s11, s9  }
0xe: {  	s10 =	ssub.s32 s10, s30;
	s13 =	sadd.s32 s9, s3;
	s31 =	sshrl.u32 s11, $0x3  }
0xf: {  	s9 =	smax.u32 s10, $0x1;
	s10 =	simm.s32 $0x5;
	s11 =	simm.s32 $0x2710  }
0x10: {  	s13 =	sshrl.u32 s13, $0x3;
	s7 =	sadd.s32 s7, s5;
	s5 =	sadd.s32 $0x16A00, s5  }
0x11: {  	s8 =	sadd.s32 s8, s31;
	s6 =	sadd.s32 $0x2E00, s7;
	s7 =	sadd.s32 $0xCC00, s7  }
.LBB2_1:
0x12: {  	[tilespmem:s4], [sflag:$0x5] =	stream.linear.gather [hbm4b:s6+s4], $0x2710, $0x38;
	[tilespmem:$0xB040] =	vst v63  }
0x13: {  	_ =	swait.ge [sflag:s10], $0x2710  }
0x14: {  	[sflag:s10] =	ssyncset.done $0x0  }
0x15: {  	[sflag:s10] =	ssyncadd.s32 $0xFFFFD8F0  }
0x16: {  	[tilespmem:s11], [sflag:$0x5] =	stream.linear.gather [hbm4b:s7+s4], $0x2710, $0x38;
	[tilespmem:$0xB040] =	vst v63  }
0x17: {  	_ =	swait.ge [sflag:s10], $0x2710  }
0x18: {  	[sflag:s10] =	ssyncset.done $0x0  }
0x19: {  	[sflag:s10] =	ssyncadd.s32 $0xFFFFD8F0  }
0x1a: {  	[spmem:s13], [sflag:s12] =	dma.local [hbm:s5], $0x9E0  }
0x1b: {  	_ =	swait.ge [sflag:s10], $0x9E0  }
0x1c: {  	[sflag:s10] =	ssyncset.done $0x0  }
0x1d: {  	[sflag:s10] =	ssyncadd.s32 $0xFFFFF620  }
0x1e: {  	[bflag:$0x0] =	sbarrier.arrive $0xFFFF  }
0x1f: {  	[tilespmem:s15], [sflag:$0x1] =	stream.indirect.gather [hbm4b:s0+s14], $0x20, s4, s14, $0xb8;
	[tilespmem:$0xB040] =	vst v63  }
0x20: {  	_ = 	snop  }
0x21: {  	[tilespmem:s16], [sflag:$0x2] =	stream.indirect.gather [hbm4b:s0+s14], $0x20, s14, s14, $0xb8;
	[tilespmem:$0xB040] =	vst v63  }
0x22: {  	_ =	swait.ge [sflag:s17], $0xA00  }
0x23: {  	[sflag:s17] =	ssyncset.done $0x0  }
0x24: {  	[sflag:s17] =	ssyncadd.s32 $0xFFFFF600  }
0x25: {  	[spmem:s3] =	stream.indirect.scatter.add.f32 [tilespmem:s15], [sflag:$0x3], $0x20, s11, s14, $0xb8;
	[tilespmem:$0xB040] =	vst v63  }
0x26: {  	_ =	swait.ge [sflag:s18], $0xA00  }
0x27: {  	[sflag:s18] =	ssyncset.done $0x0  }
0x28: {  	[sflag:s18] =	ssyncadd.s32 $0xFFFFF600  }
0x29: {  	[tilespmem:s15], [sflag:$0x1] =	stream.indirect.gather [hbm4b:s0+s14], $0x20, s19, s14, $0xb8;
	[tilespmem:$0xB040] =	vst v63  }
0x2a: {  	_ =	swait.ge [sflag:s20], $0xA00  }
0x2b: {  	[sflag:s20] =	ssyncset.done $0x0  }
0x2c: {  	[sflag:s20] =	ssyncadd.s32 $0xFFFFF600  }
0x2d: {  	[spmem:s3] =	stream.indirect.scatter.add.f32 [tilespmem:s16], [sflag:$0x4], $0x20, s21, s14, $0xb8;
	[tilespmem:$0xB040] =	vst v63  }
0x2e: {  	_ =	swait.ge [sflag:s22], $0xA00  }
0x2f: {  	[sflag:s22] =	ssyncset.done $0x0  }
0x30: {  	s25 =	simm.s32 $0xF0;
	[sflag:s22] =	ssyncadd.s32 $0xFFFFF600  }
0x31: {  	[tilespmem:s16], [sflag:$0x2] =	stream.indirect.gather [hbm4b:s0+s14], $0x20, s25, s14, $0xb8;
	[tilespmem:$0xB040] =	vst v63  }
0x32: {  	_ =	swait.ge [sflag:s17], $0xA00  }
0x33: {  	[sflag:s17] =	ssyncset.done $0x0  }
0x34: {  	s30 =	simm.s32 $0x27B0;
	[sflag:s17] =	ssyncadd.s32 $0xFFFFF600  }
0x35: {  	[spmem:s3] =	stream.indirect.scatter.add.f32 [tilespmem:s15], [sflag:$0x3], $0x20, s30, s14, $0xb8;
	[tilespmem:$0xB040] =	vst v63  }
0x36: {  	_ =	swait.ge [sflag:s18], $0xA00  }
0x37: {  	[sflag:s18] =	ssyncset.done $0x0  }
0x38: {  	s31 =	simm.s32 $0x140;
	[sflag:s18] =	ssyncadd.s32 $0xFFFFF600  }
0x39: {  	[tilespmem:s15], [sflag:$0x1] =	stream.indirect.gather [hbm4b:s0+s14], $0x20, s31, s14, $0xb8;
	[tilespmem:$0xB040] =	vst v63  }
0x3a: {  	_ =	swait.ge [sflag:s20], $0xA00  }
0x3b: {  	[sflag:s20] =	ssyncset.done $0x0  }
0x3c: {  	s26 =	simm.s32 $0x2800;
	s25 =	simm.s32 $0xFFFF6A00;
	[sflag:s20] =	ssyncadd.s32 $0xFFFFF600  }
.LBB2_2:
0x3d: {  	[spmem:s3] =	stream.indirect.scatter.add.f32 [tilespmem:s16], [sflag:$0x4], $0x20, s26, s14, $0xb8;
	[tilespmem:$0xB040] =	vst v63  }
0x3e: {  	s26 =	smov.u32 s25  }
0x3f: {  	p0 =	sne.s32 s25, $0xFFFFFD80;
	s25 =	sadd.s32 $0x280, s25;
	_ =	swait.ge [sflag:s22], $0xA00  }
0x40: {  	s26 =	sshra.s32 s26, $0x2;
	[sflag:s22] =	ssyncset.done $0x0  }
0x41: {  	s28 =	sadd.s32 $0x2710, s26;
	[sflag:s22] =	ssyncadd.s32 $0xFFFFF600  }
0x42: {  	[tilespmem:s16], [sflag:$0x2] =	stream.indirect.gather [hbm4b:s0+s14], $0x20, s28, s14, $0xb8;
	[tilespmem:$0xB040] =	vst v63  }
0x43: {  	_ =	swait.ge [sflag:s17], $0xA00  }
0x44: {  	[sflag:s17] =	ssyncset.done $0x0  }
0x45: {  	s28 =	sadd.s32 $0x4DD0, s26;
	[sflag:s17] =	ssyncadd.s32 $0xFFFFF600  }
0x46: {  	[spmem:s3] =	stream.indirect.scatter.add.f32 [tilespmem:s15], [sflag:$0x3], $0x20, s28, s14, $0xb8;
	[tilespmem:$0xB040] =	vst v63  }
0x47: {  	_ =	swait.ge [sflag:s18], $0xA00  }
0x48: {  	[sflag:s18] =	ssyncset.done $0x0  }
.Ltmp0:
0x49: {  	s28 =	sadd.s32 $0x2760, s26;
	[sflag:s18] =	ssyncadd.s32 $0xFFFFF600;
	(pc) =	sbr.rel @p0 .LBB2_2-.Ltmp0, $4  }
0x4a: {  	[tilespmem:s15], [sflag:$0x1] =	stream.indirect.gather [hbm4b:s0+s14], $0x20, s28, s14, $0xb8;
	[tilespmem:$0xB040] =	vst v63  }
0x4b: {  	_ =	swait.ge [sflag:s20], $0xA00  }
0x4c: {  	[sflag:s20] =	ssyncset.done $0x0  }
0x4d: {  	s26 =	sadd.s32 $0x4E20, s26;
	[sflag:s20] =	ssyncadd.s32 $0xFFFFF600  }
0x4e: {  	[spmem:s3] =	stream.indirect.scatter.add.f32 [tilespmem:s16], [sflag:$0x4], $0x20, s26, s14, $0xb8;
	[tilespmem:$0xB040] =	vst v63  }
0x4f: {  	_ =	swait.ge [sflag:s17], $0xA00  }
0x50: {  	[sflag:s17] =	ssyncset.done $0x0  }
0x51: {  	[sflag:s17] =	ssyncadd.s32 $0xFFFFF600  }
0x52: {  	_ =	swait.ge [sflag:s22], $0xA00  }
0x53: {  	[sflag:s22] =	ssyncset.done $0x0  }
0x54: {  	[sflag:s22] =	ssyncadd.s32 $0xFFFFF600  }
0x55: {  	[spmem:s3] =	stream.indirect.scatter.add.f32 [tilespmem:s15], [sflag:$0x5], $0x20, s23, s14, $0xb8;
	[tilespmem:$0xB040] =	vst v63  }
0x56: {  	_ =	swait.ge [sflag:s10], $0xA00  }
0x57: {  	s24 =	sadd.s32 $0x1, s24;
	[sflag:s10] =	ssyncset.done $0x0  }
0x58: {  	p0 =	sne.s32 s24, s9;
	[sflag:s10] =	ssyncadd.s32 $0xFFFFF600  }
.Ltmp1:
0x59: {  	[bflag:$0x0] =	sbarrier.arrive $0xFFFF;
	(pc) =	sbr.rel @p0 .LBB2_1-.Ltmp1, $4  }
0x5a: {  	[hbm:s8], [sflag:s12] =	dma.local [spmem:s13], $0x9E0  }
0x5b: {  	_ =	swait.ge [sflag:s10], $0x9E0  }
0x5c: {  	[sflag:s10] =	ssyncset.done $0x0  }
0x5d: {  	[sflag:s10] =	ssyncadd.s32 $0xFFFFF620  }
0x5e: {  	_ =	sfence.sel $0x180000  }
0x5f: {  	[bflag:$0x0] =	sbarrier.arrive $0xFFFF  }
0x60: {  	p0 =	sne.s32 s2, $0x0;
	_ =	strace $0x9000004D  }
0x61: {  	s0 =	sadd.s32 @!p0 $0x100000, s1;
	[bflag:$0x2] =	sbarrier.arrive $0xFFFF  }
0x62: {  	[sflag:s0] =	ssyncadd.tile.s32 @!p0 $0x1;
	_ =	shalt  }
.Lfunc_end2:
_tile_overlayer_lowered:
.L_overlay_start_2:
0x63: {  	(tag) =	ssettag $0x2  }
0x64: {  	s0 =	rddreg [dreg:$0x0];
	s2 =	stileid.u32  }
0x65: {  	s1 =	rddreg [dreg:$0x1];
	p0 =	sne.s32 s2, $0x0  }
0x66: {  	s3 =	rddreg [dreg:$0x2];
	[bflag:$0x3] =	sbarrier.arrive $0xFFFF;
	s2 =	simm.s32 @!p0 $0x1C05  }
0x67: {  	[timem:s3], [sflag:s2] =	dma.local @!p0 [hbm:s0], s1  }
0x68: {  	s0 =	simm.s32 @!p0 $0x5  }
0x69: {  	_ =	swait.ge @!p0 [sflag:s0], s1  }
0x6a: {  	s1 =	ssub.s32 @!p0 $0x0, s1;
	[sflag:s0] =	ssyncset.done @!p0 $0x0  }
0x6b: {  	[sflag:s0] =	ssyncadd.s32 @!p0 s1  }
0x6c: {  	[bflag:$0x3] =	sbarrier.arrive $0xFFFF  }
0x6d: {  	_ =	shalt  }

// kernel: kernel.26.cloned.1.call-start
scs
__scs_entry_jumppad:
0x0: {  	(pc) =	sbr.rel $0x88, $3  }
0x1: {  	(tag) =	ssettag $0x0;
	lr =	simm.s32 $0x1  }
0x2: {  	[smem:$0x3F9A] =	sst lr;
	_ =	strace $0xD0000000  }
0x3: {  	_ = 	snop  }
0x4: {  	_ = 	snop  }
0x5: {  	_ = 	snop  }
0x6: {  	_ = 	snop  }
0x7: {  	_ = 	snop  }
__scs_overlays_trampoline_lowered:
0x8: {  	[smem:$0x3FA9] =	sst s0  }
0x9: {  	[smem:$0x3FAA] =	sst s1  }
0xa: {  	[smem:$0x3FAB] =	sst s2  }
0xb: {  	[smem:$0x3FAC] =	sst s3  }
0xc: {  	[smem:$0x3FAD] =	sst s4  }
0xd: {  	[smem:$0x3FAE] =	sst s5  }
0xe: {  	[smem:$0x3FAF] =	sst s6  }
0xf: {  	[smem:$0x3FB0] =	sst s7  }
0x10: {  	[smem:$0x3FB1] =	sst s8  }
0x11: {  	[smem:$0x3FB2] =	sst s9;
	s0 =	simm.s32 @!p0 $0x0  }
0x12: {  	s1 =	sld [smem:$0x3F98];
	s0 =	simm.s32 @p0 $0x1  }
0x13: {  	[smem:$0x3FB3] =	sst s0;
	s0 =	simm.s32 @!p1 $0x0  }
0x14: {  	s2 =	sld [smem:$0x3F97];
	s0 =	simm.s32 @p1 $0x1  }
0x15: {  	[smem:$0x3FB4] =	sst s0;
	s0 =	simm.s32 @!p2 $0x0  }
0x16: {  	s3 =	sld [smem:$0x3FDB];
	s0 =	simm.s32 @p2 $0x1  }
0x17: {  	s4 =	simm.s32 $0x1BF5;
	[smem:$0x3FB6] =	sst s0  }
0x18: {  	s0 =	sld [smem:$0x3F99];
	_ =	swait.ge [sflag:s4], $0x0  }
0x19: {  	s7 =	sld [smem:$0x3F9A]  }
0x1a: {  	s8 =	sadd.s32 $0xFFFFE003, lr  }
0x1b: {  	s9 =	sadd.s32 $0xFFFFFEF7, lr;
	s5 =	simm.s32 $0xFFFFFFFF;
	p2 =	slt.u32 s8, $0xFFFFF086  }
0x1c: {  	p1 =	slt.u32 s9, $0xF7A;
	s5 =	simm.s32 @!p2 $0x0  }
0x1d: {  	s5 =	simm.s32 @p1 $0x1;
	p0 =	seq.s32 s7, s2  }
0x1e: {  	s7 =	smul.u32 @!p0 $0xF7A, s2;
	p2 =	seq.s32 @!p0 s5, $0x0  }
0x1f: {  	s9 =	smul.u32 $0xF7A, s1;
	s8 =	simm.s32 @!p0 $0x1BF5;
	p2 =	por !p2, p0  }
0x20: {  	[sflag:s8] =	ssyncset.s32 @!p0 $0xFFFFF086;
	s6 =	sadd.s32 @!p0 s3, s7;
	s7 =	simm.s32 @!p0 $0x108  }
0x21: {  	s3 =	sadd.s32 s3, s9;
	s6 =	sadd.s32 @!p0 $0x88, s6;
	s7 =	simm.s32 @p2 $0x1082  }
0x22: {  	[simem:s7], [sflag:s8] =	dma.local @!p0 [hbm:s6], $0xF7A  }
0x23: {  	s9 =	sor.u32 $0xD0000000, s2;
	s6 =	simm.s32 $0x108;
	_ =	swait.ge @!p0 [sflag:s8], $0x0  }
0x24: {  	s3 =	sadd.s32 $0x88, s3;
	s6 =	simm.s32 @!p1 $0x1082;
	[sflag:s4] =	ssyncset.s32 $0xFFFFF086  }
0x25: {  	[simem:s6], [sflag:s4] =	dma.local [hbm:s3], $0xF7A  }
0x26: {  	[smem:$0x3F9A] =	sst s1;
	(tag) =	ssettag s2;
	_ =	strace s9  }
0x27: {  	s1 =	sld [smem:$0x3FAA]  }
0x28: {  	s2 =	sld [smem:$0x3FAB]  }
0x29: {  	s4 =	sld [smem:$0x3FAD]  }
0x2a: {  	p0 =	seq.s32 s5, $0x0;
	s5 =	sld [smem:$0x3FAE]  }
0x2b: {  	s6 =	sld [smem:$0x3FAF]  }
0x2c: {  	s7 =	sld [smem:$0x3FB0]  }
0x2d: {  	s3 =	simm.s32 $0x108;
	s8 =	sld [smem:$0x3FB1]  }
0x2e: {  	s3 =	simm.s32 @!p0 $0x1082;
	s9 =	sld [smem:$0x3FB2]  }
0x2f: {  	lr =	sadd.s32 s0, s3;
	s0 =	sld [smem:$0x3FA9]  }
0x30: {  	s3 =	sld [smem:$0x3FAC]  }
0x31: {  	[smem:$0x3FB5] =	sst s10  }
0x32: {  	s10 =	sld [smem:$0x3FB3];
	_ =	sdelay $0x3  }
0x33: {  	p0 =	seq.s32 s10, $0x1;
	s10 =	sld [smem:$0x3FB5];
	_ =	sdelay $0x3  }
0x34: {  	[smem:$0x3FB5] =	sst s10  }
0x35: {  	s10 =	sld [smem:$0x3FB4];
	_ =	sdelay $0x3  }
0x36: {  	p1 =	seq.s32 s10, $0x1;
	s10 =	sld [smem:$0x3FB5];
	_ =	sdelay $0x3  }
0x37: {  	[smem:$0x3FB5] =	sst s10  }
0x38: {  	s10 =	sld [smem:$0x3FB6]  }
0x39: {  	_ = 	snop;
	(pc) =	sbr.ind lr, $3  }
0x3a: {  	_ = 	snop  }
0x3b: {  	_ = 	snop  }
0x3c: {  	p2 =	seq.s32 s10, $0x1;
	s10 =	sld [smem:$0x3FB5]  }
0x3d: {  	_ =	shalt  }
0x3e: {  	_ =	shalt  }
0x3f: {  	_ =	shalt  }
0x40: {  	_ =	shalt  }
0x41: {  	_ =	shalt  }
0x42: {  	_ =	shalt  }
0x43: {  	_ =	shalt  }
0x44: {  	_ =	shalt  }
0x45: {  	_ =	shalt  }
0x46: {  	_ =	shalt  }
0x47: {  	_ =	shalt  }
0x48: {  	_ =	shalt  }
0x49: {  	_ =	shalt  }
0x4a: {  	_ =	shalt  }
0x4b: {  	_ =	shalt  }
0x4c: {  	_ =	shalt  }
0x4d: {  	_ =	shalt  }
0x4e: {  	_ =	shalt  }
0x4f: {  	_ =	shalt  }
0x50: {  	_ =	shalt  }
0x51: {  	_ =	shalt  }
0x52: {  	_ =	shalt  }
0x53: {  	_ =	shalt  }
0x54: {  	_ =	shalt  }
0x55: {  	_ =	shalt  }
0x56: {  	_ =	shalt  }
0x57: {  	_ =	shalt  }
0x58: {  	_ =	shalt  }
0x59: {  	_ =	shalt  }
0x5a: {  	_ =	shalt  }
0x5b: {  	_ =	shalt  }
0x5c: {  	_ =	shalt  }
0x5d: {  	_ =	shalt  }
0x5e: {  	_ =	shalt  }
0x5f: {  	_ =	shalt  }
0x60: {  	_ =	shalt  }
0x61: {  	_ =	shalt  }
0x62: {  	_ =	shalt  }
0x63: {  	_ =	shalt  }
0x64: {  	_ =	shalt  }
0x65: {  	_ =	shalt  }
0x66: {  	_ =	shalt  }
0x67: {  	_ =	shalt  }
0x68: {  	_ =	shalt  }
0x69: {  	_ =	shalt  }
0x6a: {  	_ =	shalt  }
0x6b: {  	_ =	shalt  }
0x6c: {  	_ =	shalt  }
0x6d: {  	_ =	shalt  }
0x6e: {  	_ =	shalt  }
0x6f: {  	_ =	shalt  }
0x70: {  	_ =	shalt  }
0x71: {  	_ =	shalt  }
0x72: {  	_ =	shalt  }
0x73: {  	_ =	shalt  }
0x74: {  	_ =	shalt  }
0x75: {  	_ =	shalt  }
0x76: {  	_ =	shalt  }
0x77: {  	_ =	shalt  }
0x78: {  	_ =	shalt  }
0x79: {  	_ =	shalt  }
0x7a: {  	_ =	shalt  }
0x7b: {  	_ =	shalt  }
0x7c: {  	_ =	shalt  }
0x7d: {  	_ =	shalt  }
0x7e: {  	_ =	shalt  }
0x7f: {  	_ =	shalt  }
0x80: {  	_ =	shalt  }
0x81: {  	_ =	shalt  }
0x82: {  	_ =	shalt  }
0x83: {  	_ =	shalt  }
0x84: {  	_ =	shalt  }
0x85: {  	_ =	shalt  }
0x86: {  	_ =	shalt  }
0x87: {  	_ =	shalt  }
.Lfunc_end0:
.L_simem_size_0:
called_computation.3_lowered:
.L_overlay_start_0:
0x88: {  	s2 =	sld [smem:$0x3FD9]  }
0x89: {  	s3 =	sld [smem:$0x3FFE];
	_ =	sdelay $0x1  }
0x8a: {  	s1 =	srdreg.scid  }
0x8b: {  	s0 =	sand.u32 $0x1, s1  }
0x8c: {  	s14 =	sshll.u32 s0, $0xA;
	s2 =	sadd.s32 s3, s2  }
0x8d: {  	s2 =	sadd.s32 s2, s14  }
0x8e: {  	[smem:$0x3FC1] =	sst s2  }
0x8f: {  	_ = 	snop  }
0x90: {  	s2 =	sld [smem:$0x3FD0];
	_ =	sdelay $0x2  }
0x91: {  	s15 =	simm.s32 $0xA;
	s4 =	simm.s32 $0x10  }
0x92: {  	[smem:s4], [sflag:s15] =	dma.local [hbm:s2], $0x1  }
0x93: {  	_ =	swait.eq [sflag:s15], $0x1  }
0x94: {  	[sflag:s15] =	ssyncset.done $0x0  }
0x95: {  	s16 =	sld [smem:$0x10];
	[sflag:s15] =	ssyncadd.s32 $0xFFFFFFFF  }
0x96: {  	s17 =	sld [smem:$0x11];
	(tm) =	ssettm $0x1  }
0x97: {  	s18 =	sld [smem:$0x3FFB];
	_ =	sdelay $0x3  }
0x98: {  	_ =	strace s18  }
0x99: {  	s4 =	sld [smem:$0x3FFC];
	_ =	sdelay $0x3  }
0x9a: {  	_ =	strace s4  }
0x9b: {  	s4 =	sld [smem:$0x3FFD];
	_ =	sdelay $0x3  }
0x9c: {  	_ =	strace s4  }
0x9d: {  	_ =	strace $0x8FFFFFFF  }
0x9e: {  	s19 =	sld [smem:$0x3FDB];
	_ =	sdelay $0x1  }
0x9f: {  	s5 =	simm.s32 $_scs_section_size  }
0xa0: {  	s6 =	simm.s32 $_size__tile_overlayer_lowered;
	s7 =	simm.s32 $_tile_overlayer_lowered  }
0xa1: {  	s22 =	simm.s32 $0x1BFF;
	s21 =	sshll.u32 s7, $0x1;
	s4 =	sadd.s32 s5, s19  }
0xa2: {  	s8 =	simm.s32 $0x0;
	s20 =	sshll.u32 s6, $0x1;
	s6 =	sadd.s32 s21, s4  }
0xa3: {  	[timem:s8], [sflag:s22] =	dma.local [hbm:s6], s20  }
0xa4: {  	_ =	swait.ge [sflag:s22], s20  }
0xa5: {  	s5 =	ssub.s32 $0x0, s20;
	[sflag:s22] =	ssyncset.done $0x0  }
0xa6: {  	[sflag:s22] =	ssyncadd.s32 s5;
	_ =	sdelay $0x1  }
0xa7: {  	s23 =	simm.s32 $0x1B8B  }
0xa8: {  	_ =	swait.ge [sflag:s23], $0x1  }
0xa9: {  	[sflag:s23] =	ssyncset.done $0x0  }
0xaa: {  	s25 =	simm.s32 $0x1B8E;
	s24 =	sld [smem:$0x3FFE];
	[sflag:s23] =	ssyncadd.s32 $0xFFFFFFFF  }
0xab: {  	s26 =	simm.s32 $execute0_lowered;
	[smem:$0x3FD2] =	sst s25  }
0xac: {  	s6 =	sshll.u32 s26, $0x1;
	_ =	strace $0x8000004F;
	[dreg:$0x1] =	wrdreg $0xFFFFFFFF  }
0xad: {  	s28 =	simm.s32 $_size_execute0_lowered;
	s4 =	sadd.s32 s4, s6;
	[dreg:$0x0] =	wrdreg $0x0  }
0xae: {  	s6 =	sshll.u32 s28, $0x1;
	[dreg:$0x2] =	wrdreg s4  }
0xaf: {  	[dreg:$0x3] =	wrdreg s6  }
0xb0: {  	[dreg:$0x4] =	wrdreg $0xC0  }
0xb1: {  	_ =	task [dreg:s8], $0x5FFFF  }
0xb2: {  	[dreg:$0x1] =	wrdreg $0xFFFFFFFF  }
0xb3: {  	[dreg:$0x0] =	wrdreg $0x60  }
0xb4: {  	[dreg:$0x2] =	wrdreg s16  }
0xb5: {  	[dreg:$0x3] =	wrdreg s24  }
0xb6: {  	[dreg:$0x4] =	wrdreg s17  }
0xb7: {  	[dreg:$0x5] =	wrdreg $0x9E200  }
0xb8: {  	[dreg:$0x6] =	wrdreg $0x9  }
0xb9: {  	_ =	task.clear_ibuf [dreg:s8], $0x7FFFF;
	_ =	strace $0x9000004F  }
0xba: {  	s29 =	simm.s32 $0x9;
	_ =	strace $0x80000051  }
0xbb: {  	_ =	swait.ge [sflag:s29], $0x1  }
0xbc: {  	[sflag:s29] =	ssyncadd.s32 $0xFFFFFFFF  }
0xbd: {  	_ =	strace $0x90000051  }
0xbe: {  	_ =	sfence  }
0xbf: {  	s30 =	sld [smem:$0x0];
	_ =	sdelay $0x2  }
0xc0: {  	s31 =	sshll.u32 s1, $0xD;
	s1 =	sshrl.u32 s1, $0x2  }
0xc1: {  	s3 =	sand.u32 $0x4000, s31;
	s1 =	sadd.s32 s1, s30  }
0xc2: {  	s0 =	sor.u32 s3, s0;
	s1 =	sshll.u32 s1, $0x11  }
0xc3: {  	s0 =	sor.u32 s1, s0  }
0xc4: {  	s0 =	sadd.s32 $0x8F2B, s0  }
0xc5: {  	[sflag:s0] =	ssyncadd.remote.s32 $0x1  }
0xc6: {  	_ =	sfence.sel $0xFFFF  }
0xc7: {  	[dreg:$0x0] =	wrdreg $0xFFFFFFFF;
	(pc) =	sbr.abs _section_cstart, $3  }
0xc8: {  	[dreg:$0x1] =	wrdreg $0xFFFFFFFF  }
0xc9: {  	_ =	task.clear_ibuf [dreg:s8], $0x2FFFF;
	_ =	strace $0x9FFFFFFF  }
0xca: {  	(tm) =	ssettm $0x7FFFFFFF  }
0xcb: {  	_ =	shalt  }
tec
execute0_lowered:
.L_overlay_start_1:
0x0: {  	(tag) =	ssettag $0x1  }
0x1: {  	s0 =	rddreg [dreg:$0x0]  }
0x2: {  	s5 =	rddreg [dreg:$0x1]  }
0x3: {  	s1 =	srdreg.scid;
	s8 =	rddreg [dreg:$0x2]  }
0x4: {  	s3 =	rddreg [dreg:$0x3];
	s2 =	stileid.u32  }
0x5: {  	s4 =	simm.s32 $0x0;
	s14 =	simm.s32 $0x50;
	s15 =	simm.s32 $0x4E20  }
0x6: {  	s16 =	simm.s32 $0x7620;
	s17 =	simm.s32 $0x1;
	s18 =	simm.s32 $0x3  }
0x7: {  	s19 =	simm.s32 $0xA0;
	s20 =	simm.s32 $0x2;
	s21 =	simm.s32 $0x2760  }
0x8: {  	s22 =	simm.s32 $0x4;
	s6 =	sand.u32 $0x1, s1;
	s1 =	rddreg [dreg:$0x4]  }
0x9: {  	s23 =	simm.s32 $0x4DD0;
	s24 =	simm.s32 $0x0;
	[smem:$0x7FF] =	sst s4  }
0xa: {  	s9 =	smul.u32 $0x13880, s2;
	s12 =	sshll.u32 s2, $0x6;
	s7 =	sshll.u32 s6, $0x4  }
0xb: {  	_ =	strace $0x80000050;
	s10 =	ssub.s32 $0x2, s6;
	s11 =	smul.u32 $0x138800, s6  }
0xc: {  	s12 =	sor.u32 $0x1C05, s12;
	s7 =	sor.u32 s2, s7;
	s9 =	sand.u32 $0x1FFC00, s9  }
0xd: {  	s30 =	sshrl.u32 s10, $0x1;
	s7 =	smul.u32 $0x4E2, s7;
	s11 =	sadd.s32 s11, s9  }
0xe: {  	s10 =	ssub.s32 s10, s30;
	s13 =	sadd.s32 s9, s3;
	s31 =	sshrl.u32 s11, $0x3  }
0xf: {  	s9 =	smax.u32 s10, $0x1;
	s10 =	simm.s32 $0x5;
	s11 =	simm.s32 $0x2710  }
0x10: {  	s13 =	sshrl.u32 s13, $0x3;
	s7 =	sadd.s32 s7, s5;
	s5 =	sadd.s32 $0x16A00, s5  }
0x11: {  	s8 =	sadd.s32 s8, s31;
	s6 =	sadd.s32 $0x2E00, s7;
	s7 =	sadd.s32 $0xCC00, s7  }
.LBB2_1:
0x12: {  	[tilespmem:s4], [sflag:$0x5] =	stream.linear.gather [hbm4b:s6+s4], $0x2710, $0x38;
	[tilespmem:$0x1D6A0] =	vst v63  }
0x13: {  	_ =	swait.ge [sflag:s10], $0x2710  }
0x14: {  	[sflag:s10] =	ssyncset.done $0x0  }
0x15: {  	[sflag:s10] =	ssyncadd.s32 $0xFFFFD8F0  }
0x16: {  	[tilespmem:s11], [sflag:$0x5] =	stream.linear.gather [hbm4b:s7+s4], $0x2710, $0x38;
	[tilespmem:$0x1D6A0] =	vst v63  }
0x17: {  	_ =	swait.ge [sflag:s10], $0x2710  }
0x18: {  	[sflag:s10] =	ssyncset.done $0x0  }
0x19: {  	[sflag:s10] =	ssyncadd.s32 $0xFFFFD8F0  }
0x1a: {  	[spmem:s13], [sflag:s12] =	dma.local [hbm:s5], $0x2780  }
0x1b: {  	_ =	swait.ge [sflag:s10], $0x2780  }
0x1c: {  	[sflag:s10] =	ssyncset.done $0x0  }
0x1d: {  	[sflag:s10] =	ssyncadd.s32 $0xFFFFD880  }
0x1e: {  	[bflag:$0x0] =	sbarrier.arrive $0xFFFF  }
0x1f: {  	[tilespmem:s15], [sflag:$0x1] =	stream.indirect.gather [hbm4b:s0+s14], $0x80, s4, s14, $0xb8;
	[tilespmem:$0x1D6A0] =	vst v63  }
0x20: {  	_ = 	snop  }
0x21: {  	[tilespmem:s16], [sflag:$0x2] =	stream.indirect.gather [hbm4b:s0+s14], $0x80, s14, s14, $0xb8;
	[tilespmem:$0x1D6A0] =	vst v63  }
0x22: {  	_ =	swait.ge [sflag:s17], $0x2800  }
0x23: {  	[sflag:s17] =	ssyncset.done $0x0  }
0x24: {  	[sflag:s17] =	ssyncadd.s32 $0xFFFFD800  }
0x25: {  	[spmem:s3] =	stream.indirect.scatter.add.f32 [tilespmem:s15], [sflag:$0x3], $0x80, s11, s14, $0xb8;
	[tilespmem:$0x1D6A0] =	vst v63  }
0x26: {  	_ =	swait.ge [sflag:s18], $0x2800  }
0x27: {  	[sflag:s18] =	ssyncset.done $0x0  }
0x28: {  	[sflag:s18] =	ssyncadd.s32 $0xFFFFD800  }
0x29: {  	[tilespmem:s15], [sflag:$0x1] =	stream.indirect.gather [hbm4b:s0+s14], $0x80, s19, s14, $0xb8;
	[tilespmem:$0x1D6A0] =	vst v63  }
0x2a: {  	_ =	swait.ge [sflag:s20], $0x2800  }
0x2b: {  	[sflag:s20] =	ssyncset.done $0x0  }
0x2c: {  	[sflag:s20] =	ssyncadd.s32 $0xFFFFD800  }
0x2d: {  	[spmem:s3] =	stream.indirect.scatter.add.f32 [tilespmem:s16], [sflag:$0x4], $0x80, s21, s14, $0xb8;
	[tilespmem:$0x1D6A0] =	vst v63  }
0x2e: {  	_ =	swait.ge [sflag:s22], $0x2800  }
0x2f: {  	[sflag:s22] =	ssyncset.done $0x0  }
0x30: {  	s25 =	simm.s32 $0xF0;
	[sflag:s22] =	ssyncadd.s32 $0xFFFFD800  }
0x31: {  	[tilespmem:s16], [sflag:$0x2] =	stream.indirect.gather [hbm4b:s0+s14], $0x80, s25, s14, $0xb8;
	[tilespmem:$0x1D6A0] =	vst v63  }
0x32: {  	_ =	swait.ge [sflag:s17], $0x2800  }
0x33: {  	[sflag:s17] =	ssyncset.done $0x0  }
0x34: {  	s30 =	simm.s32 $0x27B0;
	[sflag:s17] =	ssyncadd.s32 $0xFFFFD800  }
0x35: {  	[spmem:s3] =	stream.indirect.scatter.add.f32 [tilespmem:s15], [sflag:$0x3], $0x80, s30, s14, $0xb8;
	[tilespmem:$0x1D6A0] =	vst v63  }
0x36: {  	_ =	swait.ge [sflag:s18], $0x2800  }
0x37: {  	[sflag:s18] =	ssyncset.done $0x0  }
0x38: {  	s31 =	simm.s32 $0x140;
	[sflag:s18] =	ssyncadd.s32 $0xFFFFD800  }
0x39: {  	[tilespmem:s15], [sflag:$0x1] =	stream.indirect.gather [hbm4b:s0+s14], $0x80, s31, s14, $0xb8;
	[tilespmem:$0x1D6A0] =	vst v63  }
0x3a: {  	_ =	swait.ge [sflag:s20], $0x2800  }
0x3b: {  	[sflag:s20] =	ssyncset.done $0x0  }
0x3c: {  	s26 =	simm.s32 $0x2800;
	s25 =	simm.s32 $0xFFFF6A00;
	[sflag:s20] =	ssyncadd.s32 $0xFFFFD800  }
.LBB2_2:
0x3d: {  	[spmem:s3] =	stream.indirect.scatter.add.f32 [tilespmem:s16], [sflag:$0x4], $0x80, s26, s14, $0xb8;
	[tilespmem:$0x1D6A0] =	vst v63  }
0x3e: {  	s26 =	smov.u32 s25  }
0x3f: {  	p0 =	sne.s32 s25, $0xFFFFFD80;
	s25 =	sadd.s32 $0x280, s25;
	_ =	swait.ge [sflag:s22], $0x2800  }
0x40: {  	s26 =	sshra.s32 s26, $0x2;
	[sflag:s22] =	ssyncset.done $0x0  }
0x41: {  	s28 =	sadd.s32 $0x2710, s26;
	[sflag:s22] =	ssyncadd.s32 $0xFFFFD800  }
0x42: {  	[tilespmem:s16], [sflag:$0x2] =	stream.indirect.gather [hbm4b:s0+s14], $0x80, s28, s14, $0xb8;
	[tilespmem:$0x1D6A0] =	vst v63  }
0x43: {  	_ =	swait.ge [sflag:s17], $0x2800  }
0x44: {  	[sflag:s17] =	ssyncset.done $0x0  }
0x45: {  	s28 =	sadd.s32 $0x4DD0, s26;
	[sflag:s17] =	ssyncadd.s32 $0xFFFFD800  }
0x46: {  	[spmem:s3] =	stream.indirect.scatter.add.f32 [tilespmem:s15], [sflag:$0x3], $0x80, s28, s14, $0xb8;
	[tilespmem:$0x1D6A0] =	vst v63  }
0x47: {  	_ =	swait.ge [sflag:s18], $0x2800  }
0x48: {  	[sflag:s18] =	ssyncset.done $0x0  }
.Ltmp0:
0x49: {  	s28 =	sadd.s32 $0x2760, s26;
	[sflag:s18] =	ssyncadd.s32 $0xFFFFD800;
	(pc) =	sbr.rel @p0 .LBB2_2-.Ltmp0, $4  }
0x4a: {  	[tilespmem:s15], [sflag:$0x1] =	stream.indirect.gather [hbm4b:s0+s14], $0x80, s28, s14, $0xb8;
	[tilespmem:$0x1D6A0] =	vst v63  }
0x4b: {  	_ =	swait.ge [sflag:s20], $0x2800  }
0x4c: {  	[sflag:s20] =	ssyncset.done $0x0  }
0x4d: {  	s26 =	sadd.s32 $0x4E20, s26;
	[sflag:s20] =	ssyncadd.s32 $0xFFFFD800  }
0x4e: {  	[spmem:s3] =	stream.indirect.scatter.add.f32 [tilespmem:s16], [sflag:$0x4], $0x80, s26, s14, $0xb8;
	[tilespmem:$0x1D6A0] =	vst v63  }
0x4f: {  	_ =	swait.ge [sflag:s17], $0x2800  }
0x50: {  	[sflag:s17] =	ssyncset.done $0x0  }
0x51: {  	[sflag:s17] =	ssyncadd.s32 $0xFFFFD800  }
0x52: {  	_ =	swait.ge [sflag:s22], $0x2800  }
0x53: {  	[sflag:s22] =	ssyncset.done $0x0  }
0x54: {  	[sflag:s22] =	ssyncadd.s32 $0xFFFFD800  }
0x55: {  	[spmem:s3] =	stream.indirect.scatter.add.f32 [tilespmem:s15], [sflag:$0x5], $0x80, s23, s14, $0xb8;
	[tilespmem:$0x1D6A0] =	vst v63  }
0x56: {  	_ =	swait.ge [sflag:s10], $0x2800  }
0x57: {  	s24 =	sadd.s32 $0x1, s24;
	[sflag:s10] =	ssyncset.done $0x0  }
0x58: {  	p0 =	sne.s32 s24, s9;
	[sflag:s10] =	ssyncadd.s32 $0xFFFFD800  }
.Ltmp1:
0x59: {  	[bflag:$0x0] =	sbarrier.arrive $0xFFFF;
	(pc) =	sbr.rel @p0 .LBB2_1-.Ltmp1, $4  }
0x5a: {  	[hbm:s8], [sflag:s12] =	dma.local [spmem:s13], $0x2780  }
0x5b: {  	_ =	swait.ge [sflag:s10], $0x2780  }
0x5c: {  	[sflag:s10] =	ssyncset.done $0x0  }
0x5d: {  	[sflag:s10] =	ssyncadd.s32 $0xFFFFD880  }
0x5e: {  	_ =	sfence.sel $0x180000  }
0x5f: {  	[bflag:$0x0] =	sbarrier.arrive $0xFFFF  }
0x60: {  	p0 =	sne.s32 s2, $0x0;
	_ =	strace $0x90000050  }
0x61: {  	s0 =	sadd.s32 @!p0 $0x100000, s1;
	[bflag:$0x2] =	sbarrier.arrive $0xFFFF  }
0x62: {  	[sflag:s0] =	ssyncadd.tile.s32 @!p0 $0x1;
	_ =	shalt  }
.Lfunc_end2:
_tile_overlayer_lowered:
.L_overlay_start_2:
0x63: {  	(tag) =	ssettag $0x2  }
0x64: {  	s0 =	rddreg [dreg:$0x0];
	s2 =	stileid.u32  }
0x65: {  	s1 =	rddreg [dreg:$0x1];
	p0 =	sne.s32 s2, $0x0  }
0x66: {  	s3 =	rddreg [dreg:$0x2];
	[bflag:$0x3] =	sbarrier.arrive $0xFFFF;
	s2 =	simm.s32 @!p0 $0x1C05  }
0x67: {  	[timem:s3], [sflag:s2] =	dma.local @!p0 [hbm:s0], s1  }
0x68: {  	s0 =	simm.s32 @!p0 $0x5  }
0x69: {  	_ =	swait.ge @!p0 [sflag:s0], s1  }
0x6a: {  	s1 =	ssub.s32 @!p0 $0x0, s1;
	[sflag:s0] =	ssyncset.done @!p0 $0x0  }
0x6b: {  	[sflag:s0] =	ssyncadd.s32 @!p0 s1  }
0x6c: {  	[bflag:$0x3] =	sbarrier.arrive $0xFFFF  }
0x6d: {  	_ =	shalt  }

// kernel: kernel.29.cloned.1.call-start
scs
__scs_entry_jumppad:
0x0: {  	(pc) =	sbr.rel $0x88, $3  }
0x1: {  	(tag) =	ssettag $0x0;
	lr =	simm.s32 $0x1  }
0x2: {  	[smem:$0x3F9A] =	sst lr;
	_ =	strace $0xD0000000  }
0x3: {  	_ = 	snop  }
0x4: {  	_ = 	snop  }
0x5: {  	_ = 	snop  }
0x6: {  	_ = 	snop  }
0x7: {  	_ = 	snop  }
__scs_overlays_trampoline_lowered:
0x8: {  	[smem:$0x3FA9] =	sst s0  }
0x9: {  	[smem:$0x3FAA] =	sst s1  }
0xa: {  	[smem:$0x3FAB] =	sst s2  }
0xb: {  	[smem:$0x3FAC] =	sst s3  }
0xc: {  	[smem:$0x3FAD] =	sst s4  }
0xd: {  	[smem:$0x3FAE] =	sst s5  }
0xe: {  	[smem:$0x3FAF] =	sst s6  }
0xf: {  	[smem:$0x3FB0] =	sst s7  }
0x10: {  	[smem:$0x3FB1] =	sst s8  }
0x11: {  	[smem:$0x3FB2] =	sst s9;
	s0 =	simm.s32 @!p0 $0x0  }
0x12: {  	s1 =	sld [smem:$0x3F98];
	s0 =	simm.s32 @p0 $0x1  }
0x13: {  	[smem:$0x3FB3] =	sst s0;
	s0 =	simm.s32 @!p1 $0x0  }
0x14: {  	s2 =	sld [smem:$0x3F97];
	s0 =	simm.s32 @p1 $0x1  }
0x15: {  	[smem:$0x3FB4] =	sst s0;
	s0 =	simm.s32 @!p2 $0x0  }
0x16: {  	s3 =	sld [smem:$0x3FDB];
	s0 =	simm.s32 @p2 $0x1  }
0x17: {  	s4 =	simm.s32 $0x1BF5;
	[smem:$0x3FB6] =	sst s0  }
0x18: {  	s0 =	sld [smem:$0x3F99];
	_ =	swait.ge [sflag:s4], $0x0  }
0x19: {  	s7 =	sld [smem:$0x3F9A]  }
0x1a: {  	s8 =	sadd.s32 $0xFFFFE003, lr  }
0x1b: {  	s9 =	sadd.s32 $0xFFFFFEF7, lr;
	s5 =	simm.s32 $0xFFFFFFFF;
	p2 =	slt.u32 s8, $0xFFFFF086  }
0x1c: {  	p1 =	slt.u32 s9, $0xF7A;
	s5 =	simm.s32 @!p2 $0x0  }
0x1d: {  	s5 =	simm.s32 @p1 $0x1;
	p0 =	seq.s32 s7, s2  }
0x1e: {  	s7 =	smul.u32 @!p0 $0xF7A, s2;
	p2 =	seq.s32 @!p0 s5, $0x0  }
0x1f: {  	s9 =	smul.u32 $0xF7A, s1;
	s8 =	simm.s32 @!p0 $0x1BF5;
	p2 =	por !p2, p0  }
0x20: {  	[sflag:s8] =	ssyncset.s32 @!p0 $0xFFFFF086;
	s6 =	sadd.s32 @!p0 s3, s7;
	s7 =	simm.s32 @!p0 $0x108  }
0x21: {  	s3 =	sadd.s32 s3, s9;
	s6 =	sadd.s32 @!p0 $0x88, s6;
	s7 =	simm.s32 @p2 $0x1082  }
0x22: {  	[simem:s7], [sflag:s8] =	dma.local @!p0 [hbm:s6], $0xF7A  }
0x23: {  	s9 =	sor.u32 $0xD0000000, s2;
	s6 =	simm.s32 $0x108;
	_ =	swait.ge @!p0 [sflag:s8], $0x0  }
0x24: {  	s3 =	sadd.s32 $0x88, s3;
	s6 =	simm.s32 @!p1 $0x1082;
	[sflag:s4] =	ssyncset.s32 $0xFFFFF086  }
0x25: {  	[simem:s6], [sflag:s4] =	dma.local [hbm:s3], $0xF7A  }
0x26: {  	[smem:$0x3F9A] =	sst s1;
	(tag) =	ssettag s2;
	_ =	strace s9  }
0x27: {  	s1 =	sld [smem:$0x3FAA]  }
0x28: {  	s2 =	sld [smem:$0x3FAB]  }
0x29: {  	s4 =	sld [smem:$0x3FAD]  }
0x2a: {  	p0 =	seq.s32 s5, $0x0;
	s5 =	sld [smem:$0x3FAE]  }
0x2b: {  	s6 =	sld [smem:$0x3FAF]  }
0x2c: {  	s7 =	sld [smem:$0x3FB0]  }
0x2d: {  	s3 =	simm.s32 $0x108;
	s8 =	sld [smem:$0x3FB1]  }
0x2e: {  	s3 =	simm.s32 @!p0 $0x1082;
	s9 =	sld [smem:$0x3FB2]  }
0x2f: {  	lr =	sadd.s32 s0, s3;
	s0 =	sld [smem:$0x3FA9]  }
0x30: {  	s3 =	sld [smem:$0x3FAC]  }
0x31: {  	[smem:$0x3FB5] =	sst s10  }
0x32: {  	s10 =	sld [smem:$0x3FB3];
	_ =	sdelay $0x3  }
0x33: {  	p0 =	seq.s32 s10, $0x1;
	s10 =	sld [smem:$0x3FB5];
	_ =	sdelay $0x3  }
0x34: {  	[smem:$0x3FB5] =	sst s10  }
0x35: {  	s10 =	sld [smem:$0x3FB4];
	_ =	sdelay $0x3  }
0x36: {  	p1 =	seq.s32 s10, $0x1;
	s10 =	sld [smem:$0x3FB5];
	_ =	sdelay $0x3  }
0x37: {  	[smem:$0x3FB5] =	sst s10  }
0x38: {  	s10 =	sld [smem:$0x3FB6]  }
0x39: {  	_ = 	snop;
	(pc) =	sbr.ind lr, $3  }
0x3a: {  	_ = 	snop  }
0x3b: {  	_ = 	snop  }
0x3c: {  	p2 =	seq.s32 s10, $0x1;
	s10 =	sld [smem:$0x3FB5]  }
0x3d: {  	_ =	shalt  }
0x3e: {  	_ =	shalt  }
0x3f: {  	_ =	shalt  }
0x40: {  	_ =	shalt  }
0x41: {  	_ =	shalt  }
0x42: {  	_ =	shalt  }
0x43: {  	_ =	shalt  }
0x44: {  	_ =	shalt  }
0x45: {  	_ =	shalt  }
0x46: {  	_ =	shalt  }
0x47: {  	_ =	shalt  }
0x48: {  	_ =	shalt  }
0x49: {  	_ =	shalt  }
0x4a: {  	_ =	shalt  }
0x4b: {  	_ =	shalt  }
0x4c: {  	_ =	shalt  }
0x4d: {  	_ =	shalt  }
0x4e: {  	_ =	shalt  }
0x4f: {  	_ =	shalt  }
0x50: {  	_ =	shalt  }
0x51: {  	_ =	shalt  }
0x52: {  	_ =	shalt  }
0x53: {  	_ =	shalt  }
0x54: {  	_ =	shalt  }
0x55: {  	_ =	shalt  }
0x56: {  	_ =	shalt  }
0x57: {  	_ =	shalt  }
0x58: {  	_ =	shalt  }
0x59: {  	_ =	shalt  }
0x5a: {  	_ =	shalt  }
0x5b: {  	_ =	shalt  }
0x5c: {  	_ =	shalt  }
0x5d: {  	_ =	shalt  }
0x5e: {  	_ =	shalt  }
0x5f: {  	_ =	shalt  }
0x60: {  	_ =	shalt  }
0x61: {  	_ =	shalt  }
0x62: {  	_ =	shalt  }
0x63: {  	_ =	shalt  }
0x64: {  	_ =	shalt  }
0x65: {  	_ =	shalt  }
0x66: {  	_ =	shalt  }
0x67: {  	_ =	shalt  }
0x68: {  	_ =	shalt  }
0x69: {  	_ =	shalt  }
0x6a: {  	_ =	shalt  }
0x6b: {  	_ =	shalt  }
0x6c: {  	_ =	shalt  }
0x6d: {  	_ =	shalt  }
0x6e: {  	_ =	shalt  }
0x6f: {  	_ =	shalt  }
0x70: {  	_ =	shalt  }
0x71: {  	_ =	shalt  }
0x72: {  	_ =	shalt  }
0x73: {  	_ =	shalt  }
0x74: {  	_ =	shalt  }
0x75: {  	_ =	shalt  }
0x76: {  	_ =	shalt  }
0x77: {  	_ =	shalt  }
0x78: {  	_ =	shalt  }
0x79: {  	_ =	shalt  }
0x7a: {  	_ =	shalt  }
0x7b: {  	_ =	shalt  }
0x7c: {  	_ =	shalt  }
0x7d: {  	_ =	shalt  }
0x7e: {  	_ =	shalt  }
0x7f: {  	_ =	shalt  }
0x80: {  	_ =	shalt  }
0x81: {  	_ =	shalt  }
0x82: {  	_ =	shalt  }
0x83: {  	_ =	shalt  }
0x84: {  	_ =	shalt  }
0x85: {  	_ =	shalt  }
0x86: {  	_ =	shalt  }
0x87: {  	_ =	shalt  }
.Lfunc_end0:
.L_simem_size_0:
called_computation.4_lowered:
.L_overlay_start_0:
0x88: {  	s2 =	sld [smem:$0x3FD9]  }
0x89: {  	s3 =	sld [smem:$0x3FFE];
	_ =	sdelay $0x1  }
0x8a: {  	s1 =	srdreg.scid  }
0x8b: {  	s0 =	sand.u32 $0x1, s1  }
0x8c: {  	s14 =	sshll.u32 s0, $0xA;
	s2 =	sadd.s32 s3, s2  }
0x8d: {  	s2 =	sadd.s32 s2, s14  }
0x8e: {  	[smem:$0x3FC1] =	sst s2  }
0x8f: {  	_ = 	snop  }
0x90: {  	s2 =	sld [smem:$0x3FD0];
	_ =	sdelay $0x2  }
0x91: {  	s15 =	simm.s32 $0xA;
	s4 =	simm.s32 $0x10  }
0x92: {  	[smem:s4], [sflag:s15] =	dma.local [hbm:s2], $0x1  }
0x93: {  	_ =	swait.eq [sflag:s15], $0x1  }
0x94: {  	[sflag:s15] =	ssyncset.done $0x0  }
0x95: {  	[sflag:s15] =	ssyncadd.s32 $0xFFFFFFFF  }
0x96: {  	s16 =	sld [smem:$0x10];
	(tm) =	ssettm $0x1  }
0x97: {  	s17 =	sld [smem:$0x3FFB];
	_ =	sdelay $0x3  }
0x98: {  	_ =	strace s17  }
0x99: {  	s3 =	sld [smem:$0x3FFC];
	_ =	sdelay $0x3  }
0x9a: {  	_ =	strace s3  }
0x9b: {  	s3 =	sld [smem:$0x3FFD];
	_ =	sdelay $0x3  }
0x9c: {  	_ =	strace s3  }
0x9d: {  	_ =	strace $0x8FFFFFFF  }
0x9e: {  	s18 =	sld [smem:$0x3FDB];
	_ =	sdelay $0x1  }
0x9f: {  	s19 =	simm.s32 $_scs_section_size  }
0xa0: {  	s5 =	simm.s32 $_size__tile_overlayer_lowered;
	s6 =	simm.s32 $_tile_overlayer_lowered  }
0xa1: {  	s22 =	simm.s32 $0x1BFF;
	s21 =	sshll.u32 s6, $0x1;
	s3 =	sadd.s32 s19, s18  }
0xa2: {  	s7 =	simm.s32 $0x0;
	s20 =	sshll.u32 s5, $0x1;
	s5 =	sadd.s32 s21, s3  }
0xa3: {  	[timem:s7], [sflag:s22] =	dma.local [hbm:s5], s20  }
0xa4: {  	_ =	swait.ge [sflag:s22], s20  }
0xa5: {  	s4 =	ssub.s32 $0x0, s20;
	[sflag:s22] =	ssyncset.done $0x0  }
0xa6: {  	[sflag:s22] =	ssyncadd.s32 s4;
	_ =	sdelay $0x1  }
0xa7: {  	s23 =	simm.s32 $0x1B8B  }
0xa8: {  	_ =	swait.ge [sflag:s23], $0x1  }
0xa9: {  	[sflag:s23] =	ssyncset.done $0x0  }
0xaa: {  	s25 =	simm.s32 $0x1B8E;
	s24 =	sld [smem:$0x3FFE];
	[sflag:s23] =	ssyncadd.s32 $0xFFFFFFFF  }
0xab: {  	s26 =	simm.s32 $execute0_lowered;
	[smem:$0x3FD2] =	sst s25  }
0xac: {  	s5 =	sshll.u32 s26, $0x1;
	_ =	strace $0x80000052;
	[dreg:$0x1] =	wrdreg $0xFFFFFFFF  }
0xad: {  	s28 =	simm.s32 $_size_execute0_lowered;
	s3 =	sadd.s32 s3, s5;
	[dreg:$0x0] =	wrdreg $0x0  }
0xae: {  	s5 =	sshll.u32 s28, $0x1;
	[dreg:$0x2] =	wrdreg s3  }
0xaf: {  	[dreg:$0x3] =	wrdreg s5  }
0xb0: {  	[dreg:$0x4] =	wrdreg $0xC0  }
0xb1: {  	_ =	task [dreg:s7], $0x5FFFF  }
0xb2: {  	[dreg:$0x1] =	wrdreg $0xFFFFFFFF  }
0xb3: {  	[dreg:$0x0] =	wrdreg $0x60  }
0xb4: {  	[dreg:$0x2] =	wrdreg s16  }
0xb5: {  	[dreg:$0x3] =	wrdreg s24  }
0xb6: {  	[dreg:$0x4] =	wrdreg $0x9E200  }
0xb7: {  	[dreg:$0x5] =	wrdreg $0x9  }
0xb8: {  	_ =	task.clear_ibuf [dreg:s7], $0x6FFFF;
	_ =	strace $0x90000052  }
0xb9: {  	s29 =	simm.s32 $0x9;
	_ =	strace $0x80000054  }
0xba: {  	_ =	swait.ge [sflag:s29], $0x1  }
0xbb: {  	[sflag:s29] =	ssyncadd.s32 $0xFFFFFFFF  }
0xbc: {  	_ =	strace $0x90000054  }
0xbd: {  	_ =	sfence  }
0xbe: {  	s30 =	sld [smem:$0x0];
	_ =	sdelay $0x2  }
0xbf: {  	s31 =	sshll.u32 s1, $0xD;
	s1 =	sshrl.u32 s1, $0x2  }
0xc0: {  	s3 =	sand.u32 $0x4000, s31;
	s1 =	sadd.s32 s1, s30  }
0xc1: {  	s0 =	sor.u32 s3, s0;
	s1 =	sshll.u32 s1, $0x11  }
0xc2: {  	s0 =	sor.u32 s1, s0  }
0xc3: {  	s0 =	sadd.s32 $0x8F2B, s0  }
0xc4: {  	[sflag:s0] =	ssyncadd.remote.s32 $0x1  }
0xc5: {  	_ =	sfence.sel $0xFFFF  }
0xc6: {  	[dreg:$0x0] =	wrdreg $0xFFFFFFFF;
	(pc) =	sbr.abs _section_cstart, $3  }
0xc7: {  	[dreg:$0x1] =	wrdreg $0xFFFFFFFF  }
0xc8: {  	_ =	task.clear_ibuf [dreg:s7], $0x2FFFF;
	_ =	strace $0x9FFFFFFF  }
0xc9: {  	(tm) =	ssettm $0x7FFFFFFF  }
tec
execute0_lowered:
.L_overlay_start_1:
0x0: {  	(tag) =	ssettag $0x1  }
0x1: {  	s2 =	rddreg [dreg:$0x0]  }
0x2: {  	s6 =	rddreg [dreg:$0x1];
	s0 =	srdreg.scid  }
0x3: {  	s3 =	rddreg [dreg:$0x2];
	s1 =	stileid.u32;
	s4 =	simm.s32 $0x0  }
0x4: {  	s14 =	simm.s32 $0x50;
	s15 =	simm.s32 $0x4E20;
	s16 =	simm.s32 $0x7620  }
0x5: {  	s17 =	simm.s32 $0x1;
	s18 =	simm.s32 $0x3;
	s19 =	simm.s32 $0xA0  }
0x6: {  	s20 =	simm.s32 $0x2;
	s21 =	simm.s32 $0x2760;
	s22 =	simm.s32 $0x4  }
0x7: {  	s23 =	simm.s32 $0x4DD0;
	s5 =	sand.u32 $0x1, s0;
	s0 =	rddreg [dreg:$0x3]  }
0x8: {  	s24 =	simm.s32 $0x0;
	s8 =	smul.u32 $0x13880, s1;
	[smem:$0x7FF] =	sst s4  }
0x9: {  	s12 =	sshll.u32 s1, $0x6;
	s7 =	sshll.u32 s5, $0x4;
	s9 =	smul.u32 $0x138800, s5  }
0xa: {  	_ =	strace $0x80000053;
	s10 =	ssub.s32 $0x2, s5;
	s5 =	sadd.s32 $0x16A00, s6  }
0xb: {  	s12 =	sor.u32 $0x1C05, s12;
	s7 =	sor.u32 s1, s7;
	s8 =	sand.u32 $0x1FFC00, s8  }
0xc: {  	s11 =	sshrl.u32 s10, $0x1;
	s7 =	smul.u32 $0x4E2, s7;
	s9 =	sadd.s32 s9, s8  }
0xd: {  	s10 =	ssub.s32 s10, s11;
	s13 =	sadd.s32 s8, s3;
	s11 =	simm.s32 $0x2710  }
0xe: {  	s9 =	sshrl.u32 s9, $0x3;
	s13 =	sshrl.u32 s13, $0x3;
	s7 =	sadd.s32 s7, s6  }
0xf: {  	s9 =	sadd.s32 s9, s6;
	s6 =	sadd.s32 $0x2E00, s7;
	s7 =	sadd.s32 $0xCC00, s7  }
0x10: {  	s8 =	sadd.s32 $0x19200, s9;
	s9 =	smax.u32 s10, $0x1;
	s10 =	simm.s32 $0x5  }
.LBB2_1:
0x11: {  	[tilespmem:s4], [sflag:$0x5] =	stream.linear.gather [hbm4b:s6+s4], $0x2710, $0x38;
	[tilespmem:$0x1D6A0] =	vst v63  }
0x12: {  	_ =	swait.ge [sflag:s10], $0x2710  }
0x13: {  	[sflag:s10] =	ssyncset.done $0x0  }
0x14: {  	[sflag:s10] =	ssyncadd.s32 $0xFFFFD8F0  }
0x15: {  	[tilespmem:s11], [sflag:$0x5] =	stream.linear.gather [hbm4b:s7+s4], $0x2710, $0x38;
	[tilespmem:$0x1D6A0] =	vst v63  }
0x16: {  	_ =	swait.ge [sflag:s10], $0x2710  }
0x17: {  	[sflag:s10] =	ssyncset.done $0x0  }
0x18: {  	[sflag:s10] =	ssyncadd.s32 $0xFFFFD8F0  }
0x19: {  	[spmem:s13], [sflag:s12] =	dma.local [hbm:s5], $0x2780  }
0x1a: {  	_ =	swait.ge [sflag:s10], $0x2780  }
0x1b: {  	[sflag:s10] =	ssyncset.done $0x0  }
0x1c: {  	[sflag:s10] =	ssyncadd.s32 $0xFFFFD880  }
0x1d: {  	[bflag:$0x0] =	sbarrier.arrive $0xFFFF  }
0x1e: {  	[tilespmem:s15], [sflag:$0x1] =	stream.indirect.gather [hbm4b:s2+s14], $0x80, s4, s14, $0xb8;
	[tilespmem:$0x1D6A0] =	vst v63  }
0x1f: {  	_ = 	snop  }
0x20: {  	[tilespmem:s16], [sflag:$0x2] =	stream.indirect.gather [hbm4b:s2+s14], $0x80, s14, s14, $0xb8;
	[tilespmem:$0x1D6A0] =	vst v63  }
0x21: {  	_ =	swait.ge [sflag:s17], $0x2800  }
0x22: {  	[sflag:s17] =	ssyncset.done $0x0  }
0x23: {  	[sflag:s17] =	ssyncadd.s32 $0xFFFFD800  }
0x24: {  	[spmem:s3] =	stream.indirect.scatter.add.f32 [tilespmem:s15], [sflag:$0x3], $0x80, s11, s14, $0xb8;
	[tilespmem:$0x1D6A0] =	vst v63  }
0x25: {  	_ =	swait.ge [sflag:s18], $0x2800  }
0x26: {  	[sflag:s18] =	ssyncset.done $0x0  }
0x27: {  	[sflag:s18] =	ssyncadd.s32 $0xFFFFD800  }
0x28: {  	[tilespmem:s15], [sflag:$0x1] =	stream.indirect.gather [hbm4b:s2+s14], $0x80, s19, s14, $0xb8;
	[tilespmem:$0x1D6A0] =	vst v63  }
0x29: {  	_ =	swait.ge [sflag:s20], $0x2800  }
0x2a: {  	[sflag:s20] =	ssyncset.done $0x0  }
0x2b: {  	[sflag:s20] =	ssyncadd.s32 $0xFFFFD800  }
0x2c: {  	[spmem:s3] =	stream.indirect.scatter.add.f32 [tilespmem:s16], [sflag:$0x4], $0x80, s21, s14, $0xb8;
	[tilespmem:$0x1D6A0] =	vst v63  }
0x2d: {  	_ =	swait.ge [sflag:s22], $0x2800  }
0x2e: {  	[sflag:s22] =	ssyncset.done $0x0  }
0x2f: {  	s25 =	simm.s32 $0xF0;
	[sflag:s22] =	ssyncadd.s32 $0xFFFFD800  }
0x30: {  	[tilespmem:s16], [sflag:$0x2] =	stream.indirect.gather [hbm4b:s2+s14], $0x80, s25, s14, $0xb8;
	[tilespmem:$0x1D6A0] =	vst v63  }
0x31: {  	_ =	swait.ge [sflag:s17], $0x2800  }
0x32: {  	[sflag:s17] =	ssyncset.done $0x0  }
0x33: {  	s30 =	simm.s32 $0x27B0;
	[sflag:s17] =	ssyncadd.s32 $0xFFFFD800  }
0x34: {  	[spmem:s3] =	stream.indirect.scatter.add.f32 [tilespmem:s15], [sflag:$0x3], $0x80, s30, s14, $0xb8;
	[tilespmem:$0x1D6A0] =	vst v63  }
0x35: {  	_ =	swait.ge [sflag:s18], $0x2800  }
0x36: {  	[sflag:s18] =	ssyncset.done $0x0  }
0x37: {  	s31 =	simm.s32 $0x140;
	[sflag:s18] =	ssyncadd.s32 $0xFFFFD800  }
0x38: {  	[tilespmem:s15], [sflag:$0x1] =	stream.indirect.gather [hbm4b:s2+s14], $0x80, s31, s14, $0xb8;
	[tilespmem:$0x1D6A0] =	vst v63  }
0x39: {  	_ =	swait.ge [sflag:s20], $0x2800  }
0x3a: {  	[sflag:s20] =	ssyncset.done $0x0  }
0x3b: {  	s26 =	simm.s32 $0x2800;
	s25 =	simm.s32 $0xFFFF6A00;
	[sflag:s20] =	ssyncadd.s32 $0xFFFFD800  }
.LBB2_2:
0x3c: {  	[spmem:s3] =	stream.indirect.scatter.add.f32 [tilespmem:s16], [sflag:$0x4], $0x80, s26, s14, $0xb8;
	[tilespmem:$0x1D6A0] =	vst v63  }
0x3d: {  	s26 =	smov.u32 s25  }
0x3e: {  	p0 =	sne.s32 s25, $0xFFFFFD80;
	s25 =	sadd.s32 $0x280, s25;
	_ =	swait.ge [sflag:s22], $0x2800  }
0x3f: {  	s26 =	sshra.s32 s26, $0x2;
	[sflag:s22] =	ssyncset.done $0x0  }
0x40: {  	s28 =	sadd.s32 $0x2710, s26;
	[sflag:s22] =	ssyncadd.s32 $0xFFFFD800  }
0x41: {  	[tilespmem:s16], [sflag:$0x2] =	stream.indirect.gather [hbm4b:s2+s14], $0x80, s28, s14, $0xb8;
	[tilespmem:$0x1D6A0] =	vst v63  }
0x42: {  	_ =	swait.ge [sflag:s17], $0x2800  }
0x43: {  	[sflag:s17] =	ssyncset.done $0x0  }
0x44: {  	s28 =	sadd.s32 $0x4DD0, s26;
	[sflag:s17] =	ssyncadd.s32 $0xFFFFD800  }
0x45: {  	[spmem:s3] =	stream.indirect.scatter.add.f32 [tilespmem:s15], [sflag:$0x3], $0x80, s28, s14, $0xb8;
	[tilespmem:$0x1D6A0] =	vst v63  }
0x46: {  	_ =	swait.ge [sflag:s18], $0x2800  }
0x47: {  	[sflag:s18] =	ssyncset.done $0x0  }
.Ltmp0:
0x48: {  	s28 =	sadd.s32 $0x2760, s26;
	[sflag:s18] =	ssyncadd.s32 $0xFFFFD800;
	(pc) =	sbr.rel @p0 .LBB2_2-.Ltmp0, $4  }
0x49: {  	[tilespmem:s15], [sflag:$0x1] =	stream.indirect.gather [hbm4b:s2+s14], $0x80, s28, s14, $0xb8;
	[tilespmem:$0x1D6A0] =	vst v63  }
0x4a: {  	_ =	swait.ge [sflag:s20], $0x2800  }
0x4b: {  	[sflag:s20] =	ssyncset.done $0x0  }
0x4c: {  	s26 =	sadd.s32 $0x4E20, s26;
	[sflag:s20] =	ssyncadd.s32 $0xFFFFD800  }
0x4d: {  	[spmem:s3] =	stream.indirect.scatter.add.f32 [tilespmem:s16], [sflag:$0x4], $0x80, s26, s14, $0xb8;
	[tilespmem:$0x1D6A0] =	vst v63  }
0x4e: {  	_ =	swait.ge [sflag:s17], $0x2800  }
0x4f: {  	[sflag:s17] =	ssyncset.done $0x0  }
0x50: {  	[sflag:s17] =	ssyncadd.s32 $0xFFFFD800  }
0x51: {  	_ =	swait.ge [sflag:s22], $0x2800  }
0x52: {  	[sflag:s22] =	ssyncset.done $0x0  }
0x53: {  	[sflag:s22] =	ssyncadd.s32 $0xFFFFD800  }
0x54: {  	[spmem:s3] =	stream.indirect.scatter.add.f32 [tilespmem:s15], [sflag:$0x5], $0x80, s23, s14, $0xb8;
	[tilespmem:$0x1D6A0] =	vst v63  }
0x55: {  	_ =	swait.ge [sflag:s10], $0x2800  }
0x56: {  	s24 =	sadd.s32 $0x1, s24;
	[sflag:s10] =	ssyncset.done $0x0  }
0x57: {  	p0 =	sne.s32 s24, s9;
	[sflag:s10] =	ssyncadd.s32 $0xFFFFD800  }
.Ltmp1:
0x58: {  	[bflag:$0x0] =	sbarrier.arrive $0xFFFF;
	(pc) =	sbr.rel @p0 .LBB2_1-.Ltmp1, $4  }
0x59: {  	[hbm:s8], [sflag:s12] =	dma.local [spmem:s13], $0x2780  }
0x5a: {  	_ =	swait.ge [sflag:s10], $0x2780  }
0x5b: {  	[sflag:s10] =	ssyncset.done $0x0  }
0x5c: {  	[sflag:s10] =	ssyncadd.s32 $0xFFFFD880  }
0x5d: {  	_ =	sfence.sel $0x180000  }
0x5e: {  	[bflag:$0x0] =	sbarrier.arrive $0xFFFF  }
0x5f: {  	p0 =	sne.s32 s1, $0x0;
	_ =	strace $0x90000053  }
0x60: {  	s0 =	sadd.s32 @!p0 $0x100000, s0;
	[bflag:$0x2] =	sbarrier.arrive $0xFFFF  }
0x61: {  	[sflag:s0] =	ssyncadd.tile.s32 @!p0 $0x1;
	_ =	shalt  }
.Lfunc_end2:
_tile_overlayer_lowered:
.L_overlay_start_2:
0x62: {  	(tag) =	ssettag $0x2  }
0x63: {  	s0 =	rddreg [dreg:$0x0];
	s2 =	stileid.u32  }
0x64: {  	s1 =	rddreg [dreg:$0x1];
	p0 =	sne.s32 s2, $0x0  }
0x65: {  	s3 =	rddreg [dreg:$0x2];
	[bflag:$0x3] =	sbarrier.arrive $0xFFFF;
	s2 =	simm.s32 @!p0 $0x1C05  }
0x66: {  	[timem:s3], [sflag:s2] =	dma.local @!p0 [hbm:s0], s1  }
0x67: {  	s0 =	simm.s32 @!p0 $0x5  }
0x68: {  	_ =	swait.ge @!p0 [sflag:s0], s1  }
0x69: {  	s1 =	ssub.s32 @!p0 $0x0, s1;
	[sflag:s0] =	ssyncset.done @!p0 $0x0  }
0x6a: {  	[sflag:s0] =	ssyncadd.s32 @!p0 s1  }
0x6b: {  	[bflag:$0x3] =	sbarrier.arrive $0xFFFF  }
0x6c: {  	_ =	shalt  }

</sc_bundles>
